<compile_context>
chip_gen: v7x
topology: tpu7x:2x2x1
jax: 0.10.2.dev20260603
libtpu: 0.0.44.dev20260713+nightly
codegen_flags: <defaults>
</compile_context>

<pallas_src>
import functools

import jax
import jax.numpy as jnp
from jax import lax
from jax.experimental import pallas as pl
from jax.experimental.pallas import tpu as pltpu
from jax.experimental.pallas import tpu_sc as plsc

KNN = 8
NPTS = 32768
NQ = 4096
FEAT = 32
HID = 256

QB = 128
CH = 128
NCHUNK = NPTS // CH
SLAB = 2048
NSLAB = NPTS // SLAB
CPS = SLAB // CH
BIGF = 3.0e38


def _chunk_body(qT_ref, pts_ref, cid_ref, m_ref, psq_ref):
    q2b = (qT_ref[...] * -2.0).astype(jnp.bfloat16)

    @pl.when(pl.program_id(0) == 0)
    def _fill_psq():
        def psq_step(s, carry):
            p = pts_ref[pl.ds(s * SLAB, SLAB), :]
            psq_ref[pl.ds(s * SLAB, SLAB), :] = jnp.sum(
                p * p, axis=1, keepdims=True)
            return carry
        lax.fori_loop(0, NSLAB, psq_step, 0)

    def slab_step(s, carry):
        p = pts_ref[pl.ds(s * SLAB, SLAB), :]
        qp2 = lax.dot_general(p.astype(jnp.bfloat16), q2b,
                              (((1,), (0,)), ((), ())),
                              preferred_element_type=jnp.float32)
        t = qp2 + psq_ref[pl.ds(s * SLAB, SLAB), :]
        m_ref[pl.ds(s * CPS, CPS), :] = jnp.min(
            t.reshape(CPS, CH, QB), axis=1)
        return carry

    lax.fori_loop(0, NSLAB, slab_step, 0)

    m = m_ref[...]
    rid = lax.broadcasted_iota(jnp.int32, (NCHUNK, QB), 0)
    cols = []
    for _ in range(KNN):
        mv = jnp.min(m, axis=0, keepdims=True)
        hit = m == mv
        cols.append(jnp.min(jnp.where(hit, rid, NCHUNK), axis=0,
                            keepdims=True))
        m = jnp.where(hit, BIGF, m)
    cid_ref[...] = jnp.concatenate(cols, axis=0)


def _chunk_topk(queries, neural_pts):
    return pl.pallas_call(
        _chunk_body,
        grid=(NQ // QB,),
        in_specs=[
            pl.BlockSpec((3, QB), lambda i: (0, i)),
            pl.BlockSpec((NPTS, 3), lambda i: (0, 0)),
        ],
        out_specs=pl.BlockSpec((KNN, QB), lambda i: (0, i)),
        out_shape=jax.ShapeDtypeStruct((KNN, NQ), jnp.int32),
        scratch_shapes=[pltpu.VMEM((NCHUNK, QB), jnp.float32),
                        pltpu.VMEM((NPTS, 1), jnp.float32)],
        compiler_params=pltpu.CompilerParams(
            dimension_semantics=("arbitrary",),
            vmem_limit_bytes=100 * 1024 * 1024,
        ),
    )(queries.T, neural_pts)


CAND_D = 3 * CH
QB3 = 128


def _refine_body(q_ref, cids_ref, cand_ref, idx_ref):
    qx = q_ref[:, 0:1]
    qy = q_ref[:, 1:2]
    qz = q_ref[:, 2:3]
    qsq = (qx * qx + qy * qy) + qz * qz
    qbx = qx.astype(jnp.bfloat16).astype(jnp.float32)
    qby = qy.astype(jnp.bfloat16).astype(jnp.float32)
    qbz = qz.astype(jnp.bfloat16).astype(jnp.float32)
    lane = lax.broadcasted_iota(jnp.int32, (QB3, CH), 1)
    d2s, gs = [], []
    for j in range(KNN):
        base = j * CAND_D
        x = cand_ref[:, base:base + CH]
        y = cand_ref[:, base + CH:base + 2 * CH]
        z = cand_ref[:, base + 2 * CH:base + 3 * CH]
        gs.append(cids_ref[:, j:j + 1] * CH + lane)
        qp = (qbx * x.astype(jnp.bfloat16).astype(jnp.float32)
              + qby * y.astype(jnp.bfloat16).astype(jnp.float32)) \
            + qbz * z.astype(jnp.bfloat16).astype(jnp.float32)
        psq = (x * x + y * y) + z * z
        d2s.append((qsq - 2.0 * qp) + psq)
    d2 = jnp.concatenate(d2s, axis=1)
    gid = jnp.concatenate(gs, axis=1)
    cols = []
    for _ in range(KNN):
        mv = jnp.min(d2, axis=1, keepdims=True)
        hit = d2 == mv
        cols.append(jnp.min(jnp.where(hit, gid, NPTS), axis=1,
                            keepdims=True))
        d2 = jnp.where(hit, BIGF, d2)
    idx_ref[...] = jnp.concatenate(cols, axis=1)


def _refine_topk(queries, cids2d, cand_merged):
    return pl.pallas_call(
        _refine_body,
        grid=(NQ // QB3,),
        in_specs=[
            pl.BlockSpec((QB3, 3), lambda i: (i, 0)),
            pl.BlockSpec((QB3, KNN), lambda i: (i, 0)),
            pl.BlockSpec((QB3, KNN * CAND_D), lambda i: (i, 0)),
        ],
        out_specs=pl.BlockSpec((QB3, KNN), lambda i: (i, 0)),
        out_shape=jax.ShapeDtypeStruct((NQ, KNN), jnp.int32),
        compiler_params=pltpu.CompilerParams(
            dimension_semantics=("arbitrary",),
            vmem_limit_bytes=100 * 1024 * 1024,
        ),
    )(queries, cids2d, cand_merged)


ROWD = 128
NIDX = NQ * KNN
GCH = 512


def _sc_gather(table, idx_flat, rowd, gch):
    info = plsc.get_sparse_core_info()
    nw = info.num_cores * info.num_subcores
    bpw = NIDX // nw
    mesh = plsc.VectorSubcoreMesh(core_axis_name="c", subcore_axis_name="s")

    @functools.partial(
        pl.kernel, mesh=mesh,
        out_type=jax.ShapeDtypeStruct((NIDX, rowd), jnp.float32),
        scratch_types=[
            pltpu.VMEM((gch,), jnp.int32),
            pltpu.VMEM((gch, rowd), jnp.float32),
            pltpu.SemaphoreType.DMA,
        ],
    )
    def k(table_hbm, idx_hbm, out_hbm, idx_v, rows_v, sem):
        wid = lax.axis_index("s") * info.num_cores + lax.axis_index("c")
        for c in range(bpw // gch):
            base = wid * bpw + c * gch
            pltpu.sync_copy(idx_hbm.at[pl.ds(base, gch)], idx_v)
            pltpu.async_copy(table_hbm.at[idx_v], rows_v, sem).wait()
            pltpu.sync_copy(rows_v, out_hbm.at[pl.ds(base, gch)])

    return k(table, idx_flat)


QB2 = 512
RB = QB2 * KNN


def _lrelu(x):
    return jnp.where(x >= 0, x, 0.01 * x)


def _mlp_body(qrep_ref, rows_ref, w0_ref, b0_ref, w1_ref, b1_ref,
              w2_ref, b2_ref, w3_ref, b3_ref, wt_ref, bt_ref, out_ref):
    rows = rows_ref[...]
    pos = rows[:, 0:3]
    feat = rows[:, 3:3 + FEAT]
    x = qrep_ref[...] - pos
    s1 = jnp.sin(x)
    c1 = jnp.cos(x)
    s2 = 2.0 * s1 * c1
    c2 = 1.0 - 2.0 * s1 * s1
    s4 = 2.0 * s2 * c2
    c4 = 1.0 - 2.0 * s2 * s2
    s8 = 2.0 * s4 * c4
    c8 = 1.0 - 2.0 * s4 * s4
    pieces = [x, s1, c1, s2, c2, s4, c4, s8, c8, feat]
    pieces.append(jnp.zeros((RB, 5), jnp.float32))
    h = jnp.concatenate(pieces, axis=1)
    h = _lrelu(jnp.dot(h, w0_ref[...], preferred_element_type=jnp.float32)
               + b0_ref[...])
    h = _lrelu(jnp.dot(h, w1_ref[...], preferred_element_type=jnp.float32)
               + b1_ref[...])
    h = _lrelu(jnp.dot(h, w2_ref[...], preferred_element_type=jnp.float32)
               + b2_ref[...])
    h = jnp.dot(h, w3_ref[...], preferred_element_type=jnp.float32) + b3_ref[...]
    sdf = jnp.dot(h, wt_ref[...], preferred_element_type=jnp.float32) + bt_ref[...]
    d2 = jnp.sum(x * x, axis=1, keepdims=True)
    dist = jnp.maximum(jnp.sqrt(d2), 1e-12)
    w = 1.0 / dist
    rowq = lax.broadcasted_iota(jnp.int32, (QB2, RB), 1) // KNN
    qid = lax.broadcasted_iota(jnp.int32, (QB2, RB), 0)
    g = jnp.where(rowq == qid, 1.0, 0.0)
    pair = jnp.concatenate([w * sdf, w], axis=1)
    agg = jnp.dot(g, pair, preferred_element_type=jnp.float32)
    out_ref[...] = agg[:, 0:1] / agg[:, 1:2]


def _mlp(qrep, rows, w0p, b0, w1, b1, w2, b2, w3, b3, wt, bt):
    grid = (NQ // QB2,)
    wspec = lambda shape: pl.BlockSpec(shape, lambda i: tuple(0 for _ in shape))
    return pl.pallas_call(
        _mlp_body,
        grid=grid,
        in_specs=[
            pl.BlockSpec((RB, 3), lambda i: (i, 0)),
            pl.BlockSpec((RB, ROWD), lambda i: (i, 0)),
            wspec((64, HID)), wspec((HID,)),
            wspec((HID, HID)), wspec((HID,)),
            wspec((HID, HID)), wspec((HID,)),
            wspec((HID, HID)), wspec((HID,)),
            wspec((HID, 1)), wspec((1,)),
        ],
        out_specs=pl.BlockSpec((QB2, 1), lambda i: (i, 0)),
        out_shape=jax.ShapeDtypeStruct((NQ, 1), jnp.float32),
        compiler_params=pltpu.CompilerParams(
            dimension_semantics=("arbitrary",),
            vmem_limit_bytes=100 * 1024 * 1024,
        ),
    )(qrep, rows, w0p, b0, w1, b1, w2, b2, w3, b3, wt, bt)


def kernel(queries, neural_pts, neural_feats, WF0, bF0, WF1, bF1,
           WF2, bF2, WF3, bF3, WT, bT):
    qrep = jnp.repeat(queries, KNN, axis=0)
    cids2d = _chunk_topk(queries, neural_pts).T
    chunk_tab = neural_pts.reshape(NCHUNK, CH, 3).transpose(0, 2, 1).reshape(
        NCHUNK, 3 * CH)
    cand = _sc_gather(chunk_tab, cids2d.reshape(NIDX), CAND_D, 128)
    idx = _refine_topk(queries, cids2d, cand.reshape(NQ, KNN * CAND_D))
    table = jnp.concatenate(
        [neural_pts, neural_feats.astype(jnp.float32),
         jnp.zeros((NPTS, ROWD - 3 - FEAT), jnp.float32)], axis=1)
    rows = _sc_gather(table, idx.reshape(NIDX), ROWD, GCH)
    w0p = jnp.pad(WF0, ((0, 64 - WF0.shape[0]), (0, 0)))
    return _mlp(qrep, rows, w0p, bF0, WF1, bF1, WF2, bF2, WF3, bF3, WT, bT)

# --- scband reference (transcript-rebuilt; emitter-appended) ---
"""Pipeline reference for scband-point-vol-sdf-3822520893985 (READ-ONLY COPY).

The authoritative reference and input builder live on the scoring server;
editing this copy changes nothing except your own understanding.
"""

import jax, jax.numpy as jnp
import numpy as np

K_NEIGHBORS = 8
MULTIRES = 4
FEAT_DIM = 32
HIDDEN = 256
N_POINTS = 32768
N_QUERIES = 4096


def positional_encoding(x, multires=MULTIRES):
    # matches get_embedder(multires=4, input_dims=3): identity + sin/cos at 2^i freqs
    outs = [x]
    for i in range(multires):
        freq = 2.0 ** i
        outs.append(jnp.sin(x * freq))
        outs.append(jnp.cos(x * freq))
    return jnp.concatenate(outs, axis=-1)


def _lin(k, fi, fo):
    w = jax.random.normal(k, (fi, fo), dtype=jnp.float32) * (1.0 / np.sqrt(fi))
    b = jnp.zeros((fo,), dtype=jnp.float32)
    return w, b


def setup_inputs(seed: int = 0):
    key = jax.random.key(seed)
    ks = jax.random.split(key, 10)
    queries = jax.random.normal(ks[0], (N_QUERIES, 3), dtype=jnp.float32)
    neural_pts = jax.random.normal(ks[1], (N_POINTS, 3), dtype=jnp.float32)
    neural_feats = jax.random.uniform(ks[2], (N_POINTS, FEAT_DIM), minval=-1e-4, maxval=1e-4, dtype=jnp.float32)
    pe_dim = 3 + 3 * 2 * MULTIRES  # 27
    in_dim = pe_dim + FEAT_DIM  # 59
    WF0, bF0 = _lin(ks[3], in_dim, HIDDEN)
    WF1, bF1 = _lin(ks[4], HIDDEN, HIDDEN)
    WF2, bF2 = _lin(ks[5], HIDDEN, HIDDEN)
    WF3, bF3 = _lin(ks[6], HIDDEN, HIDDEN)
    WT, bT = _lin(ks[7], HIDDEN, 1)
    return {"queries": queries, "neural_pts": neural_pts, "neural_feats": neural_feats,
            "WF0": WF0, "bF0": bF0, "WF1": WF1, "bF1": bF1, "WF2": WF2, "bF2": bF2,
            "WF3": WF3, "bF3": bF3, "WT": WT, "bT": bT}


def reference(queries, neural_pts, neural_feats, WF0, bF0, WF1, bF1, WF2, bF2, WF3, bF3, WT, bT):
    # --- kNN retrieval (brute force, like voxel-grid query over neural points) ---
    q_sq = jnp.sum(queries * queries, axis=1, keepdims=True)          # [Q,1]
    p_sq = jnp.sum(neural_pts * neural_pts, axis=1)[None, :]          # [1,K]
    d2 = q_sq - 2.0 * (queries @ neural_pts.T) + p_sq                 # [Q,K]
    _, idx = jax.lax.top_k(-d2, K_NEIGHBORS)                          # [Q,k]
    kp_pos = jnp.take(neural_pts, idx, axis=0)                        # [Q,k,3]
    kp_feat = jnp.take(neural_feats, idx, axis=0)                     # [Q,k,F]
    # --- relative vectors & inverse-distance interpolation weights ---
    x_pi = queries[:, None, :] - kp_pos                               # [Q,k,3]
    dist = jnp.maximum(jnp.linalg.norm(x_pi, axis=-1), 1e-12)         # [Q,k]
    intrp_weights = 1.0 / dist                                        # [Q,k]
    norm = jnp.sum(intrp_weights, axis=-1)                            # [Q] (index_add over self.idx)
    # --- per-neighbor SDF MLP (F then T) ---
    pe = positional_encoding(x_pi)                                    # [Q,k,27]
    h = jnp.concatenate([pe, kp_feat], axis=-1)                       # [Q,k,59]
    def lrelu(x):
        return jnp.where(x >= 0, x, 0.01 * x)
    h = lrelu(h @ WF0 + bF0)
    h = lrelu(h @ WF1 + bF1)
    h = lrelu(h @ WF2 + bF2)
    h = h @ WF3 + bF3                                                 # feat [Q,k,256]
    sdf = h @ WT + bT                                                 # [Q,k,1]
    # --- weighted aggregation (index_add then divide by norm) ---
    weighted_sdf = intrp_weights[..., None] * sdf                     # [Q,k,1]
    agg_sdf = jnp.sum(weighted_sdf, axis=1) / norm[:, None]           # [Q,1]
    return agg_sdf

if __name__ == "__main__":
    import jax
    _d = setup_inputs()
    print(jax.jit(kernel)(*tuple(_d.values())))

</pallas_src>

<mosaic_0001>
#map = affine_map<(d0, d1) -> (0, 0)>
#map1 = affine_map<(d0, d1) -> (0)>
module attributes {stable_mosaic.version = 14 : i64} {
  func.func @k(%arg0: i32, %arg1: i32, %arg2: memref<256x384xf32, #tpu.memory_space<hbm>>, %arg3: memref<32768xi32, #tpu.memory_space<hbm>>, %arg4: memref<32768x384xf32, #tpu.memory_space<hbm>>, %arg5: memref<128xi32, #tpu.memory_space<vmem>>, %arg6: memref<128x384xf32, #tpu.memory_space<vmem>>, %arg7: memref<!tpu.dma_semaphore, #tpu.memory_space<semaphore_mem>>) attributes {dimension_semantics = [#tpu.dimension_semantics<core_parallel>, #tpu.dimension_semantics<subcore_parallel>], iteration_bounds = array<i64: 2, 16>, scalar_prefetch = 0 : i64, scratch_operands = 3 : i64, tpu.core_type = #tpu.core_type<sc_vector_subcore>, window_params = [{transform_indices = #map}, {transform_indices = #map1}, {transform_indices = #map}]} {
    %mul3A = arith.constant 2 : i32
    %mul3A_0 = arith.muli %arg1, %mul3A : i32
    %add3A = arith.addi %mul3A_0, %arg0 : i32
    %mul3A_1 = arith.constant 1024 : i32
    %mul3A_2 = arith.muli %add3A, %mul3A_1 : i32
    %add3A_3 = arith.constant 0 : i32
    %add3A_4 = arith.addi %mul3A_2, %add3A_3 : i32
    "tpu.region"() ({
      %run_scoped3A = tpu.sem_alloc : memref<!tpu.dma_semaphore, #tpu.memory_space<semaphore_mem>>
      %dma_start3A_79 = tpu.memref_slice %arg3[%add3A_4] : memref<32768xi32, #tpu.memory_space<hbm>> -> memref<128xi32, #tpu.memory_space<hbm>>
      %dma_start3A_80 = tpu.memref_slice %arg3[%add3A_4] : memref<32768xi32, #tpu.memory_space<hbm>> -> memref<128xi32, #tpu.memory_space<hbm>>
      tpu.enqueue_dma source(%dma_start3A_80 : memref<128xi32, #tpu.memory_space<hbm>>) target(%arg5 : memref<128xi32, #tpu.memory_space<vmem>>) target_semaphore(%run_scoped3A : memref<!tpu.dma_semaphore, #tpu.memory_space<semaphore_mem>>)
      %dma_wait3A_81 = tpu.memref_slice %arg3[%add3A_4] : memref<32768xi32, #tpu.memory_space<hbm>> -> memref<128xi32, #tpu.memory_space<hbm>>
      %dma_wait3A_82 = tpu.memref_slice %arg3[%add3A_4] : memref<32768xi32, #tpu.memory_space<hbm>> -> memref<128xi32, #tpu.memory_space<hbm>>
      tpu.wait_dma2 semaphore(%run_scoped3A : memref<!tpu.dma_semaphore, #tpu.memory_space<semaphore_mem>>) src(%dma_wait3A_82 : memref<128xi32, #tpu.memory_space<hbm>>) dst(%arg5 : memref<128xi32, #tpu.memory_space<vmem>>)
      tpu.yield
    }) : () -> ()
    %dma_start3A = arith.constant 0 : i32
    %dma_start3A_5 = arith.constant 0 : i32
    %dma_start3A_6 = tpu.memref_slice %arg2[%dma_start3A, %dma_start3A_5] : memref<256x384xf32, #tpu.memory_space<hbm>> -> memref<256x384xf32, #tpu.memory_space<hbm>>
    tpu.enqueue_indirect_dma source(%dma_start3A_6 : memref<256x384xf32, #tpu.memory_space<hbm>>) target(%arg6 : memref<128x384xf32, #tpu.memory_space<vmem>>) offsets(%arg5 : memref<128xi32, #tpu.memory_space<vmem>>) semaphore(%arg7 : memref<!tpu.dma_semaphore, #tpu.memory_space<semaphore_mem>>)
    %dma_wait3A = arith.constant 0 : i32
    %dma_wait3A_7 = arith.constant 0 : i32
    %dma_wait3A_8 = tpu.memref_slice %arg2[%dma_wait3A, %dma_wait3A_7] : memref<256x384xf32, #tpu.memory_space<hbm>> -> memref<256x384xf32, #tpu.memory_space<hbm>>
    tpu.wait_indirect_dma semaphore(%arg7 : memref<!tpu.dma_semaphore, #tpu.memory_space<semaphore_mem>>) src(%dma_wait3A_8 : memref<256x384xf32, #tpu.memory_space<hbm>>) dst(%arg6 : memref<128x384xf32, #tpu.memory_space<vmem>>)
    "tpu.region"() ({
      %run_scoped3A = tpu.sem_alloc : memref<!tpu.dma_semaphore, #tpu.memory_space<semaphore_mem>>
      %dma_start3A_79 = arith.constant 0 : i32
      %dma_start3A_80 = tpu.memref_slice %arg4[%add3A_4, %dma_start3A_79] : memref<32768x384xf32, #tpu.memory_space<hbm>> -> memref<128x384xf32, #tpu.memory_space<hbm>>
      %dma_start3A_81 = arith.constant 0 : i32
      %dma_start3A_82 = tpu.memref_slice %arg4[%add3A_4, %dma_start3A_81] : memref<32768x384xf32, #tpu.memory_space<hbm>> -> memref<128x384xf32, #tpu.memory_space<hbm>>
      tpu.enqueue_dma source(%arg6 : memref<128x384xf32, #tpu.memory_space<vmem>>) target(%dma_start3A_82 : memref<128x384xf32, #tpu.memory_space<hbm>>) target_semaphore(%run_scoped3A : memref<!tpu.dma_semaphore, #tpu.memory_space<semaphore_mem>>)
      %dma_wait3A_83 = arith.constant 0 : i32
      %dma_wait3A_84 = tpu.memref_slice %arg4[%add3A_4, %dma_wait3A_83] : memref<32768x384xf32, #tpu.memory_space<hbm>> -> memref<128x384xf32, #tpu.memory_space<hbm>>
      %dma_wait3A_85 = arith.constant 0 : i32
      %dma_wait3A_86 = tpu.memref_slice %arg4[%add3A_4, %dma_wait3A_85] : memref<32768x384xf32, #tpu.memory_space<hbm>> -> memref<128x384xf32, #tpu.memory_space<hbm>>
      tpu.wait_dma2 semaphore(%run_scoped3A : memref<!tpu.dma_semaphore, #tpu.memory_space<semaphore_mem>>) src(%arg6 : memref<128x384xf32, #tpu.memory_space<vmem>>) dst(%dma_wait3A_86 : memref<128x384xf32, #tpu.memory_space<hbm>>)
      tpu.yield
    }) : () -> ()
    %mul3A_9 = arith.constant 1024 : i32
    %mul3A_10 = arith.muli %add3A, %mul3A_9 : i32
    %add3A_11 = arith.constant 128 : i32
    %add3A_12 = arith.addi %mul3A_10, %add3A_11 : i32
    "tpu.region"() ({
      %run_scoped3A = tpu.sem_alloc : memref<!tpu.dma_semaphore, #tpu.memory_space<semaphore_mem>>
      %dma_start3A_79 = tpu.memref_slice %arg3[%add3A_12] : memref<32768xi32, #tpu.memory_space<hbm>> -> memref<128xi32, #tpu.memory_space<hbm>>
      %dma_start3A_80 = tpu.memref_slice %arg3[%add3A_12] : memref<32768xi32, #tpu.memory_space<hbm>> -> memref<128xi32, #tpu.memory_space<hbm>>
      tpu.enqueue_dma source(%dma_start3A_80 : memref<128xi32, #tpu.memory_space<hbm>>) target(%arg5 : memref<128xi32, #tpu.memory_space<vmem>>) target_semaphore(%run_scoped3A : memref<!tpu.dma_semaphore, #tpu.memory_space<semaphore_mem>>)
      %dma_wait3A_81 = tpu.memref_slice %arg3[%add3A_12] : memref<32768xi32, #tpu.memory_space<hbm>> -> memref<128xi32, #tpu.memory_space<hbm>>
      %dma_wait3A_82 = tpu.memref_slice %arg3[%add3A_12] : memref<32768xi32, #tpu.memory_space<hbm>> -> memref<128xi32, #tpu.memory_space<hbm>>
      tpu.wait_dma2 semaphore(%run_scoped3A : memref<!tpu.dma_semaphore, #tpu.memory_space<semaphore_mem>>) src(%dma_wait3A_82 : memref<128xi32, #tpu.memory_space<hbm>>) dst(%arg5 : memref<128xi32, #tpu.memory_space<vmem>>)
      tpu.yield
    }) : () -> ()
    %dma_start3A_13 = arith.constant 0 : i32
    %dma_start3A_14 = arith.constant 0 : i32
    %dma_start3A_15 = tpu.memref_slice %arg2[%dma_start3A_13, %dma_start3A_14] : memref<256x384xf32, #tpu.memory_space<hbm>> -> memref<256x384xf32, #tpu.memory_space<hbm>>
    tpu.enqueue_indirect_dma source(%dma_start3A_15 : memref<256x384xf32, #tpu.memory_space<hbm>>) target(%arg6 : memref<128x384xf32, #tpu.memory_space<vmem>>) offsets(%arg5 : memref<128xi32, #tpu.memory_space<vmem>>) semaphore(%arg7 : memref<!tpu.dma_semaphore, #tpu.memory_space<semaphore_mem>>)
    %dma_wait3A_16 = arith.constant 0 : i32
    %dma_wait3A_17 = arith.constant 0 : i32
    %dma_wait3A_18 = tpu.memref_slice %arg2[%dma_wait3A_16, %dma_wait3A_17] : memref<256x384xf32, #tpu.memory_space<hbm>> -> memref<256x384xf32, #tpu.memory_space<hbm>>
    tpu.wait_indirect_dma semaphore(%arg7 : memref<!tpu.dma_semaphore, #tpu.memory_space<semaphore_mem>>) src(%dma_wait3A_18 : memref<256x384xf32, #tpu.memory_space<hbm>>) dst(%arg6 : memref<128x384xf32, #tpu.memory_space<vmem>>)
    "tpu.region"() ({
      %run_scoped3A = tpu.sem_alloc : memref<!tpu.dma_semaphore, #tpu.memory_space<semaphore_mem>>
      %dma_start3A_79 = arith.constant 0 : i32
      %dma_start3A_80 = tpu.memref_slice %arg4[%add3A_12, %dma_start3A_79] : memref<32768x384xf32, #tpu.memory_space<hbm>> -> memref<128x384xf32, #tpu.memory_space<hbm>>
      %dma_start3A_81 = arith.constant 0 : i32
      %dma_start3A_82 = tpu.memref_slice %arg4[%add3A_12, %dma_start3A_81] : memref<32768x384xf32, #tpu.memory_space<hbm>> -> memref<128x384xf32, #tpu.memory_space<hbm>>
      tpu.enqueue_dma source(%arg6 : memref<128x384xf32, #tpu.memory_space<vmem>>) target(%dma_start3A_82 : memref<128x384xf32, #tpu.memory_space<hbm>>) target_semaphore(%run_scoped3A : memref<!tpu.dma_semaphore, #tpu.memory_space<semaphore_mem>>)
      %dma_wait3A_83 = arith.constant 0 : i32
      %dma_wait3A_84 = tpu.memref_slice %arg4[%add3A_12, %dma_wait3A_83] : memref<32768x384xf32, #tpu.memory_space<hbm>> -> memref<128x384xf32, #tpu.memory_space<hbm>>
      %dma_wait3A_85 = arith.constant 0 : i32
      %dma_wait3A_86 = tpu.memref_slice %arg4[%add3A_12, %dma_wait3A_85] : memref<32768x384xf32, #tpu.memory_space<hbm>> -> memref<128x384xf32, #tpu.memory_space<hbm>>
      tpu.wait_dma2 semaphore(%run_scoped3A : memref<!tpu.dma_semaphore, #tpu.memory_space<semaphore_mem>>) src(%arg6 : memref<128x384xf32, #tpu.memory_space<vmem>>) dst(%dma_wait3A_86 : memref<128x384xf32, #tpu.memory_space<hbm>>)
      tpu.yield
    }) : () -> ()
    %mul3A_19 = arith.constant 1024 : i32
    %mul3A_20 = arith.muli %add3A, %mul3A_19 : i32
    %add3A_21 = arith.constant 256 : i32
    %add3A_22 = arith.addi %mul3A_20, %add3A_21 : i32
    "tpu.region"() ({
      %run_scoped3A = tpu.sem_alloc : memref<!tpu.dma_semaphore, #tpu.memory_space<semaphore_mem>>
      %dma_start3A_79 = tpu.memref_slice %arg3[%add3A_22] : memref<32768xi32, #tpu.memory_space<hbm>> -> memref<128xi32, #tpu.memory_space<hbm>>
      %dma_start3A_80 = tpu.memref_slice %arg3[%add3A_22] : memref<32768xi32, #tpu.memory_space<hbm>> -> memref<128xi32, #tpu.memory_space<hbm>>
      tpu.enqueue_dma source(%dma_start3A_80 : memref<128xi32, #tpu.memory_space<hbm>>) target(%arg5 : memref<128xi32, #tpu.memory_space<vmem>>) target_semaphore(%run_scoped3A : memref<!tpu.dma_semaphore, #tpu.memory_space<semaphore_mem>>)
      %dma_wait3A_81 = tpu.memref_slice %arg3[%add3A_22] : memref<32768xi32, #tpu.memory_space<hbm>> -> memref<128xi32, #tpu.memory_space<hbm>>
      %dma_wait3A_82 = tpu.memref_slice %arg3[%add3A_22] : memref<32768xi32, #tpu.memory_space<hbm>> -> memref<128xi32, #tpu.memory_space<hbm>>
      tpu.wait_dma2 semaphore(%run_scoped3A : memref<!tpu.dma_semaphore, #tpu.memory_space<semaphore_mem>>) src(%dma_wait3A_82 : memref<128xi32, #tpu.memory_space<hbm>>) dst(%arg5 : memref<128xi32, #tpu.memory_space<vmem>>)
      tpu.yield
    }) : () -> ()
    %dma_start3A_23 = arith.constant 0 : i32
    %dma_start3A_24 = arith.constant 0 : i32
    %dma_start3A_25 = tpu.memref_slice %arg2[%dma_start3A_23, %dma_start3A_24] : memref<256x384xf32, #tpu.memory_space<hbm>> -> memref<256x384xf32, #tpu.memory_space<hbm>>
    tpu.enqueue_indirect_dma source(%dma_start3A_25 : memref<256x384xf32, #tpu.memory_space<hbm>>) target(%arg6 : memref<128x384xf32, #tpu.memory_space<vmem>>) offsets(%arg5 : memref<128xi32, #tpu.memory_space<vmem>>) semaphore(%arg7 : memref<!tpu.dma_semaphore, #tpu.memory_space<semaphore_mem>>)
    %dma_wait3A_26 = arith.constant 0 : i32
    %dma_wait3A_27 = arith.constant 0 : i32
    %dma_wait3A_28 = tpu.memref_slice %arg2[%dma_wait3A_26, %dma_wait3A_27] : memref<256x384xf32, #tpu.memory_space<hbm>> -> memref<256x384xf32, #tpu.memory_space<hbm>>
    tpu.wait_indirect_dma semaphore(%arg7 : memref<!tpu.dma_semaphore, #tpu.memory_space<semaphore_mem>>) src(%dma_wait3A_28 : memref<256x384xf32, #tpu.memory_space<hbm>>) dst(%arg6 : memref<128x384xf32, #tpu.memory_space<vmem>>)
    "tpu.region"() ({
      %run_scoped3A = tpu.sem_alloc : memref<!tpu.dma_semaphore, #tpu.memory_space<semaphore_mem>>
      %dma_start3A_79 = arith.constant 0 : i32
      %dma_start3A_80 = tpu.memref_slice %arg4[%add3A_22, %dma_start3A_79] : memref<32768x384xf32, #tpu.memory_space<hbm>> -> memref<128x384xf32, #tpu.memory_space<hbm>>
      %dma_start3A_81 = arith.constant 0 : i32
      %dma_start3A_82 = tpu.memref_slice %arg4[%add3A_22, %dma_start3A_81] : memref<32768x384xf32, #tpu.memory_space<hbm>> -> memref<128x384xf32, #tpu.memory_space<hbm>>
      tpu.enqueue_dma source(%arg6 : memref<128x384xf32, #tpu.memory_space<vmem>>) target(%dma_start3A_82 : memref<128x384xf32, #tpu.memory_space<hbm>>) target_semaphore(%run_scoped3A : memref<!tpu.dma_semaphore, #tpu.memory_space<semaphore_mem>>)
      %dma_wait3A_83 = arith.constant 0 : i32
      %dma_wait3A_84 = tpu.memref_slice %arg4[%add3A_22, %dma_wait3A_83] : memref<32768x384xf32, #tpu.memory_space<hbm>> -> memref<128x384xf32, #tpu.memory_space<hbm>>
      %dma_wait3A_85 = arith.constant 0 : i32
      %dma_wait3A_86 = tpu.memref_slice %arg4[%add3A_22, %dma_wait3A_85] : memref<32768x384xf32, #tpu.memory_space<hbm>> -> memref<128x384xf32, #tpu.memory_space<hbm>>
      tpu.wait_dma2 semaphore(%run_scoped3A : memref<!tpu.dma_semaphore, #tpu.memory_space<semaphore_mem>>) src(%arg6 : memref<128x384xf32, #tpu.memory_space<vmem>>) dst(%dma_wait3A_86 : memref<128x384xf32, #tpu.memory_space<hbm>>)
      tpu.yield
    }) : () -> ()
    %mul3A_29 = arith.constant 1024 : i32
    %mul3A_30 = arith.muli %add3A, %mul3A_29 : i32
    %add3A_31 = arith.constant 384 : i32
    %add3A_32 = arith.addi %mul3A_30, %add3A_31 : i32
    "tpu.region"() ({
      %run_scoped3A = tpu.sem_alloc : memref<!tpu.dma_semaphore, #tpu.memory_space<semaphore_mem>>
      %dma_start3A_79 = tpu.memref_slice %arg3[%add3A_32] : memref<32768xi32, #tpu.memory_space<hbm>> -> memref<128xi32, #tpu.memory_space<hbm>>
      %dma_start3A_80 = tpu.memref_slice %arg3[%add3A_32] : memref<32768xi32, #tpu.memory_space<hbm>> -> memref<128xi32, #tpu.memory_space<hbm>>
      tpu.enqueue_dma source(%dma_start3A_80 : memref<128xi32, #tpu.memory_space<hbm>>) target(%arg5 : memref<128xi32, #tpu.memory_space<vmem>>) target_semaphore(%run_scoped3A : memref<!tpu.dma_semaphore, #tpu.memory_space<semaphore_mem>>)
      %dma_wait3A_81 = tpu.memref_slice %arg3[%add3A_32] : memref<32768xi32, #tpu.memory_space<hbm>> -> memref<128xi32, #tpu.memory_space<hbm>>
      %dma_wait3A_82 = tpu.memref_slice %arg3[%add3A_32] : memref<32768xi32, #tpu.memory_space<hbm>> -> memref<128xi32, #tpu.memory_space<hbm>>
      tpu.wait_dma2 semaphore(%run_scoped3A : memref<!tpu.dma_semaphore, #tpu.memory_space<semaphore_mem>>) src(%dma_wait3A_82 : memref<128xi32, #tpu.memory_space<hbm>>) dst(%arg5 : memref<128xi32, #tpu.memory_space<vmem>>)
      tpu.yield
    }) : () -> ()
    %dma_start3A_33 = arith.constant 0 : i32
    %dma_start3A_34 = arith.constant 0 : i32
    %dma_start3A_35 = tpu.memref_slice %arg2[%dma_start3A_33, %dma_start3A_34] : memref<256x384xf32, #tpu.memory_space<hbm>> -> memref<256x384xf32, #tpu.memory_space<hbm>>
    tpu.enqueue_indirect_dma source(%dma_start3A_35 : memref<256x384xf32, #tpu.memory_space<hbm>>) target(%arg6 : memref<128x384xf32, #tpu.memory_space<vmem>>) offsets(%arg5 : memref<128xi32, #tpu.memory_space<vmem>>) semaphore(%arg7 : memref<!tpu.dma_semaphore, #tpu.memory_space<semaphore_mem>>)
    %dma_wait3A_36 = arith.constant 0 : i32
    %dma_wait3A_37 = arith.constant 0 : i32
    %dma_wait3A_38 = tpu.memref_slice %arg2[%dma_wait3A_36, %dma_wait3A_37] : memref<256x384xf32, #tpu.memory_space<hbm>> -> memref<256x384xf32, #tpu.memory_space<hbm>>
    tpu.wait_indirect_dma semaphore(%arg7 : memref<!tpu.dma_semaphore, #tpu.memory_space<semaphore_mem>>) src(%dma_wait3A_38 : memref<256x384xf32, #tpu.memory_space<hbm>>) dst(%arg6 : memref<128x384xf32, #tpu.memory_space<vmem>>)
    "tpu.region"() ({
      %run_scoped3A = tpu.sem_alloc : memref<!tpu.dma_semaphore, #tpu.memory_space<semaphore_mem>>
      %dma_start3A_79 = arith.constant 0 : i32
      %dma_start3A_80 = tpu.memref_slice %arg4[%add3A_32, %dma_start3A_79] : memref<32768x384xf32, #tpu.memory_space<hbm>> -> memref<128x384xf32, #tpu.memory_space<hbm>>
      %dma_start3A_81 = arith.constant 0 : i32
      %dma_start3A_82 = tpu.memref_slice %arg4[%add3A_32, %dma_start3A_81] : memref<32768x384xf32, #tpu.memory_space<hbm>> -> memref<128x384xf32, #tpu.memory_space<hbm>>
      tpu.enqueue_dma source(%arg6 : memref<128x384xf32, #tpu.memory_space<vmem>>) target(%dma_start3A_82 : memref<128x384xf32, #tpu.memory_space<hbm>>) target_semaphore(%run_scoped3A : memref<!tpu.dma_semaphore, #tpu.memory_space<semaphore_mem>>)
      %dma_wait3A_83 = arith.constant 0 : i32
      %dma_wait3A_84 = tpu.memref_slice %arg4[%add3A_32, %dma_wait3A_83] : memref<32768x384xf32, #tpu.memory_space<hbm>> -> memref<128x384xf32, #tpu.memory_space<hbm>>
      %dma_wait3A_85 = arith.constant 0 : i32
      %dma_wait3A_86 = tpu.memref_slice %arg4[%add3A_32, %dma_wait3A_85] : memref<32768x384xf32, #tpu.memory_space<hbm>> -> memref<128x384xf32, #tpu.memory_space<hbm>>
      tpu.wait_dma2 semaphore(%run_scoped3A : memref<!tpu.dma_semaphore, #tpu.memory_space<semaphore_mem>>) src(%arg6 : memref<128x384xf32, #tpu.memory_space<vmem>>) dst(%dma_wait3A_86 : memref<128x384xf32, #tpu.memory_space<hbm>>)
      tpu.yield
    }) : () -> ()
    %mul3A_39 = arith.constant 1024 : i32
    %mul3A_40 = arith.muli %add3A, %mul3A_39 : i32
    %add3A_41 = arith.constant 512 : i32
    %add3A_42 = arith.addi %mul3A_40, %add3A_41 : i32
    "tpu.region"() ({
      %run_scoped3A = tpu.sem_alloc : memref<!tpu.dma_semaphore, #tpu.memory_space<semaphore_mem>>
      %dma_start3A_79 = tpu.memref_slice %arg3[%add3A_42] : memref<32768xi32, #tpu.memory_space<hbm>> -> memref<128xi32, #tpu.memory_space<hbm>>
      %dma_start3A_80 = tpu.memref_slice %arg3[%add3A_42] : memref<32768xi32, #tpu.memory_space<hbm>> -> memref<128xi32, #tpu.memory_space<hbm>>
      tpu.enqueue_dma source(%dma_start3A_80 : memref<128xi32, #tpu.memory_space<hbm>>) target(%arg5 : memref<128xi32, #tpu.memory_space<vmem>>) target_semaphore(%run_scoped3A : memref<!tpu.dma_semaphore, #tpu.memory_space<semaphore_mem>>)
      %dma_wait3A_81 = tpu.memref_slice %arg3[%add3A_42] : memref<32768xi32, #tpu.memory_space<hbm>> -> memref<128xi32, #tpu.memory_space<hbm>>
      %dma_wait3A_82 = tpu.memref_slice %arg3[%add3A_42] : memref<32768xi32, #tpu.memory_space<hbm>> -> memref<128xi32, #tpu.memory_space<hbm>>
      tpu.wait_dma2 semaphore(%run_scoped3A : memref<!tpu.dma_semaphore, #tpu.memory_space<semaphore_mem>>) src(%dma_wait3A_82 : memref<128xi32, #tpu.memory_space<hbm>>) dst(%arg5 : memref<128xi32, #tpu.memory_space<vmem>>)
      tpu.yield
    }) : () -> ()
    %dma_start3A_43 = arith.constant 0 : i32
    %dma_start3A_44 = arith.constant 0 : i32
    %dma_start3A_45 = tpu.memref_slice %arg2[%dma_start3A_43, %dma_start3A_44] : memref<256x384xf32, #tpu.memory_space<hbm>> -> memref<256x384xf32, #tpu.memory_space<hbm>>
    tpu.enqueue_indirect_dma source(%dma_start3A_45 : memref<256x384xf32, #tpu.memory_space<hbm>>) target(%arg6 : memref<128x384xf32, #tpu.memory_space<vmem>>) offsets(%arg5 : memref<128xi32, #tpu.memory_space<vmem>>) semaphore(%arg7 : memref<!tpu.dma_semaphore, #tpu.memory_space<semaphore_mem>>)
    %dma_wait3A_46 = arith.constant 0 : i32
    %dma_wait3A_47 = arith.constant 0 : i32
    %dma_wait3A_48 = tpu.memref_slice %arg2[%dma_wait3A_46, %dma_wait3A_47] : memref<256x384xf32, #tpu.memory_space<hbm>> -> memref<256x384xf32, #tpu.memory_space<hbm>>
    tpu.wait_indirect_dma semaphore(%arg7 : memref<!tpu.dma_semaphore, #tpu.memory_space<semaphore_mem>>) src(%dma_wait3A_48 : memref<256x384xf32, #tpu.memory_space<hbm>>) dst(%arg6 : memref<128x384xf32, #tpu.memory_space<vmem>>)
    "tpu.region"() ({
      %run_scoped3A = tpu.sem_alloc : memref<!tpu.dma_semaphore, #tpu.memory_space<semaphore_mem>>
      %dma_start3A_79 = arith.constant 0 : i32
      %dma_start3A_80 = tpu.memref_slice %arg4[%add3A_42, %dma_start3A_79] : memref<32768x384xf32, #tpu.memory_space<hbm>> -> memref<128x384xf32, #tpu.memory_space<hbm>>
      %dma_start3A_81 = arith.constant 0 : i32
      %dma_start3A_82 = tpu.memref_slice %arg4[%add3A_42, %dma_start3A_81] : memref<32768x384xf32, #tpu.memory_space<hbm>> -> memref<128x384xf32, #tpu.memory_space<hbm>>
      tpu.enqueue_dma source(%arg6 : memref<128x384xf32, #tpu.memory_space<vmem>>) target(%dma_start3A_82 : memref<128x384xf32, #tpu.memory_space<hbm>>) target_semaphore(%run_scoped3A : memref<!tpu.dma_semaphore, #tpu.memory_space<semaphore_mem>>)
      %dma_wait3A_83 = arith.constant 0 : i32
      %dma_wait3A_84 = tpu.memref_slice %arg4[%add3A_42, %dma_wait3A_83] : memref<32768x384xf32, #tpu.memory_space<hbm>> -> memref<128x384xf32, #tpu.memory_space<hbm>>
      %dma_wait3A_85 = arith.constant 0 : i32
      %dma_wait3A_86 = tpu.memref_slice %arg4[%add3A_42, %dma_wait3A_85] : memref<32768x384xf32, #tpu.memory_space<hbm>> -> memref<128x384xf32, #tpu.memory_space<hbm>>
      tpu.wait_dma2 semaphore(%run_scoped3A : memref<!tpu.dma_semaphore, #tpu.memory_space<semaphore_mem>>) src(%arg6 : memref<128x384xf32, #tpu.memory_space<vmem>>) dst(%dma_wait3A_86 : memref<128x384xf32, #tpu.memory_space<hbm>>)
      tpu.yield
    }) : () -> ()
    %mul3A_49 = arith.constant 1024 : i32
    %mul3A_50 = arith.muli %add3A, %mul3A_49 : i32
    %add3A_51 = arith.constant 640 : i32
    %add3A_52 = arith.addi %mul3A_50, %add3A_51 : i32
    "tpu.region"() ({
      %run_scoped3A = tpu.sem_alloc : memref<!tpu.dma_semaphore, #tpu.memory_space<semaphore_mem>>
      %dma_start3A_79 = tpu.memref_slice %arg3[%add3A_52] : memref<32768xi32, #tpu.memory_space<hbm>> -> memref<128xi32, #tpu.memory_space<hbm>>
      %dma_start3A_80 = tpu.memref_slice %arg3[%add3A_52] : memref<32768xi32, #tpu.memory_space<hbm>> -> memref<128xi32, #tpu.memory_space<hbm>>
      tpu.enqueue_dma source(%dma_start3A_80 : memref<128xi32, #tpu.memory_space<hbm>>) target(%arg5 : memref<128xi32, #tpu.memory_space<vmem>>) target_semaphore(%run_scoped3A : memref<!tpu.dma_semaphore, #tpu.memory_space<semaphore_mem>>)
      %dma_wait3A_81 = tpu.memref_slice %arg3[%add3A_52] : memref<32768xi32, #tpu.memory_space<hbm>> -> memref<128xi32, #tpu.memory_space<hbm>>
      %dma_wait3A_82 = tpu.memref_slice %arg3[%add3A_52] : memref<32768xi32, #tpu.memory_space<hbm>> -> memref<128xi32, #tpu.memory_space<hbm>>
      tpu.wait_dma2 semaphore(%run_scoped3A : memref<!tpu.dma_semaphore, #tpu.memory_space<semaphore_mem>>) src(%dma_wait3A_82 : memref<128xi32, #tpu.memory_space<hbm>>) dst(%arg5 : memref<128xi32, #tpu.memory_space<vmem>>)
      tpu.yield
    }) : () -> ()
    %dma_start3A_53 = arith.constant 0 : i32
    %dma_start3A_54 = arith.constant 0 : i32
    %dma_start3A_55 = tpu.memref_slice %arg2[%dma_start3A_53, %dma_start3A_54] : memref<256x384xf32, #tpu.memory_space<hbm>> -> memref<256x384xf32, #tpu.memory_space<hbm>>
    tpu.enqueue_indirect_dma source(%dma_start3A_55 : memref<256x384xf32, #tpu.memory_space<hbm>>) target(%arg6 : memref<128x384xf32, #tpu.memory_space<vmem>>) offsets(%arg5 : memref<128xi32, #tpu.memory_space<vmem>>) semaphore(%arg7 : memref<!tpu.dma_semaphore, #tpu.memory_space<semaphore_mem>>)
    %dma_wait3A_56 = arith.constant 0 : i32
    %dma_wait3A_57 = arith.constant 0 : i32
    %dma_wait3A_58 = tpu.memref_slice %arg2[%dma_wait3A_56, %dma_wait3A_57] : memref<256x384xf32, #tpu.memory_space<hbm>> -> memref<256x384xf32, #tpu.memory_space<hbm>>
    tpu.wait_indirect_dma semaphore(%arg7 : memref<!tpu.dma_semaphore, #tpu.memory_space<semaphore_mem>>) src(%dma_wait3A_58 : memref<256x384xf32, #tpu.memory_space<hbm>>) dst(%arg6 : memref<128x384xf32, #tpu.memory_space<vmem>>)
    "tpu.region"() ({
      %run_scoped3A = tpu.sem_alloc : memref<!tpu.dma_semaphore, #tpu.memory_space<semaphore_mem>>
      %dma_start3A_79 = arith.constant 0 : i32
      %dma_start3A_80 = tpu.memref_slice %arg4[%add3A_52, %dma_start3A_79] : memref<32768x384xf32, #tpu.memory_space<hbm>> -> memref<128x384xf32, #tpu.memory_space<hbm>>
      %dma_start3A_81 = arith.constant 0 : i32
      %dma_start3A_82 = tpu.memref_slice %arg4[%add3A_52, %dma_start3A_81] : memref<32768x384xf32, #tpu.memory_space<hbm>> -> memref<128x384xf32, #tpu.memory_space<hbm>>
      tpu.enqueue_dma source(%arg6 : memref<128x384xf32, #tpu.memory_space<vmem>>) target(%dma_start3A_82 : memref<128x384xf32, #tpu.memory_space<hbm>>) target_semaphore(%run_scoped3A : memref<!tpu.dma_semaphore, #tpu.memory_space<semaphore_mem>>)
      %dma_wait3A_83 = arith.constant 0 : i32
      %dma_wait3A_84 = tpu.memref_slice %arg4[%add3A_52, %dma_wait3A_83] : memref<32768x384xf32, #tpu.memory_space<hbm>> -> memref<128x384xf32, #tpu.memory_space<hbm>>
      %dma_wait3A_85 = arith.constant 0 : i32
      %dma_wait3A_86 = tpu.memref_slice %arg4[%add3A_52, %dma_wait3A_85] : memref<32768x384xf32, #tpu.memory_space<hbm>> -> memref<128x384xf32, #tpu.memory_space<hbm>>
      tpu.wait_dma2 semaphore(%run_scoped3A : memref<!tpu.dma_semaphore, #tpu.memory_space<semaphore_mem>>) src(%arg6 : memref<128x384xf32, #tpu.memory_space<vmem>>) dst(%dma_wait3A_86 : memref<128x384xf32, #tpu.memory_space<hbm>>)
      tpu.yield
    }) : () -> ()
    %mul3A_59 = arith.constant 1024 : i32
    %mul3A_60 = arith.muli %add3A, %mul3A_59 : i32
    %add3A_61 = arith.constant 768 : i32
    %add3A_62 = arith.addi %mul3A_60, %add3A_61 : i32
    "tpu.region"() ({
      %run_scoped3A = tpu.sem_alloc : memref<!tpu.dma_semaphore, #tpu.memory_space<semaphore_mem>>
      %dma_start3A_79 = tpu.memref_slice %arg3[%add3A_62] : memref<32768xi32, #tpu.memory_space<hbm>> -> memref<128xi32, #tpu.memory_space<hbm>>
      %dma_start3A_80 = tpu.memref_slice %arg3[%add3A_62] : memref<32768xi32, #tpu.memory_space<hbm>> -> memref<128xi32, #tpu.memory_space<hbm>>
      tpu.enqueue_dma source(%dma_start3A_80 : memref<128xi32, #tpu.memory_space<hbm>>) target(%arg5 : memref<128xi32, #tpu.memory_space<vmem>>) target_semaphore(%run_scoped3A : memref<!tpu.dma_semaphore, #tpu.memory_space<semaphore_mem>>)
      %dma_wait3A_81 = tpu.memref_slice %arg3[%add3A_62] : memref<32768xi32, #tpu.memory_space<hbm>> -> memref<128xi32, #tpu.memory_space<hbm>>
      %dma_wait3A_82 = tpu.memref_slice %arg3[%add3A_62] : memref<32768xi32, #tpu.memory_space<hbm>> -> memref<128xi32, #tpu.memory_space<hbm>>
      tpu.wait_dma2 semaphore(%run_scoped3A : memref<!tpu.dma_semaphore, #tpu.memory_space<semaphore_mem>>) src(%dma_wait3A_82 : memref<128xi32, #tpu.memory_space<hbm>>) dst(%arg5 : memref<128xi32, #tpu.memory_space<vmem>>)
      tpu.yield
    }) : () -> ()
    %dma_start3A_63 = arith.constant 0 : i32
    %dma_start3A_64 = arith.constant 0 : i32
    %dma_start3A_65 = tpu.memref_slice %arg2[%dma_start3A_63, %dma_start3A_64] : memref<256x384xf32, #tpu.memory_space<hbm>> -> memref<256x384xf32, #tpu.memory_space<hbm>>
    tpu.enqueue_indirect_dma source(%dma_start3A_65 : memref<256x384xf32, #tpu.memory_space<hbm>>) target(%arg6 : memref<128x384xf32, #tpu.memory_space<vmem>>) offsets(%arg5 : memref<128xi32, #tpu.memory_space<vmem>>) semaphore(%arg7 : memref<!tpu.dma_semaphore, #tpu.memory_space<semaphore_mem>>)
    %dma_wait3A_66 = arith.constant 0 : i32
    %dma_wait3A_67 = arith.constant 0 : i32
    %dma_wait3A_68 = tpu.memref_slice %arg2[%dma_wait3A_66, %dma_wait3A_67] : memref<256x384xf32, #tpu.memory_space<hbm>> -> memref<256x384xf32, #tpu.memory_space<hbm>>
    tpu.wait_indirect_dma semaphore(%arg7 : memref<!tpu.dma_semaphore, #tpu.memory_space<semaphore_mem>>) src(%dma_wait3A_68 : memref<256x384xf32, #tpu.memory_space<hbm>>) dst(%arg6 : memref<128x384xf32, #tpu.memory_space<vmem>>)
    "tpu.region"() ({
      %run_scoped3A = tpu.sem_alloc : memref<!tpu.dma_semaphore, #tpu.memory_space<semaphore_mem>>
      %dma_start3A_79 = arith.constant 0 : i32
      %dma_start3A_80 = tpu.memref_slice %arg4[%add3A_62, %dma_start3A_79] : memref<32768x384xf32, #tpu.memory_space<hbm>> -> memref<128x384xf32, #tpu.memory_space<hbm>>
      %dma_start3A_81 = arith.constant 0 : i32
      %dma_start3A_82 = tpu.memref_slice %arg4[%add3A_62, %dma_start3A_81] : memref<32768x384xf32, #tpu.memory_space<hbm>> -> memref<128x384xf32, #tpu.memory_space<hbm>>
      tpu.enqueue_dma source(%arg6 : memref<128x384xf32, #tpu.memory_space<vmem>>) target(%dma_start3A_82 : memref<128x384xf32, #tpu.memory_space<hbm>>) target_semaphore(%run_scoped3A : memref<!tpu.dma_semaphore, #tpu.memory_space<semaphore_mem>>)
      %dma_wait3A_83 = arith.constant 0 : i32
      %dma_wait3A_84 = tpu.memref_slice %arg4[%add3A_62, %dma_wait3A_83] : memref<32768x384xf32, #tpu.memory_space<hbm>> -> memref<128x384xf32, #tpu.memory_space<hbm>>
      %dma_wait3A_85 = arith.constant 0 : i32
      %dma_wait3A_86 = tpu.memref_slice %arg4[%add3A_62, %dma_wait3A_85] : memref<32768x384xf32, #tpu.memory_space<hbm>> -> memref<128x384xf32, #tpu.memory_space<hbm>>
      tpu.wait_dma2 semaphore(%run_scoped3A : memref<!tpu.dma_semaphore, #tpu.memory_space<semaphore_mem>>) src(%arg6 : memref<128x384xf32, #tpu.memory_space<vmem>>) dst(%dma_wait3A_86 : memref<128x384xf32, #tpu.memory_space<hbm>>)
      tpu.yield
    }) : () -> ()
    %mul3A_69 = arith.constant 1024 : i32
    %mul3A_70 = arith.muli %add3A, %mul3A_69 : i32
    %add3A_71 = arith.constant 896 : i32
    %add3A_72 = arith.addi %mul3A_70, %add3A_71 : i32
    "tpu.region"() ({
      %run_scoped3A = tpu.sem_alloc : memref<!tpu.dma_semaphore, #tpu.memory_space<semaphore_mem>>
      %dma_start3A_79 = tpu.memref_slice %arg3[%add3A_72] : memref<32768xi32, #tpu.memory_space<hbm>> -> memref<128xi32, #tpu.memory_space<hbm>>
      %dma_start3A_80 = tpu.memref_slice %arg3[%add3A_72] : memref<32768xi32, #tpu.memory_space<hbm>> -> memref<128xi32, #tpu.memory_space<hbm>>
      tpu.enqueue_dma source(%dma_start3A_80 : memref<128xi32, #tpu.memory_space<hbm>>) target(%arg5 : memref<128xi32, #tpu.memory_space<vmem>>) target_semaphore(%run_scoped3A : memref<!tpu.dma_semaphore, #tpu.memory_space<semaphore_mem>>)
      %dma_wait3A_81 = tpu.memref_slice %arg3[%add3A_72] : memref<32768xi32, #tpu.memory_space<hbm>> -> memref<128xi32, #tpu.memory_space<hbm>>
      %dma_wait3A_82 = tpu.memref_slice %arg3[%add3A_72] : memref<32768xi32, #tpu.memory_space<hbm>> -> memref<128xi32, #tpu.memory_space<hbm>>
      tpu.wait_dma2 semaphore(%run_scoped3A : memref<!tpu.dma_semaphore, #tpu.memory_space<semaphore_mem>>) src(%dma_wait3A_82 : memref<128xi32, #tpu.memory_space<hbm>>) dst(%arg5 : memref<128xi32, #tpu.memory_space<vmem>>)
      tpu.yield
    }) : () -> ()
    %dma_start3A_73 = arith.constant 0 : i32
    %dma_start3A_74 = arith.constant 0 : i32
    %dma_start3A_75 = tpu.memref_slice %arg2[%dma_start3A_73, %dma_start3A_74] : memref<256x384xf32, #tpu.memory_space<hbm>> -> memref<256x384xf32, #tpu.memory_space<hbm>>
    tpu.enqueue_indirect_dma source(%dma_start3A_75 : memref<256x384xf32, #tpu.memory_space<hbm>>) target(%arg6 : memref<128x384xf32, #tpu.memory_space<vmem>>) offsets(%arg5 : memref<128xi32, #tpu.memory_space<vmem>>) semaphore(%arg7 : memref<!tpu.dma_semaphore, #tpu.memory_space<semaphore_mem>>)
    %dma_wait3A_76 = arith.constant 0 : i32
    %dma_wait3A_77 = arith.constant 0 : i32
    %dma_wait3A_78 = tpu.memref_slice %arg2[%dma_wait3A_76, %dma_wait3A_77] : memref<256x384xf32, #tpu.memory_space<hbm>> -> memref<256x384xf32, #tpu.memory_space<hbm>>
    tpu.wait_indirect_dma semaphore(%arg7 : memref<!tpu.dma_semaphore, #tpu.memory_space<semaphore_mem>>) src(%dma_wait3A_78 : memref<256x384xf32, #tpu.memory_space<hbm>>) dst(%arg6 : memref<128x384xf32, #tpu.memory_space<vmem>>)
    "tpu.region"() ({
      %run_scoped3A = tpu.sem_alloc : memref<!tpu.dma_semaphore, #tpu.memory_space<semaphore_mem>>
      %dma_start3A_79 = arith.constant 0 : i32
      %dma_start3A_80 = tpu.memref_slice %arg4[%add3A_72, %dma_start3A_79] : memref<32768x384xf32, #tpu.memory_space<hbm>> -> memref<128x384xf32, #tpu.memory_space<hbm>>
      %dma_start3A_81 = arith.constant 0 : i32
      %dma_start3A_82 = tpu.memref_slice %arg4[%add3A_72, %dma_start3A_81] : memref<32768x384xf32, #tpu.memory_space<hbm>> -> memref<128x384xf32, #tpu.memory_space<hbm>>
      tpu.enqueue_dma source(%arg6 : memref<128x384xf32, #tpu.memory_space<vmem>>) target(%dma_start3A_82 : memref<128x384xf32, #tpu.memory_space<hbm>>) target_semaphore(%run_scoped3A : memref<!tpu.dma_semaphore, #tpu.memory_space<semaphore_mem>>)
      %dma_wait3A_83 = arith.constant 0 : i32
      %dma_wait3A_84 = tpu.memref_slice %arg4[%add3A_72, %dma_wait3A_83] : memref<32768x384xf32, #tpu.memory_space<hbm>> -> memref<128x384xf32, #tpu.memory_space<hbm>>
      %dma_wait3A_85 = arith.constant 0 : i32
      %dma_wait3A_86 = tpu.memref_slice %arg4[%add3A_72, %dma_wait3A_85] : memref<32768x384xf32, #tpu.memory_space<hbm>> -> memref<128x384xf32, #tpu.memory_space<hbm>>
      tpu.wait_dma2 semaphore(%run_scoped3A : memref<!tpu.dma_semaphore, #tpu.memory_space<semaphore_mem>>) src(%arg6 : memref<128x384xf32, #tpu.memory_space<vmem>>) dst(%dma_wait3A_86 : memref<128x384xf32, #tpu.memory_space<hbm>>)
      tpu.yield
    }) : () -> ()
    return
  }
}

#map = affine_map<(d0, d1) -> (0, 0)>
#map1 = affine_map<(d0, d1) -> (0)>
module attributes {stable_mosaic.version = 14 : i64} {
  func.func @k(%arg0: i32, %arg1: i32, %arg2: memref<32768x128xf32, #tpu.memory_space<hbm>>, %arg3: memref<32768xi32, #tpu.memory_space<hbm>>, %arg4: memref<32768x128xf32, #tpu.memory_space<hbm>>, %arg5: memref<512xi32, #tpu.memory_space<vmem>>, %arg6: memref<512x128xf32, #tpu.memory_space<vmem>>, %arg7: memref<!tpu.dma_semaphore, #tpu.memory_space<semaphore_mem>>) attributes {dimension_semantics = [#tpu.dimension_semantics<core_parallel>, #tpu.dimension_semantics<subcore_parallel>], iteration_bounds = array<i64: 2, 16>, scalar_prefetch = 0 : i64, scratch_operands = 3 : i64, tpu.core_type = #tpu.core_type<sc_vector_subcore>, window_params = [{transform_indices = #map}, {transform_indices = #map1}, {transform_indices = #map}]} {
    %mul3A = arith.constant 2 : i32
    %mul3A_0 = arith.muli %arg1, %mul3A : i32
    %add3A = arith.addi %mul3A_0, %arg0 : i32
    %mul3A_1 = arith.constant 1024 : i32
    %mul3A_2 = arith.muli %add3A, %mul3A_1 : i32
    %add3A_3 = arith.constant 0 : i32
    %add3A_4 = arith.addi %mul3A_2, %add3A_3 : i32
    "tpu.region"() ({
      %run_scoped3A = tpu.sem_alloc : memref<!tpu.dma_semaphore, #tpu.memory_space<semaphore_mem>>
      %dma_start3A_19 = tpu.memref_slice %arg3[%add3A_4] : memref<32768xi32, #tpu.memory_space<hbm>> -> memref<512xi32, #tpu.memory_space<hbm>>
      %dma_start3A_20 = tpu.memref_slice %arg3[%add3A_4] : memref<32768xi32, #tpu.memory_space<hbm>> -> memref<512xi32, #tpu.memory_space<hbm>>
      tpu.enqueue_dma source(%dma_start3A_20 : memref<512xi32, #tpu.memory_space<hbm>>) target(%arg5 : memref<512xi32, #tpu.memory_space<vmem>>) target_semaphore(%run_scoped3A : memref<!tpu.dma_semaphore, #tpu.memory_space<semaphore_mem>>)
      %dma_wait3A_21 = tpu.memref_slice %arg3[%add3A_4] : memref<32768xi32, #tpu.memory_space<hbm>> -> memref<512xi32, #tpu.memory_space<hbm>>
      %dma_wait3A_22 = tpu.memref_slice %arg3[%add3A_4] : memref<32768xi32, #tpu.memory_space<hbm>> -> memref<512xi32, #tpu.memory_space<hbm>>
      tpu.wait_dma2 semaphore(%run_scoped3A : memref<!tpu.dma_semaphore, #tpu.memory_space<semaphore_mem>>) src(%dma_wait3A_22 : memref<512xi32, #tpu.memory_space<hbm>>) dst(%arg5 : memref<512xi32, #tpu.memory_space<vmem>>)
      tpu.yield
    }) : () -> ()
    %dma_start3A = arith.constant 0 : i32
    %dma_start3A_5 = arith.constant 0 : i32
    %dma_start3A_6 = tpu.memref_slice %arg2[%dma_start3A, %dma_start3A_5] : memref<32768x128xf32, #tpu.memory_space<hbm>> -> memref<32768x128xf32, #tpu.memory_space<hbm>>
    tpu.enqueue_indirect_dma source(%dma_start3A_6 : memref<32768x128xf32, #tpu.memory_space<hbm>>) target(%arg6 : memref<512x128xf32, #tpu.memory_space<vmem>>) offsets(%arg5 : memref<512xi32, #tpu.memory_space<vmem>>) semaphore(%arg7 : memref<!tpu.dma_semaphore, #tpu.memory_space<semaphore_mem>>)
    %dma_wait3A = arith.constant 0 : i32
    %dma_wait3A_7 = arith.constant 0 : i32
    %dma_wait3A_8 = tpu.memref_slice %arg2[%dma_wait3A, %dma_wait3A_7] : memref<32768x128xf32, #tpu.memory_space<hbm>> -> memref<32768x128xf32, #tpu.memory_space<hbm>>
    tpu.wait_indirect_dma semaphore(%arg7 : memref<!tpu.dma_semaphore, #tpu.memory_space<semaphore_mem>>) src(%dma_wait3A_8 : memref<32768x128xf32, #tpu.memory_space<hbm>>) dst(%arg6 : memref<512x128xf32, #tpu.memory_space<vmem>>)
    "tpu.region"() ({
      %run_scoped3A = tpu.sem_alloc : memref<!tpu.dma_semaphore, #tpu.memory_space<semaphore_mem>>
      %dma_start3A_19 = arith.constant 0 : i32
      %dma_start3A_20 = tpu.memref_slice %arg4[%add3A_4, %dma_start3A_19] : memref<32768x128xf32, #tpu.memory_space<hbm>> -> memref<512x128xf32, #tpu.memory_space<hbm>>
      %dma_start3A_21 = arith.constant 0 : i32
      %dma_start3A_22 = tpu.memref_slice %arg4[%add3A_4, %dma_start3A_21] : memref<32768x128xf32, #tpu.memory_space<hbm>> -> memref<512x128xf32, #tpu.memory_space<hbm>>
      tpu.enqueue_dma source(%arg6 : memref<512x128xf32, #tpu.memory_space<vmem>>) target(%dma_start3A_22 : memref<512x128xf32, #tpu.memory_space<hbm>>) target_semaphore(%run_scoped3A : memref<!tpu.dma_semaphore, #tpu.memory_space<semaphore_mem>>)
      %dma_wait3A_23 = arith.constant 0 : i32
      %dma_wait3A_24 = tpu.memref_slice %arg4[%add3A_4, %dma_wait3A_23] : memref<32768x128xf32, #tpu.memory_space<hbm>> -> memref<512x128xf32, #tpu.memory_space<hbm>>
      %dma_wait3A_25 = arith.constant 0 : i32
      %dma_wait3A_26 = tpu.memref_slice %arg4[%add3A_4, %dma_wait3A_25] : memref<32768x128xf32, #tpu.memory_space<hbm>> -> memref<512x128xf32, #tpu.memory_space<hbm>>
      tpu.wait_dma2 semaphore(%run_scoped3A : memref<!tpu.dma_semaphore, #tpu.memory_space<semaphore_mem>>) src(%arg6 : memref<512x128xf32, #tpu.memory_space<vmem>>) dst(%dma_wait3A_26 : memref<512x128xf32, #tpu.memory_space<hbm>>)
      tpu.yield
    }) : () -> ()
    %mul3A_9 = arith.constant 1024 : i32
    %mul3A_10 = arith.muli %add3A, %mul3A_9 : i32
    %add3A_11 = arith.constant 512 : i32
    %add3A_12 = arith.addi %mul3A_10, %add3A_11 : i32
    "tpu.region"() ({
      %run_scoped3A = tpu.sem_alloc : memref<!tpu.dma_semaphore, #tpu.memory_space<semaphore_mem>>
      %dma_start3A_19 = tpu.memref_slice %arg3[%add3A_12] : memref<32768xi32, #tpu.memory_space<hbm>> -> memref<512xi32, #tpu.memory_space<hbm>>
      %dma_start3A_20 = tpu.memref_slice %arg3[%add3A_12] : memref<32768xi32, #tpu.memory_space<hbm>> -> memref<512xi32, #tpu.memory_space<hbm>>
      tpu.enqueue_dma source(%dma_start3A_20 : memref<512xi32, #tpu.memory_space<hbm>>) target(%arg5 : memref<512xi32, #tpu.memory_space<vmem>>) target_semaphore(%run_scoped3A : memref<!tpu.dma_semaphore, #tpu.memory_space<semaphore_mem>>)
      %dma_wait3A_21 = tpu.memref_slice %arg3[%add3A_12] : memref<32768xi32, #tpu.memory_space<hbm>> -> memref<512xi32, #tpu.memory_space<hbm>>
      %dma_wait3A_22 = tpu.memref_slice %arg3[%add3A_12] : memref<32768xi32, #tpu.memory_space<hbm>> -> memref<512xi32, #tpu.memory_space<hbm>>
      tpu.wait_dma2 semaphore(%run_scoped3A : memref<!tpu.dma_semaphore, #tpu.memory_space<semaphore_mem>>) src(%dma_wait3A_22 : memref<512xi32, #tpu.memory_space<hbm>>) dst(%arg5 : memref<512xi32, #tpu.memory_space<vmem>>)
      tpu.yield
    }) : () -> ()
    %dma_start3A_13 = arith.constant 0 : i32
    %dma_start3A_14 = arith.constant 0 : i32
    %dma_start3A_15 = tpu.memref_slice %arg2[%dma_start3A_13, %dma_start3A_14] : memref<32768x128xf32, #tpu.memory_space<hbm>> -> memref<32768x128xf32, #tpu.memory_space<hbm>>
    tpu.enqueue_indirect_dma source(%dma_start3A_15 : memref<32768x128xf32, #tpu.memory_space<hbm>>) target(%arg6 : memref<512x128xf32, #tpu.memory_space<vmem>>) offsets(%arg5 : memref<512xi32, #tpu.memory_space<vmem>>) semaphore(%arg7 : memref<!tpu.dma_semaphore, #tpu.memory_space<semaphore_mem>>)
    %dma_wait3A_16 = arith.constant 0 : i32
    %dma_wait3A_17 = arith.constant 0 : i32
    %dma_wait3A_18 = tpu.memref_slice %arg2[%dma_wait3A_16, %dma_wait3A_17] : memref<32768x128xf32, #tpu.memory_space<hbm>> -> memref<32768x128xf32, #tpu.memory_space<hbm>>
    tpu.wait_indirect_dma semaphore(%arg7 : memref<!tpu.dma_semaphore, #tpu.memory_space<semaphore_mem>>) src(%dma_wait3A_18 : memref<32768x128xf32, #tpu.memory_space<hbm>>) dst(%arg6 : memref<512x128xf32, #tpu.memory_space<vmem>>)
    "tpu.region"() ({
      %run_scoped3A = tpu.sem_alloc : memref<!tpu.dma_semaphore, #tpu.memory_space<semaphore_mem>>
      %dma_start3A_19 = arith.constant 0 : i32
      %dma_start3A_20 = tpu.memref_slice %arg4[%add3A_12, %dma_start3A_19] : memref<32768x128xf32, #tpu.memory_space<hbm>> -> memref<512x128xf32, #tpu.memory_space<hbm>>
      %dma_start3A_21 = arith.constant 0 : i32
      %dma_start3A_22 = tpu.memref_slice %arg4[%add3A_12, %dma_start3A_21] : memref<32768x128xf32, #tpu.memory_space<hbm>> -> memref<512x128xf32, #tpu.memory_space<hbm>>
      tpu.enqueue_dma source(%arg6 : memref<512x128xf32, #tpu.memory_space<vmem>>) target(%dma_start3A_22 : memref<512x128xf32, #tpu.memory_space<hbm>>) target_semaphore(%run_scoped3A : memref<!tpu.dma_semaphore, #tpu.memory_space<semaphore_mem>>)
      %dma_wait3A_23 = arith.constant 0 : i32
      %dma_wait3A_24 = tpu.memref_slice %arg4[%add3A_12, %dma_wait3A_23] : memref<32768x128xf32, #tpu.memory_space<hbm>> -> memref<512x128xf32, #tpu.memory_space<hbm>>
      %dma_wait3A_25 = arith.constant 0 : i32
      %dma_wait3A_26 = tpu.memref_slice %arg4[%add3A_12, %dma_wait3A_25] : memref<32768x128xf32, #tpu.memory_space<hbm>> -> memref<512x128xf32, #tpu.memory_space<hbm>>
      tpu.wait_dma2 semaphore(%run_scoped3A : memref<!tpu.dma_semaphore, #tpu.memory_space<semaphore_mem>>) src(%arg6 : memref<512x128xf32, #tpu.memory_space<vmem>>) dst(%dma_wait3A_26 : memref<512x128xf32, #tpu.memory_space<hbm>>)
      tpu.yield
    }) : () -> ()
    return
  }
}

module attributes {stable_mosaic.version = 14 : i64} {
  func.func @_chunk_body(%arg0: i32, %arg1: memref<3x128xf32, #tpu.memory_space<vmem>>, %arg2: memref<32768x3xf32, #tpu.memory_space<vmem>>, %arg3: memref<8x128xi32, #tpu.memory_space<vmem>>, %arg4: memref<256x128xf32, #tpu.memory_space<vmem>>, %arg5: memref<32768x1xf32, #tpu.memory_space<vmem>>) attributes {dimension_semantics = [#tpu.dimension_semantics<arbitrary>], iteration_bounds = array<i64: 32>, scalar_prefetch = 0 : i64, scratch_operands = 2 : i64, tpu.core_type = #tpu.core_type<tc>, window_params = [{transform_indices = @transform_0, window_bounds = array<i64: 3, 128>}, {pipeline_mode = #tpu.pipeline_mode<synchronous>, transform_indices = @transform_1, window_bounds = array<i64: 32768, 3>}, {transform_indices = @transform_2, window_bounds = array<i64: 8, 128>}]} {
    %get3A = arith.constant 0 : index
    %get3A_0 = arith.constant 0 : index
    %get3A_1 = vector.load %arg1[%get3A, %get3A_0] : memref<3x128xf32, #tpu.memory_space<vmem>>, vector<3x128xf32>
    %mul3A = arith.constant -2.000000e+00 : f32
    %mul3A_2 = vector.broadcast %mul3A : f32 to vector<3x128xf32>
    %mul3A_3 = arith.mulf %get3A_1, %mul3A_2 : vector<3x128xf32>
    %convert_element_type3A = arith.truncf %mul3A_3 : vector<3x128xf32> to vector<3x128xbf16>
    %eq3A = arith.constant 0 : i32
    %eq3A_4 = arith.cmpi eq, %arg0, %eq3A : i32
    %convert_element_type3A_5 = arith.extui %eq3A_4 : i1 to i32
    %cond3A = arith.constant 0 : i32
    %cond3A_6 = arith.cmpi ne, %convert_element_type3A_5, %cond3A : i32
    scf.if %cond3A_6 {
      %scan3A_121 = arith.constant 0 : i32
      %scan3A_122 = arith.constant 16 : i32
      %scan3A_123 = arith.addi %scan3A_121, %scan3A_122 : i32
      %scan3A_124 = arith.constant 1 : i32
      scf.for %scan3A_126 = %scan3A_121 to %scan3A_123 step %scan3A_124  : i32 {
        %mul3A_127 = arith.constant 2048 : i32
        %mul3A_128 = arith.muli %scan3A_126, %mul3A_127 : i32
        %get3A_129 = arith.index_cast %mul3A_128 : i32 to index
        %get3A_130 = arith.constant 0 : index
        %get3A_131 = vector.load %arg2[%get3A_129, %get3A_130] : memref<32768x3xf32, #tpu.memory_space<vmem>>, vector<2048x3xf32>
        %mul3A_132 = arith.mulf %get3A_131, %get3A_131 : vector<2048x3xf32>
        %reduce_sum3A = arith.constant dense<0.000000e+00> : vector<2048xf32>
        %reduce_sum3A_133 = vector.multi_reduction <add>, %mul3A_132, %reduce_sum3A [1] : vector<2048x3xf32> to vector<2048xf32>
        %broadcast_in_dim3A_134 = vector.shape_cast %reduce_sum3A_133 : vector<2048xf32> to vector<2048x1xf32>
        %mul3A_135 = arith.constant 2048 : i32
        %mul3A_136 = arith.muli %scan3A_126, %mul3A_135 : i32
        %swap3A_137 = arith.index_cast %mul3A_136 : i32 to index
        %swap3A_138 = arith.constant 0 : index
        %swap3A_139 = vector.load %arg5[%swap3A_137, %swap3A_138] : memref<32768x1xf32, #tpu.memory_space<vmem>>, vector<2048x1xf32>
        tpu.vector_store %arg5[%swap3A_137, %swap3A_138], %broadcast_in_dim3A_134 {strides = array<i32>} : memref<32768x1xf32, #tpu.memory_space<vmem>>, vector<2048x1xf32>,
      }
      %scan3A_125 = arith.constant 16 : i32
    } else {
    }
    %scan3A = arith.constant 0 : i32
    %scan3A_7 = arith.constant 16 : i32
    %scan3A_8 = arith.addi %scan3A, %scan3A_7 : i32
    %scan3A_9 = arith.constant 1 : i32
    scf.for %scan3A_121 = %scan3A to %scan3A_8 step %scan3A_9  : i32 {
      %mul3A_122 = arith.constant 2048 : i32
      %mul3A_123 = arith.muli %scan3A_121, %mul3A_122 : i32
      %get3A_124 = arith.index_cast %mul3A_123 : i32 to index
      %get3A_125 = arith.constant 0 : index
      %get3A_126 = vector.load %arg2[%get3A_124, %get3A_125] : memref<32768x3xf32, #tpu.memory_space<vmem>>, vector<2048x3xf32>
      %convert_element_type3A_127 = arith.truncf %get3A_126 : vector<2048x3xf32> to vector<2048x3xbf16>
      %dot_general3A = arith.constant dense<0.000000e+00> : vector<2048x128xf32>
      %dot_general3A_128 = tpu.matmul %convert_element_type3A_127, %convert_element_type3A, %dot_general3A {dimension_numbers = #tpu.dot_dimension_numbers<[1], [0], [0], [1], [0, 0, 1, 1], [], []>, transpose_lhs_hint = false} : vector<2048x3xbf16>, vector<3x128xbf16>, vector<2048x128xf32> -> vector<2048x128xf32>
      %mul3A_129 = arith.constant 2048 : i32
      %mul3A_130 = arith.muli %scan3A_121, %mul3A_129 : i32
      %get3A_131 = arith.index_cast %mul3A_130 : i32 to index
      %get3A_132 = arith.constant 0 : index
      %get3A_133 = vector.load %arg5[%get3A_131, %get3A_132] : memref<32768x1xf32, #tpu.memory_space<vmem>>, vector<2048x1xf32>
      %add3A = vector.broadcast %get3A_133 : vector<2048x1xf32> to vector<2048x128xf32>
      %add3A_134 = arith.addf %dot_general3A_128, %add3A : vector<2048x128xf32>
      %reshape3A = vector.shape_cast %add3A_134 : vector<2048x128xf32> to vector<16x128x128xf32>
      %reduce_min3A_135 = arith.constant dense<0x7F800000> : vector<16x128xf32>
      %reduce_min3A_136 = vector.multi_reduction <minimumf>, %reshape3A, %reduce_min3A_135 [1] : vector<16x128x128xf32> to vector<16x128xf32>
      %mul3A_137 = arith.constant 16 : i32
      %mul3A_138 = arith.muli %scan3A_121, %mul3A_137 : i32
      %swap3A_139 = arith.index_cast %mul3A_138 : i32 to index
      %swap3A_140 = arith.constant 0 : index
      %swap3A_141 = vector.load %arg4[%swap3A_139, %swap3A_140] : memref<256x128xf32, #tpu.memory_space<vmem>>, vector<16x128xf32>
      tpu.vector_store %arg4[%swap3A_139, %swap3A_140], %reduce_min3A_136 {strides = array<i32>} : memref<256x128xf32, #tpu.memory_space<vmem>>, vector<16x128xf32>,
    }
    %scan3A_10 = arith.constant 16 : i32
    %get3A_11 = arith.constant 0 : index
    %get3A_12 = arith.constant 0 : index
    %get3A_13 = vector.load %arg4[%get3A_11, %get3A_12] : memref<256x128xf32, #tpu.memory_space<vmem>>, vector<256x128xf32>
    %iota3A = tpu.iota {dimensions = array<i32: 0>} : vector<256x128xi32>
    %reduce_min3A = arith.constant dense<0x7F800000> : vector<128xf32>
    %reduce_min3A_14 = vector.multi_reduction <minimumf>, %get3A_13, %reduce_min3A [0] : vector<256x128xf32> to vector<128xf32>
    %broadcast_in_dim3A = vector.shape_cast %reduce_min3A_14 : vector<128xf32> to vector<1x128xf32>
    %eq3A_15 = vector.broadcast %broadcast_in_dim3A : vector<1x128xf32> to vector<256x128xf32>
    %eq3A_16 = arith.cmpf oeq, %get3A_13, %eq3A_15 : vector<256x128xf32>
    %jit3A = arith.constant 256 : i32
    %broadcast_in_dim3A_17 = vector.broadcast %jit3A : i32 to vector<256x128xi32>
    %select_n3A = arith.select %eq3A_16, %iota3A, %broadcast_in_dim3A_17 : vector<256x128xi1>, vector<256x128xi32>
    %reduce_min3A_18 = arith.constant dense<2147483647> : vector<128xi32>
    %reduce_min3A_19 = vector.multi_reduction <minsi>, %select_n3A, %reduce_min3A_18 [0] : vector<256x128xi32> to vector<128xi32>
    %broadcast_in_dim3A_20 = vector.shape_cast %reduce_min3A_19 : vector<128xi32> to vector<1x128xi32>
    %jit3A_21 = arith.constant 3.000000e+38 : f32
    %broadcast_in_dim3A_22 = vector.broadcast %jit3A_21 : f32 to vector<256x128xf32>
    %select_n3A_23 = arith.select %eq3A_16, %broadcast_in_dim3A_22, %get3A_13 : vector<256x128xi1>, vector<256x128xf32>
    %reduce_min3A_24 = arith.constant dense<0x7F800000> : vector<128xf32>
    %reduce_min3A_25 = vector.multi_reduction <minimumf>, %select_n3A_23, %reduce_min3A_24 [0] : vector<256x128xf32> to vector<128xf32>
    %broadcast_in_dim3A_26 = vector.shape_cast %reduce_min3A_25 : vector<128xf32> to vector<1x128xf32>
    %eq3A_27 = vector.broadcast %broadcast_in_dim3A_26 : vector<1x128xf32> to vector<256x128xf32>
    %eq3A_28 = arith.cmpf oeq, %select_n3A_23, %eq3A_27 : vector<256x128xf32>
    %jit3A_29 = arith.constant 256 : i32
    %broadcast_in_dim3A_30 = vector.broadcast %jit3A_29 : i32 to vector<256x128xi32>
    %select_n3A_31 = arith.select %eq3A_28, %iota3A, %broadcast_in_dim3A_30 : vector<256x128xi1>, vector<256x128xi32>
    %reduce_min3A_32 = arith.constant dense<2147483647> : vector<128xi32>
    %reduce_min3A_33 = vector.multi_reduction <minsi>, %select_n3A_31, %reduce_min3A_32 [0] : vector<256x128xi32> to vector<128xi32>
    %broadcast_in_dim3A_34 = vector.shape_cast %reduce_min3A_33 : vector<128xi32> to vector<1x128xi32>
    %jit3A_35 = arith.constant 3.000000e+38 : f32
    %broadcast_in_dim3A_36 = vector.broadcast %jit3A_35 : f32 to vector<256x128xf32>
    %select_n3A_37 = arith.select %eq3A_28, %broadcast_in_dim3A_36, %select_n3A_23 : vector<256x128xi1>, vector<256x128xf32>
    %reduce_min3A_38 = arith.constant dense<0x7F800000> : vector<128xf32>
    %reduce_min3A_39 = vector.multi_reduction <minimumf>, %select_n3A_37, %reduce_min3A_38 [0] : vector<256x128xf32> to vector<128xf32>
    %broadcast_in_dim3A_40 = vector.shape_cast %reduce_min3A_39 : vector<128xf32> to vector<1x128xf32>
    %eq3A_41 = vector.broadcast %broadcast_in_dim3A_40 : vector<1x128xf32> to vector<256x128xf32>
    %eq3A_42 = arith.cmpf oeq, %select_n3A_37, %eq3A_41 : vector<256x128xf32>
    %jit3A_43 = arith.constant 256 : i32
    %broadcast_in_dim3A_44 = vector.broadcast %jit3A_43 : i32 to vector<256x128xi32>
    %select_n3A_45 = arith.select %eq3A_42, %iota3A, %broadcast_in_dim3A_44 : vector<256x128xi1>, vector<256x128xi32>
    %reduce_min3A_46 = arith.constant dense<2147483647> : vector<128xi32>
    %reduce_min3A_47 = vector.multi_reduction <minsi>, %select_n3A_45, %reduce_min3A_46 [0] : vector<256x128xi32> to vector<128xi32>
    %broadcast_in_dim3A_48 = vector.shape_cast %reduce_min3A_47 : vector<128xi32> to vector<1x128xi32>
    %jit3A_49 = arith.constant 3.000000e+38 : f32
    %broadcast_in_dim3A_50 = vector.broadcast %jit3A_49 : f32 to vector<256x128xf32>
    %select_n3A_51 = arith.select %eq3A_42, %broadcast_in_dim3A_50, %select_n3A_37 : vector<256x128xi1>, vector<256x128xf32>
    %reduce_min3A_52 = arith.constant dense<0x7F800000> : vector<128xf32>
    %reduce_min3A_53 = vector.multi_reduction <minimumf>, %select_n3A_51, %reduce_min3A_52 [0] : vector<256x128xf32> to vector<128xf32>
    %broadcast_in_dim3A_54 = vector.shape_cast %reduce_min3A_53 : vector<128xf32> to vector<1x128xf32>
    %eq3A_55 = vector.broadcast %broadcast_in_dim3A_54 : vector<1x128xf32> to vector<256x128xf32>
    %eq3A_56 = arith.cmpf oeq, %select_n3A_51, %eq3A_55 : vector<256x128xf32>
    %jit3A_57 = arith.constant 256 : i32
    %broadcast_in_dim3A_58 = vector.broadcast %jit3A_57 : i32 to vector<256x128xi32>
    %select_n3A_59 = arith.select %eq3A_56, %iota3A, %broadcast_in_dim3A_58 : vector<256x128xi1>, vector<256x128xi32>
    %reduce_min3A_60 = arith.constant dense<2147483647> : vector<128xi32>
    %reduce_min3A_61 = vector.multi_reduction <minsi>, %select_n3A_59, %reduce_min3A_60 [0] : vector<256x128xi32> to vector<128xi32>
    %broadcast_in_dim3A_62 = vector.shape_cast %reduce_min3A_61 : vector<128xi32> to vector<1x128xi32>
    %jit3A_63 = arith.constant 3.000000e+38 : f32
    %broadcast_in_dim3A_64 = vector.broadcast %jit3A_63 : f32 to vector<256x128xf32>
    %select_n3A_65 = arith.select %eq3A_56, %broadcast_in_dim3A_64, %select_n3A_51 : vector<256x128xi1>, vector<256x128xf32>
    %reduce_min3A_66 = arith.constant dense<0x7F800000> : vector<128xf32>
    %reduce_min3A_67 = vector.multi_reduction <minimumf>, %select_n3A_65, %reduce_min3A_66 [0] : vector<256x128xf32> to vector<128xf32>
    %broadcast_in_dim3A_68 = vector.shape_cast %reduce_min3A_67 : vector<128xf32> to vector<1x128xf32>
    %eq3A_69 = vector.broadcast %broadcast_in_dim3A_68 : vector<1x128xf32> to vector<256x128xf32>
    %eq3A_70 = arith.cmpf oeq, %select_n3A_65, %eq3A_69 : vector<256x128xf32>
    %jit3A_71 = arith.constant 256 : i32
    %broadcast_in_dim3A_72 = vector.broadcast %jit3A_71 : i32 to vector<256x128xi32>
    %select_n3A_73 = arith.select %eq3A_70, %iota3A, %broadcast_in_dim3A_72 : vector<256x128xi1>, vector<256x128xi32>
    %reduce_min3A_74 = arith.constant dense<2147483647> : vector<128xi32>
    %reduce_min3A_75 = vector.multi_reduction <minsi>, %select_n3A_73, %reduce_min3A_74 [0] : vector<256x128xi32> to vector<128xi32>
    %broadcast_in_dim3A_76 = vector.shape_cast %reduce_min3A_75 : vector<128xi32> to vector<1x128xi32>
    %jit3A_77 = arith.constant 3.000000e+38 : f32
    %broadcast_in_dim3A_78 = vector.broadcast %jit3A_77 : f32 to vector<256x128xf32>
    %select_n3A_79 = arith.select %eq3A_70, %broadcast_in_dim3A_78, %select_n3A_65 : vector<256x128xi1>, vector<256x128xf32>
    %reduce_min3A_80 = arith.constant dense<0x7F800000> : vector<128xf32>
    %reduce_min3A_81 = vector.multi_reduction <minimumf>, %select_n3A_79, %reduce_min3A_80 [0] : vector<256x128xf32> to vector<128xf32>
    %broadcast_in_dim3A_82 = vector.shape_cast %reduce_min3A_81 : vector<128xf32> to vector<1x128xf32>
    %eq3A_83 = vector.broadcast %broadcast_in_dim3A_82 : vector<1x128xf32> to vector<256x128xf32>
    %eq3A_84 = arith.cmpf oeq, %select_n3A_79, %eq3A_83 : vector<256x128xf32>
    %jit3A_85 = arith.constant 256 : i32
    %broadcast_in_dim3A_86 = vector.broadcast %jit3A_85 : i32 to vector<256x128xi32>
    %select_n3A_87 = arith.select %eq3A_84, %iota3A, %broadcast_in_dim3A_86 : vector<256x128xi1>, vector<256x128xi32>
    %reduce_min3A_88 = arith.constant dense<2147483647> : vector<128xi32>
    %reduce_min3A_89 = vector.multi_reduction <minsi>, %select_n3A_87, %reduce_min3A_88 [0] : vector<256x128xi32> to vector<128xi32>
    %broadcast_in_dim3A_90 = vector.shape_cast %reduce_min3A_89 : vector<128xi32> to vector<1x128xi32>
    %jit3A_91 = arith.constant 3.000000e+38 : f32
    %broadcast_in_dim3A_92 = vector.broadcast %jit3A_91 : f32 to vector<256x128xf32>
    %select_n3A_93 = arith.select %eq3A_84, %broadcast_in_dim3A_92, %select_n3A_79 : vector<256x128xi1>, vector<256x128xf32>
    %reduce_min3A_94 = arith.constant dense<0x7F800000> : vector<128xf32>
    %reduce_min3A_95 = vector.multi_reduction <minimumf>, %select_n3A_93, %reduce_min3A_94 [0] : vector<256x128xf32> to vector<128xf32>
    %broadcast_in_dim3A_96 = vector.shape_cast %reduce_min3A_95 : vector<128xf32> to vector<1x128xf32>
    %eq3A_97 = vector.broadcast %broadcast_in_dim3A_96 : vector<1x128xf32> to vector<256x128xf32>
    %eq3A_98 = arith.cmpf oeq, %select_n3A_93, %eq3A_97 : vector<256x128xf32>
    %jit3A_99 = arith.constant 256 : i32
    %broadcast_in_dim3A_100 = vector.broadcast %jit3A_99 : i32 to vector<256x128xi32>
    %select_n3A_101 = arith.select %eq3A_98, %iota3A, %broadcast_in_dim3A_100 : vector<256x128xi1>, vector<256x128xi32>
    %reduce_min3A_102 = arith.constant dense<2147483647> : vector<128xi32>
    %reduce_min3A_103 = vector.multi_reduction <minsi>, %select_n3A_101, %reduce_min3A_102 [0] : vector<256x128xi32> to vector<128xi32>
    %broadcast_in_dim3A_104 = vector.shape_cast %reduce_min3A_103 : vector<128xi32> to vector<1x128xi32>
    %jit3A_105 = arith.constant 3.000000e+38 : f32
    %broadcast_in_dim3A_106 = vector.broadcast %jit3A_105 : f32 to vector<256x128xf32>
    %select_n3A_107 = arith.select %eq3A_98, %broadcast_in_dim3A_106, %select_n3A_93 : vector<256x128xi1>, vector<256x128xf32>
    %reduce_min3A_108 = arith.constant dense<0x7F800000> : vector<128xf32>
    %reduce_min3A_109 = vector.multi_reduction <minimumf>, %select_n3A_107, %reduce_min3A_108 [0] : vector<256x128xf32> to vector<128xf32>
    %broadcast_in_dim3A_110 = vector.shape_cast %reduce_min3A_109 : vector<128xf32> to vector<1x128xf32>
    %eq3A_111 = vector.broadcast %broadcast_in_dim3A_110 : vector<1x128xf32> to vector<256x128xf32>
    %eq3A_112 = arith.cmpf oeq, %select_n3A_107, %eq3A_111 : vector<256x128xf32>
    %jit3A_113 = arith.constant 256 : i32
    %broadcast_in_dim3A_114 = vector.broadcast %jit3A_113 : i32 to vector<256x128xi32>
    %select_n3A_115 = arith.select %eq3A_112, %iota3A, %broadcast_in_dim3A_114 : vector<256x128xi1>, vector<256x128xi32>
    %reduce_min3A_116 = arith.constant dense<2147483647> : vector<128xi32>
    %reduce_min3A_117 = vector.multi_reduction <minsi>, %select_n3A_115, %reduce_min3A_116 [0] : vector<256x128xi32> to vector<128xi32>
    %broadcast_in_dim3A_118 = vector.shape_cast %reduce_min3A_117 : vector<128xi32> to vector<1x128xi32>
    %concatenate3A = tpu.concatenate %broadcast_in_dim3A_20, %broadcast_in_dim3A_34, %broadcast_in_dim3A_48, %broadcast_in_dim3A_62, %broadcast_in_dim3A_76, %broadcast_in_dim3A_90, %broadcast_in_dim3A_104, %broadcast_in_dim3A_118 in 0 : vector<1x128xi32>, vector<1x128xi32>, vector<1x128xi32>, vector<1x128xi32>, vector<1x128xi32>, vector<1x128xi32>, vector<1x128xi32>, vector<1x128xi32> -> vector<8x128xi32>
    %swap3A = arith.constant 0 : index
    %swap3A_119 = arith.constant 0 : index
    %swap3A_120 = vector.load %arg3[%swap3A, %swap3A_119] : memref<8x128xi32, #tpu.memory_space<vmem>>, vector<8x128xi32>
    tpu.vector_store %arg3[%swap3A, %swap3A_119], %concatenate3A {strides = array<i32>} : memref<8x128xi32, #tpu.memory_space<vmem>>, vector<8x128xi32>,
    return
  }
  func.func @transform_0(%arg0: i32) -> (i32, i32) {
    %c0_i32 = arith.constant 0 : i32
    %c0_i32_0 = arith.constant 0 : i32
    return %c0_i32, %arg0 : i32, i32
  }
  func.func @transform_1(%arg0: i32) -> (i32, i32) {
    %c0_i32 = arith.constant 0 : i32
    %c0_i32_0 = arith.constant 0 : i32
    %c0_i32_1 = arith.constant 0 : i32
    return %c0_i32, %c0_i32_0 : i32, i32
  }
  func.func @transform_2(%arg0: i32) -> (i32, i32) {
    %c0_i32 = arith.constant 0 : i32
    %c0_i32_0 = arith.constant 0 : i32
    return %c0_i32, %arg0 : i32, i32
  }
}

module attributes {stable_mosaic.version = 14 : i64} {
  func.func @_refine_body(%arg0: i32, %arg1: memref<128x3xf32, #tpu.memory_space<vmem>>, %arg2: memref<128x8xi32, #tpu.memory_space<vmem>>, %arg3: memref<128x3072xf32, #tpu.memory_space<vmem>>, %arg4: memref<128x8xi32, #tpu.memory_space<vmem>>) attributes {dimension_semantics = [#tpu.dimension_semantics<arbitrary>], iteration_bounds = array<i64: 32>, scalar_prefetch = 0 : i64, scratch_operands = 0 : i64, tpu.core_type = #tpu.core_type<tc>, window_params = [{transform_indices = @transform_0, window_bounds = array<i64: 128, 3>}, {transform_indices = @transform_1, window_bounds = array<i64: 128, 8>}, {transform_indices = @transform_2, window_bounds = array<i64: 128, 3072>}, {transform_indices = @transform_3, window_bounds = array<i64: 128, 8>}]} {
    %get3A = arith.constant 0 : index
    %get3A_0 = arith.constant 0 : index
    %get3A_1 = vector.load %arg1[%get3A, %get3A_0] : memref<128x3xf32, #tpu.memory_space<vmem>>, vector<128x1xf32>
    %get3A_2 = arith.constant 0 : index
    %get3A_3 = arith.constant 1 : index
    %get3A_4 = vector.load %arg1[%get3A_2, %get3A_3] : memref<128x3xf32, #tpu.memory_space<vmem>>, vector<128x1xf32>
    %get3A_5 = arith.constant 0 : index
    %get3A_6 = arith.constant 2 : index
    %get3A_7 = vector.load %arg1[%get3A_5, %get3A_6] : memref<128x3xf32, #tpu.memory_space<vmem>>, vector<128x1xf32>
    %mul3A = arith.mulf %get3A_1, %get3A_1 : vector<128x1xf32>
    %mul3A_8 = arith.mulf %get3A_4, %get3A_4 : vector<128x1xf32>
    %add3A = arith.addf %mul3A, %mul3A_8 : vector<128x1xf32>
    %mul3A_9 = arith.mulf %get3A_7, %get3A_7 : vector<128x1xf32>
    %add3A_10 = arith.addf %add3A, %mul3A_9 : vector<128x1xf32>
    %convert_element_type3A = arith.truncf %get3A_1 : vector<128x1xf32> to vector<128x1xbf16>
    %convert_element_type3A_11 = arith.extf %convert_element_type3A : vector<128x1xbf16> to vector<128x1xf32>
    %convert_element_type3A_12 = arith.truncf %get3A_4 : vector<128x1xf32> to vector<128x1xbf16>
    %convert_element_type3A_13 = arith.extf %convert_element_type3A_12 : vector<128x1xbf16> to vector<128x1xf32>
    %convert_element_type3A_14 = arith.truncf %get3A_7 : vector<128x1xf32> to vector<128x1xbf16>
    %convert_element_type3A_15 = arith.extf %convert_element_type3A_14 : vector<128x1xbf16> to vector<128x1xf32>
    %iota3A = tpu.iota {dimensions = array<i32: 1>} : vector<128x128xi32>
    %get3A_16 = arith.constant 0 : index
    %get3A_17 = arith.constant 0 : index
    %get3A_18 = vector.load %arg3[%get3A_16, %get3A_17] : memref<128x3072xf32, #tpu.memory_space<vmem>>, vector<128x128xf32>
    %get3A_19 = arith.constant 0 : index
    %get3A_20 = arith.constant 128 : index
    %get3A_21 = vector.load %arg3[%get3A_19, %get3A_20] : memref<128x3072xf32, #tpu.memory_space<vmem>>, vector<128x128xf32>
    %get3A_22 = arith.constant 0 : index
    %get3A_23 = arith.constant 256 : index
    %get3A_24 = vector.load %arg3[%get3A_22, %get3A_23] : memref<128x3072xf32, #tpu.memory_space<vmem>>, vector<128x128xf32>
    %get3A_25 = arith.constant 0 : index
    %get3A_26 = arith.constant 0 : index
    %get3A_27 = vector.load %arg2[%get3A_25, %get3A_26] : memref<128x8xi32, #tpu.memory_space<vmem>>, vector<128x1xi32>
    %mul3A_28 = arith.constant 128 : i32
    %mul3A_29 = vector.broadcast %mul3A_28 : i32 to vector<128x1xi32>
    %mul3A_30 = arith.muli %get3A_27, %mul3A_29 : vector<128x1xi32>
    %add3A_31 = vector.broadcast %mul3A_30 : vector<128x1xi32> to vector<128x128xi32>
    %add3A_32 = arith.addi %add3A_31, %iota3A : vector<128x128xi32>
    %convert_element_type3A_33 = arith.truncf %get3A_18 : vector<128x128xf32> to vector<128x128xbf16>
    %convert_element_type3A_34 = arith.extf %convert_element_type3A_33 : vector<128x128xbf16> to vector<128x128xf32>
    %mul3A_35 = vector.broadcast %convert_element_type3A_11 : vector<128x1xf32> to vector<128x128xf32>
    %mul3A_36 = arith.mulf %mul3A_35, %convert_element_type3A_34 : vector<128x128xf32>
    %convert_element_type3A_37 = arith.truncf %get3A_21 : vector<128x128xf32> to vector<128x128xbf16>
    %convert_element_type3A_38 = arith.extf %convert_element_type3A_37 : vector<128x128xbf16> to vector<128x128xf32>
    %mul3A_39 = vector.broadcast %convert_element_type3A_13 : vector<128x1xf32> to vector<128x128xf32>
    %mul3A_40 = arith.mulf %mul3A_39, %convert_element_type3A_38 : vector<128x128xf32>
    %add3A_41 = arith.addf %mul3A_36, %mul3A_40 : vector<128x128xf32>
    %convert_element_type3A_42 = arith.truncf %get3A_24 : vector<128x128xf32> to vector<128x128xbf16>
    %convert_element_type3A_43 = arith.extf %convert_element_type3A_42 : vector<128x128xbf16> to vector<128x128xf32>
    %mul3A_44 = vector.broadcast %convert_element_type3A_15 : vector<128x1xf32> to vector<128x128xf32>
    %mul3A_45 = arith.mulf %mul3A_44, %convert_element_type3A_43 : vector<128x128xf32>
    %add3A_46 = arith.addf %add3A_41, %mul3A_45 : vector<128x128xf32>
    %mul3A_47 = arith.mulf %get3A_18, %get3A_18 : vector<128x128xf32>
    %mul3A_48 = arith.mulf %get3A_21, %get3A_21 : vector<128x128xf32>
    %add3A_49 = arith.addf %mul3A_47, %mul3A_48 : vector<128x128xf32>
    %mul3A_50 = arith.mulf %get3A_24, %get3A_24 : vector<128x128xf32>
    %add3A_51 = arith.addf %add3A_49, %mul3A_50 : vector<128x128xf32>
    %mul3A_52 = arith.constant 2.000000e+00 : f32
    %mul3A_53 = vector.broadcast %mul3A_52 : f32 to vector<128x128xf32>
    %mul3A_54 = arith.mulf %mul3A_53, %add3A_46 : vector<128x128xf32>
    %sub3A = vector.broadcast %add3A_10 : vector<128x1xf32> to vector<128x128xf32>
    %sub3A_55 = arith.subf %sub3A, %mul3A_54 : vector<128x128xf32>
    %add3A_56 = arith.addf %sub3A_55, %add3A_51 : vector<128x128xf32>
    %get3A_57 = arith.constant 0 : index
    %get3A_58 = arith.constant 384 : index
    %get3A_59 = vector.load %arg3[%get3A_57, %get3A_58] : memref<128x3072xf32, #tpu.memory_space<vmem>>, vector<128x128xf32>
    %get3A_60 = arith.constant 0 : index
    %get3A_61 = arith.constant 512 : index
    %get3A_62 = vector.load %arg3[%get3A_60, %get3A_61] : memref<128x3072xf32, #tpu.memory_space<vmem>>, vector<128x128xf32>
    %get3A_63 = arith.constant 0 : index
    %get3A_64 = arith.constant 640 : index
    %get3A_65 = vector.load %arg3[%get3A_63, %get3A_64] : memref<128x3072xf32, #tpu.memory_space<vmem>>, vector<128x128xf32>
    %get3A_66 = arith.constant 0 : index
    %get3A_67 = arith.constant 1 : index
    %get3A_68 = vector.load %arg2[%get3A_66, %get3A_67] : memref<128x8xi32, #tpu.memory_space<vmem>>, vector<128x1xi32>
    %mul3A_69 = arith.constant 128 : i32
    %mul3A_70 = vector.broadcast %mul3A_69 : i32 to vector<128x1xi32>
    %mul3A_71 = arith.muli %get3A_68, %mul3A_70 : vector<128x1xi32>
    %add3A_72 = vector.broadcast %mul3A_71 : vector<128x1xi32> to vector<128x128xi32>
    %add3A_73 = arith.addi %add3A_72, %iota3A : vector<128x128xi32>
    %convert_element_type3A_74 = arith.truncf %get3A_59 : vector<128x128xf32> to vector<128x128xbf16>
    %convert_element_type3A_75 = arith.extf %convert_element_type3A_74 : vector<128x128xbf16> to vector<128x128xf32>
    %mul3A_76 = vector.broadcast %convert_element_type3A_11 : vector<128x1xf32> to vector<128x128xf32>
    %mul3A_77 = arith.mulf %mul3A_76, %convert_element_type3A_75 : vector<128x128xf32>
    %convert_element_type3A_78 = arith.truncf %get3A_62 : vector<128x128xf32> to vector<128x128xbf16>
    %convert_element_type3A_79 = arith.extf %convert_element_type3A_78 : vector<128x128xbf16> to vector<128x128xf32>
    %mul3A_80 = vector.broadcast %convert_element_type3A_13 : vector<128x1xf32> to vector<128x128xf32>
    %mul3A_81 = arith.mulf %mul3A_80, %convert_element_type3A_79 : vector<128x128xf32>
    %add3A_82 = arith.addf %mul3A_77, %mul3A_81 : vector<128x128xf32>
    %convert_element_type3A_83 = arith.truncf %get3A_65 : vector<128x128xf32> to vector<128x128xbf16>
    %convert_element_type3A_84 = arith.extf %convert_element_type3A_83 : vector<128x128xbf16> to vector<128x128xf32>
    %mul3A_85 = vector.broadcast %convert_element_type3A_15 : vector<128x1xf32> to vector<128x128xf32>
    %mul3A_86 = arith.mulf %mul3A_85, %convert_element_type3A_84 : vector<128x128xf32>
    %add3A_87 = arith.addf %add3A_82, %mul3A_86 : vector<128x128xf32>
    %mul3A_88 = arith.mulf %get3A_59, %get3A_59 : vector<128x128xf32>
    %mul3A_89 = arith.mulf %get3A_62, %get3A_62 : vector<128x128xf32>
    %add3A_90 = arith.addf %mul3A_88, %mul3A_89 : vector<128x128xf32>
    %mul3A_91 = arith.mulf %get3A_65, %get3A_65 : vector<128x128xf32>
    %add3A_92 = arith.addf %add3A_90, %mul3A_91 : vector<128x128xf32>
    %mul3A_93 = arith.constant 2.000000e+00 : f32
    %mul3A_94 = vector.broadcast %mul3A_93 : f32 to vector<128x128xf32>
    %mul3A_95 = arith.mulf %mul3A_94, %add3A_87 : vector<128x128xf32>
    %sub3A_96 = vector.broadcast %add3A_10 : vector<128x1xf32> to vector<128x128xf32>
    %sub3A_97 = arith.subf %sub3A_96, %mul3A_95 : vector<128x128xf32>
    %add3A_98 = arith.addf %sub3A_97, %add3A_92 : vector<128x128xf32>
    %get3A_99 = arith.constant 0 : index
    %get3A_100 = arith.constant 768 : index
    %get3A_101 = vector.load %arg3[%get3A_99, %get3A_100] : memref<128x3072xf32, #tpu.memory_space<vmem>>, vector<128x128xf32>
    %get3A_102 = arith.constant 0 : index
    %get3A_103 = arith.constant 896 : index
    %get3A_104 = vector.load %arg3[%get3A_102, %get3A_103] : memref<128x3072xf32, #tpu.memory_space<vmem>>, vector<128x128xf32>
    %get3A_105 = arith.constant 0 : index
    %get3A_106 = arith.constant 1024 : index
    %get3A_107 = vector.load %arg3[%get3A_105, %get3A_106] : memref<128x3072xf32, #tpu.memory_space<vmem>>, vector<128x128xf32>
    %get3A_108 = arith.constant 0 : index
    %get3A_109 = arith.constant 2 : index
    %get3A_110 = vector.load %arg2[%get3A_108, %get3A_109] : memref<128x8xi32, #tpu.memory_space<vmem>>, vector<128x1xi32>
    %mul3A_111 = arith.constant 128 : i32
    %mul3A_112 = vector.broadcast %mul3A_111 : i32 to vector<128x1xi32>
    %mul3A_113 = arith.muli %get3A_110, %mul3A_112 : vector<128x1xi32>
    %add3A_114 = vector.broadcast %mul3A_113 : vector<128x1xi32> to vector<128x128xi32>
    %add3A_115 = arith.addi %add3A_114, %iota3A : vector<128x128xi32>
    %convert_element_type3A_116 = arith.truncf %get3A_101 : vector<128x128xf32> to vector<128x128xbf16>
    %convert_element_type3A_117 = arith.extf %convert_element_type3A_116 : vector<128x128xbf16> to vector<128x128xf32>
    %mul3A_118 = vector.broadcast %convert_element_type3A_11 : vector<128x1xf32> to vector<128x128xf32>
    %mul3A_119 = arith.mulf %mul3A_118, %convert_element_type3A_117 : vector<128x128xf32>
    %convert_element_type3A_120 = arith.truncf %get3A_104 : vector<128x128xf32> to vector<128x128xbf16>
    %convert_element_type3A_121 = arith.extf %convert_element_type3A_120 : vector<128x128xbf16> to vector<128x128xf32>
    %mul3A_122 = vector.broadcast %convert_element_type3A_13 : vector<128x1xf32> to vector<128x128xf32>
    %mul3A_123 = arith.mulf %mul3A_122, %convert_element_type3A_121 : vector<128x128xf32>
    %add3A_124 = arith.addf %mul3A_119, %mul3A_123 : vector<128x128xf32>
    %convert_element_type3A_125 = arith.truncf %get3A_107 : vector<128x128xf32> to vector<128x128xbf16>
    %convert_element_type3A_126 = arith.extf %convert_element_type3A_125 : vector<128x128xbf16> to vector<128x128xf32>
    %mul3A_127 = vector.broadcast %convert_element_type3A_15 : vector<128x1xf32> to vector<128x128xf32>
    %mul3A_128 = arith.mulf %mul3A_127, %convert_element_type3A_126 : vector<128x128xf32>
    %add3A_129 = arith.addf %add3A_124, %mul3A_128 : vector<128x128xf32>
    %mul3A_130 = arith.mulf %get3A_101, %get3A_101 : vector<128x128xf32>
    %mul3A_131 = arith.mulf %get3A_104, %get3A_104 : vector<128x128xf32>
    %add3A_132 = arith.addf %mul3A_130, %mul3A_131 : vector<128x128xf32>
    %mul3A_133 = arith.mulf %get3A_107, %get3A_107 : vector<128x128xf32>
    %add3A_134 = arith.addf %add3A_132, %mul3A_133 : vector<128x128xf32>
    %mul3A_135 = arith.constant 2.000000e+00 : f32
    %mul3A_136 = vector.broadcast %mul3A_135 : f32 to vector<128x128xf32>
    %mul3A_137 = arith.mulf %mul3A_136, %add3A_129 : vector<128x128xf32>
    %sub3A_138 = vector.broadcast %add3A_10 : vector<128x1xf32> to vector<128x128xf32>
    %sub3A_139 = arith.subf %sub3A_138, %mul3A_137 : vector<128x128xf32>
    %add3A_140 = arith.addf %sub3A_139, %add3A_134 : vector<128x128xf32>
    %get3A_141 = arith.constant 0 : index
    %get3A_142 = arith.constant 1152 : index
    %get3A_143 = vector.load %arg3[%get3A_141, %get3A_142] : memref<128x3072xf32, #tpu.memory_space<vmem>>, vector<128x128xf32>
    %get3A_144 = arith.constant 0 : index
    %get3A_145 = arith.constant 1280 : index
    %get3A_146 = vector.load %arg3[%get3A_144, %get3A_145] : memref<128x3072xf32, #tpu.memory_space<vmem>>, vector<128x128xf32>
    %get3A_147 = arith.constant 0 : index
    %get3A_148 = arith.constant 1408 : index
    %get3A_149 = vector.load %arg3[%get3A_147, %get3A_148] : memref<128x3072xf32, #tpu.memory_space<vmem>>, vector<128x128xf32>
    %get3A_150 = arith.constant 0 : index
    %get3A_151 = arith.constant 3 : index
    %get3A_152 = vector.load %arg2[%get3A_150, %get3A_151] : memref<128x8xi32, #tpu.memory_space<vmem>>, vector<128x1xi32>
    %mul3A_153 = arith.constant 128 : i32
    %mul3A_154 = vector.broadcast %mul3A_153 : i32 to vector<128x1xi32>
    %mul3A_155 = arith.muli %get3A_152, %mul3A_154 : vector<128x1xi32>
    %add3A_156 = vector.broadcast %mul3A_155 : vector<128x1xi32> to vector<128x128xi32>
    %add3A_157 = arith.addi %add3A_156, %iota3A : vector<128x128xi32>
    %convert_element_type3A_158 = arith.truncf %get3A_143 : vector<128x128xf32> to vector<128x128xbf16>
    %convert_element_type3A_159 = arith.extf %convert_element_type3A_158 : vector<128x128xbf16> to vector<128x128xf32>
    %mul3A_160 = vector.broadcast %convert_element_type3A_11 : vector<128x1xf32> to vector<128x128xf32>
    %mul3A_161 = arith.mulf %mul3A_160, %convert_element_type3A_159 : vector<128x128xf32>
    %convert_element_type3A_162 = arith.truncf %get3A_146 : vector<128x128xf32> to vector<128x128xbf16>
    %convert_element_type3A_163 = arith.extf %convert_element_type3A_162 : vector<128x128xbf16> to vector<128x128xf32>
    %mul3A_164 = vector.broadcast %convert_element_type3A_13 : vector<128x1xf32> to vector<128x128xf32>
    %mul3A_165 = arith.mulf %mul3A_164, %convert_element_type3A_163 : vector<128x128xf32>
    %add3A_166 = arith.addf %mul3A_161, %mul3A_165 : vector<128x128xf32>
    %convert_element_type3A_167 = arith.truncf %get3A_149 : vector<128x128xf32> to vector<128x128xbf16>
    %convert_element_type3A_168 = arith.extf %convert_element_type3A_167 : vector<128x128xbf16> to vector<128x128xf32>
    %mul3A_169 = vector.broadcast %convert_element_type3A_15 : vector<128x1xf32> to vector<128x128xf32>
    %mul3A_170 = arith.mulf %mul3A_169, %convert_element_type3A_168 : vector<128x128xf32>
    %add3A_171 = arith.addf %add3A_166, %mul3A_170 : vector<128x128xf32>
    %mul3A_172 = arith.mulf %get3A_143, %get3A_143 : vector<128x128xf32>
    %mul3A_173 = arith.mulf %get3A_146, %get3A_146 : vector<128x128xf32>
    %add3A_174 = arith.addf %mul3A_172, %mul3A_173 : vector<128x128xf32>
    %mul3A_175 = arith.mulf %get3A_149, %get3A_149 : vector<128x128xf32>
    %add3A_176 = arith.addf %add3A_174, %mul3A_175 : vector<128x128xf32>
    %mul3A_177 = arith.constant 2.000000e+00 : f32
    %mul3A_178 = vector.broadcast %mul3A_177 : f32 to vector<128x128xf32>
    %mul3A_179 = arith.mulf %mul3A_178, %add3A_171 : vector<128x128xf32>
    %sub3A_180 = vector.broadcast %add3A_10 : vector<128x1xf32> to vector<128x128xf32>
    %sub3A_181 = arith.subf %sub3A_180, %mul3A_179 : vector<128x128xf32>
    %add3A_182 = arith.addf %sub3A_181, %add3A_176 : vector<128x128xf32>
    %get3A_183 = arith.constant 0 : index
    %get3A_184 = arith.constant 1536 : index
    %get3A_185 = vector.load %arg3[%get3A_183, %get3A_184] : memref<128x3072xf32, #tpu.memory_space<vmem>>, vector<128x128xf32>
    %get3A_186 = arith.constant 0 : index
    %get3A_187 = arith.constant 1664 : index
    %get3A_188 = vector.load %arg3[%get3A_186, %get3A_187] : memref<128x3072xf32, #tpu.memory_space<vmem>>, vector<128x128xf32>
    %get3A_189 = arith.constant 0 : index
    %get3A_190 = arith.constant 1792 : index
    %get3A_191 = vector.load %arg3[%get3A_189, %get3A_190] : memref<128x3072xf32, #tpu.memory_space<vmem>>, vector<128x128xf32>
    %get3A_192 = arith.constant 0 : index
    %get3A_193 = arith.constant 4 : index
    %get3A_194 = vector.load %arg2[%get3A_192, %get3A_193] : memref<128x8xi32, #tpu.memory_space<vmem>>, vector<128x1xi32>
    %mul3A_195 = arith.constant 128 : i32
    %mul3A_196 = vector.broadcast %mul3A_195 : i32 to vector<128x1xi32>
    %mul3A_197 = arith.muli %get3A_194, %mul3A_196 : vector<128x1xi32>
    %add3A_198 = vector.broadcast %mul3A_197 : vector<128x1xi32> to vector<128x128xi32>
    %add3A_199 = arith.addi %add3A_198, %iota3A : vector<128x128xi32>
    %convert_element_type3A_200 = arith.truncf %get3A_185 : vector<128x128xf32> to vector<128x128xbf16>
    %convert_element_type3A_201 = arith.extf %convert_element_type3A_200 : vector<128x128xbf16> to vector<128x128xf32>
    %mul3A_202 = vector.broadcast %convert_element_type3A_11 : vector<128x1xf32> to vector<128x128xf32>
    %mul3A_203 = arith.mulf %mul3A_202, %convert_element_type3A_201 : vector<128x128xf32>
    %convert_element_type3A_204 = arith.truncf %get3A_188 : vector<128x128xf32> to vector<128x128xbf16>
    %convert_element_type3A_205 = arith.extf %convert_element_type3A_204 : vector<128x128xbf16> to vector<128x128xf32>
    %mul3A_206 = vector.broadcast %convert_element_type3A_13 : vector<128x1xf32> to vector<128x128xf32>
    %mul3A_207 = arith.mulf %mul3A_206, %convert_element_type3A_205 : vector<128x128xf32>
    %add3A_208 = arith.addf %mul3A_203, %mul3A_207 : vector<128x128xf32>
    %convert_element_type3A_209 = arith.truncf %get3A_191 : vector<128x128xf32> to vector<128x128xbf16>
    %convert_element_type3A_210 = arith.extf %convert_element_type3A_209 : vector<128x128xbf16> to vector<128x128xf32>
    %mul3A_211 = vector.broadcast %convert_element_type3A_15 : vector<128x1xf32> to vector<128x128xf32>
    %mul3A_212 = arith.mulf %mul3A_211, %convert_element_type3A_210 : vector<128x128xf32>
    %add3A_213 = arith.addf %add3A_208, %mul3A_212 : vector<128x128xf32>
    %mul3A_214 = arith.mulf %get3A_185, %get3A_185 : vector<128x128xf32>
    %mul3A_215 = arith.mulf %get3A_188, %get3A_188 : vector<128x128xf32>
    %add3A_216 = arith.addf %mul3A_214, %mul3A_215 : vector<128x128xf32>
    %mul3A_217 = arith.mulf %get3A_191, %get3A_191 : vector<128x128xf32>
    %add3A_218 = arith.addf %add3A_216, %mul3A_217 : vector<128x128xf32>
    %mul3A_219 = arith.constant 2.000000e+00 : f32
    %mul3A_220 = vector.broadcast %mul3A_219 : f32 to vector<128x128xf32>
    %mul3A_221 = arith.mulf %mul3A_220, %add3A_213 : vector<128x128xf32>
    %sub3A_222 = vector.broadcast %add3A_10 : vector<128x1xf32> to vector<128x128xf32>
    %sub3A_223 = arith.subf %sub3A_222, %mul3A_221 : vector<128x128xf32>
    %add3A_224 = arith.addf %sub3A_223, %add3A_218 : vector<128x128xf32>
    %get3A_225 = arith.constant 0 : index
    %get3A_226 = arith.constant 1920 : index
    %get3A_227 = vector.load %arg3[%get3A_225, %get3A_226] : memref<128x3072xf32, #tpu.memory_space<vmem>>, vector<128x128xf32>
    %get3A_228 = arith.constant 0 : index
    %get3A_229 = arith.constant 2048 : index
    %get3A_230 = vector.load %arg3[%get3A_228, %get3A_229] : memref<128x3072xf32, #tpu.memory_space<vmem>>, vector<128x128xf32>
    %get3A_231 = arith.constant 0 : index
    %get3A_232 = arith.constant 2176 : index
    %get3A_233 = vector.load %arg3[%get3A_231, %get3A_232] : memref<128x3072xf32, #tpu.memory_space<vmem>>, vector<128x128xf32>
    %get3A_234 = arith.constant 0 : index
    %get3A_235 = arith.constant 5 : index
    %get3A_236 = vector.load %arg2[%get3A_234, %get3A_235] : memref<128x8xi32, #tpu.memory_space<vmem>>, vector<128x1xi32>
    %mul3A_237 = arith.constant 128 : i32
    %mul3A_238 = vector.broadcast %mul3A_237 : i32 to vector<128x1xi32>
    %mul3A_239 = arith.muli %get3A_236, %mul3A_238 : vector<128x1xi32>
    %add3A_240 = vector.broadcast %mul3A_239 : vector<128x1xi32> to vector<128x128xi32>
    %add3A_241 = arith.addi %add3A_240, %iota3A : vector<128x128xi32>
    %convert_element_type3A_242 = arith.truncf %get3A_227 : vector<128x128xf32> to vector<128x128xbf16>
    %convert_element_type3A_243 = arith.extf %convert_element_type3A_242 : vector<128x128xbf16> to vector<128x128xf32>
    %mul3A_244 = vector.broadcast %convert_element_type3A_11 : vector<128x1xf32> to vector<128x128xf32>
    %mul3A_245 = arith.mulf %mul3A_244, %convert_element_type3A_243 : vector<128x128xf32>
    %convert_element_type3A_246 = arith.truncf %get3A_230 : vector<128x128xf32> to vector<128x128xbf16>
    %convert_element_type3A_247 = arith.extf %convert_element_type3A_246 : vector<128x128xbf16> to vector<128x128xf32>
    %mul3A_248 = vector.broadcast %convert_element_type3A_13 : vector<128x1xf32> to vector<128x128xf32>
    %mul3A_249 = arith.mulf %mul3A_248, %convert_element_type3A_247 : vector<128x128xf32>
    %add3A_250 = arith.addf %mul3A_245, %mul3A_249 : vector<128x128xf32>
    %convert_element_type3A_251 = arith.truncf %get3A_233 : vector<128x128xf32> to vector<128x128xbf16>
    %convert_element_type3A_252 = arith.extf %convert_element_type3A_251 : vector<128x128xbf16> to vector<128x128xf32>
    %mul3A_253 = vector.broadcast %convert_element_type3A_15 : vector<128x1xf32> to vector<128x128xf32>
    %mul3A_254 = arith.mulf %mul3A_253, %convert_element_type3A_252 : vector<128x128xf32>
    %add3A_255 = arith.addf %add3A_250, %mul3A_254 : vector<128x128xf32>
    %mul3A_256 = arith.mulf %get3A_227, %get3A_227 : vector<128x128xf32>
    %mul3A_257 = arith.mulf %get3A_230, %get3A_230 : vector<128x128xf32>
    %add3A_258 = arith.addf %mul3A_256, %mul3A_257 : vector<128x128xf32>
    %mul3A_259 = arith.mulf %get3A_233, %get3A_233 : vector<128x128xf32>
    %add3A_260 = arith.addf %add3A_258, %mul3A_259 : vector<128x128xf32>
    %mul3A_261 = arith.constant 2.000000e+00 : f32
    %mul3A_262 = vector.broadcast %mul3A_261 : f32 to vector<128x128xf32>
    %mul3A_263 = arith.mulf %mul3A_262, %add3A_255 : vector<128x128xf32>
    %sub3A_264 = vector.broadcast %add3A_10 : vector<128x1xf32> to vector<128x128xf32>
    %sub3A_265 = arith.subf %sub3A_264, %mul3A_263 : vector<128x128xf32>
    %add3A_266 = arith.addf %sub3A_265, %add3A_260 : vector<128x128xf32>
    %get3A_267 = arith.constant 0 : index
    %get3A_268 = arith.constant 2304 : index
    %get3A_269 = vector.load %arg3[%get3A_267, %get3A_268] : memref<128x3072xf32, #tpu.memory_space<vmem>>, vector<128x128xf32>
    %get3A_270 = arith.constant 0 : index
    %get3A_271 = arith.constant 2432 : index
    %get3A_272 = vector.load %arg3[%get3A_270, %get3A_271] : memref<128x3072xf32, #tpu.memory_space<vmem>>, vector<128x128xf32>
    %get3A_273 = arith.constant 0 : index
    %get3A_274 = arith.constant 2560 : index
    %get3A_275 = vector.load %arg3[%get3A_273, %get3A_274] : memref<128x3072xf32, #tpu.memory_space<vmem>>, vector<128x128xf32>
    %get3A_276 = arith.constant 0 : index
    %get3A_277 = arith.constant 6 : index
    %get3A_278 = vector.load %arg2[%get3A_276, %get3A_277] : memref<128x8xi32, #tpu.memory_space<vmem>>, vector<128x1xi32>
    %mul3A_279 = arith.constant 128 : i32
    %mul3A_280 = vector.broadcast %mul3A_279 : i32 to vector<128x1xi32>
    %mul3A_281 = arith.muli %get3A_278, %mul3A_280 : vector<128x1xi32>
    %add3A_282 = vector.broadcast %mul3A_281 : vector<128x1xi32> to vector<128x128xi32>
    %add3A_283 = arith.addi %add3A_282, %iota3A : vector<128x128xi32>
    %convert_element_type3A_284 = arith.truncf %get3A_269 : vector<128x128xf32> to vector<128x128xbf16>
    %convert_element_type3A_285 = arith.extf %convert_element_type3A_284 : vector<128x128xbf16> to vector<128x128xf32>
    %mul3A_286 = vector.broadcast %convert_element_type3A_11 : vector<128x1xf32> to vector<128x128xf32>
    %mul3A_287 = arith.mulf %mul3A_286, %convert_element_type3A_285 : vector<128x128xf32>
    %convert_element_type3A_288 = arith.truncf %get3A_272 : vector<128x128xf32> to vector<128x128xbf16>
    %convert_element_type3A_289 = arith.extf %convert_element_type3A_288 : vector<128x128xbf16> to vector<128x128xf32>
    %mul3A_290 = vector.broadcast %convert_element_type3A_13 : vector<128x1xf32> to vector<128x128xf32>
    %mul3A_291 = arith.mulf %mul3A_290, %convert_element_type3A_289 : vector<128x128xf32>
    %add3A_292 = arith.addf %mul3A_287, %mul3A_291 : vector<128x128xf32>
    %convert_element_type3A_293 = arith.truncf %get3A_275 : vector<128x128xf32> to vector<128x128xbf16>
    %convert_element_type3A_294 = arith.extf %convert_element_type3A_293 : vector<128x128xbf16> to vector<128x128xf32>
    %mul3A_295 = vector.broadcast %convert_element_type3A_15 : vector<128x1xf32> to vector<128x128xf32>
    %mul3A_296 = arith.mulf %mul3A_295, %convert_element_type3A_294 : vector<128x128xf32>
    %add3A_297 = arith.addf %add3A_292, %mul3A_296 : vector<128x128xf32>
    %mul3A_298 = arith.mulf %get3A_269, %get3A_269 : vector<128x128xf32>
    %mul3A_299 = arith.mulf %get3A_272, %get3A_272 : vector<128x128xf32>
    %add3A_300 = arith.addf %mul3A_298, %mul3A_299 : vector<128x128xf32>
    %mul3A_301 = arith.mulf %get3A_275, %get3A_275 : vector<128x128xf32>
    %add3A_302 = arith.addf %add3A_300, %mul3A_301 : vector<128x128xf32>
    %mul3A_303 = arith.constant 2.000000e+00 : f32
    %mul3A_304 = vector.broadcast %mul3A_303 : f32 to vector<128x128xf32>
    %mul3A_305 = arith.mulf %mul3A_304, %add3A_297 : vector<128x128xf32>
    %sub3A_306 = vector.broadcast %add3A_10 : vector<128x1xf32> to vector<128x128xf32>
    %sub3A_307 = arith.subf %sub3A_306, %mul3A_305 : vector<128x128xf32>
    %add3A_308 = arith.addf %sub3A_307, %add3A_302 : vector<128x128xf32>
    %get3A_309 = arith.constant 0 : index
    %get3A_310 = arith.constant 2688 : index
    %get3A_311 = vector.load %arg3[%get3A_309, %get3A_310] : memref<128x3072xf32, #tpu.memory_space<vmem>>, vector<128x128xf32>
    %get3A_312 = arith.constant 0 : index
    %get3A_313 = arith.constant 2816 : index
    %get3A_314 = vector.load %arg3[%get3A_312, %get3A_313] : memref<128x3072xf32, #tpu.memory_space<vmem>>, vector<128x128xf32>
    %get3A_315 = arith.constant 0 : index
    %get3A_316 = arith.constant 2944 : index
    %get3A_317 = vector.load %arg3[%get3A_315, %get3A_316] : memref<128x3072xf32, #tpu.memory_space<vmem>>, vector<128x128xf32>
    %get3A_318 = arith.constant 0 : index
    %get3A_319 = arith.constant 7 : index
    %get3A_320 = vector.load %arg2[%get3A_318, %get3A_319] : memref<128x8xi32, #tpu.memory_space<vmem>>, vector<128x1xi32>
    %mul3A_321 = arith.constant 128 : i32
    %mul3A_322 = vector.broadcast %mul3A_321 : i32 to vector<128x1xi32>
    %mul3A_323 = arith.muli %get3A_320, %mul3A_322 : vector<128x1xi32>
    %add3A_324 = vector.broadcast %mul3A_323 : vector<128x1xi32> to vector<128x128xi32>
    %add3A_325 = arith.addi %add3A_324, %iota3A : vector<128x128xi32>
    %convert_element_type3A_326 = arith.truncf %get3A_311 : vector<128x128xf32> to vector<128x128xbf16>
    %convert_element_type3A_327 = arith.extf %convert_element_type3A_326 : vector<128x128xbf16> to vector<128x128xf32>
    %mul3A_328 = vector.broadcast %convert_element_type3A_11 : vector<128x1xf32> to vector<128x128xf32>
    %mul3A_329 = arith.mulf %mul3A_328, %convert_element_type3A_327 : vector<128x128xf32>
    %convert_element_type3A_330 = arith.truncf %get3A_314 : vector<128x128xf32> to vector<128x128xbf16>
    %convert_element_type3A_331 = arith.extf %convert_element_type3A_330 : vector<128x128xbf16> to vector<128x128xf32>
    %mul3A_332 = vector.broadcast %convert_element_type3A_13 : vector<128x1xf32> to vector<128x128xf32>
    %mul3A_333 = arith.mulf %mul3A_332, %convert_element_type3A_331 : vector<128x128xf32>
    %add3A_334 = arith.addf %mul3A_329, %mul3A_333 : vector<128x128xf32>
    %convert_element_type3A_335 = arith.truncf %get3A_317 : vector<128x128xf32> to vector<128x128xbf16>
    %convert_element_type3A_336 = arith.extf %convert_element_type3A_335 : vector<128x128xbf16> to vector<128x128xf32>
    %mul3A_337 = vector.broadcast %convert_element_type3A_15 : vector<128x1xf32> to vector<128x128xf32>
    %mul3A_338 = arith.mulf %mul3A_337, %convert_element_type3A_336 : vector<128x128xf32>
    %add3A_339 = arith.addf %add3A_334, %mul3A_338 : vector<128x128xf32>
    %mul3A_340 = arith.mulf %get3A_311, %get3A_311 : vector<128x128xf32>
    %mul3A_341 = arith.mulf %get3A_314, %get3A_314 : vector<128x128xf32>
    %add3A_342 = arith.addf %mul3A_340, %mul3A_341 : vector<128x128xf32>
    %mul3A_343 = arith.mulf %get3A_317, %get3A_317 : vector<128x128xf32>
    %add3A_344 = arith.addf %add3A_342, %mul3A_343 : vector<128x128xf32>
    %mul3A_345 = arith.constant 2.000000e+00 : f32
    %mul3A_346 = vector.broadcast %mul3A_345 : f32 to vector<128x128xf32>
    %mul3A_347 = arith.mulf %mul3A_346, %add3A_339 : vector<128x128xf32>
    %sub3A_348 = vector.broadcast %add3A_10 : vector<128x1xf32> to vector<128x128xf32>
    %sub3A_349 = arith.subf %sub3A_348, %mul3A_347 : vector<128x128xf32>
    %add3A_350 = arith.addf %sub3A_349, %add3A_344 : vector<128x128xf32>
    %concatenate3A = tpu.concatenate %add3A_56, %add3A_98, %add3A_140, %add3A_182, %add3A_224, %add3A_266, %add3A_308, %add3A_350 in 1 : vector<128x128xf32>, vector<128x128xf32>, vector<128x128xf32>, vector<128x128xf32>, vector<128x128xf32>, vector<128x128xf32>, vector<128x128xf32>, vector<128x128xf32> -> vector<128x1024xf32>
    %concatenate3A_351 = tpu.concatenate %add3A_32, %add3A_73, %add3A_115, %add3A_157, %add3A_199, %add3A_241, %add3A_283, %add3A_325 in 1 : vector<128x128xi32>, vector<128x128xi32>, vector<128x128xi32>, vector<128x128xi32>, vector<128x128xi32>, vector<128x128xi32>, vector<128x128xi32>, vector<128x128xi32> -> vector<128x1024xi32>
    %reduce_min3A = arith.constant dense<0x7F800000> : vector<128xf32>
    %reduce_min3A_352 = vector.multi_reduction <minimumf>, %concatenate3A, %reduce_min3A [1] : vector<128x1024xf32> to vector<128xf32>
    %broadcast_in_dim3A = vector.shape_cast %reduce_min3A_352 : vector<128xf32> to vector<128x1xf32>
    %eq3A = vector.broadcast %broadcast_in_dim3A : vector<128x1xf32> to vector<128x1024xf32>
    %eq3A_353 = arith.cmpf oeq, %concatenate3A, %eq3A : vector<128x1024xf32>
    %jit3A = arith.constant 32768 : i32
    %broadcast_in_dim3A_354 = vector.broadcast %jit3A : i32 to vector<128x1024xi32>
    %select_n3A = arith.select %eq3A_353, %concatenate3A_351, %broadcast_in_dim3A_354 : vector<128x1024xi1>, vector<128x1024xi32>
    %reduce_min3A_355 = arith.constant dense<2147483647> : vector<128xi32>
    %reduce_min3A_356 = vector.multi_reduction <minsi>, %select_n3A, %reduce_min3A_355 [1] : vector<128x1024xi32> to vector<128xi32>
    %broadcast_in_dim3A_357 = vector.shape_cast %reduce_min3A_356 : vector<128xi32> to vector<128x1xi32>
    %jit3A_358 = arith.constant 3.000000e+38 : f32
    %broadcast_in_dim3A_359 = vector.broadcast %jit3A_358 : f32 to vector<128x1024xf32>
    %select_n3A_360 = arith.select %eq3A_353, %broadcast_in_dim3A_359, %concatenate3A : vector<128x1024xi1>, vector<128x1024xf32>
    %reduce_min3A_361 = arith.constant dense<0x7F800000> : vector<128xf32>
    %reduce_min3A_362 = vector.multi_reduction <minimumf>, %select_n3A_360, %reduce_min3A_361 [1] : vector<128x1024xf32> to vector<128xf32>
    %broadcast_in_dim3A_363 = vector.shape_cast %reduce_min3A_362 : vector<128xf32> to vector<128x1xf32>
    %eq3A_364 = vector.broadcast %broadcast_in_dim3A_363 : vector<128x1xf32> to vector<128x1024xf32>
    %eq3A_365 = arith.cmpf oeq, %select_n3A_360, %eq3A_364 : vector<128x1024xf32>
    %jit3A_366 = arith.constant 32768 : i32
    %broadcast_in_dim3A_367 = vector.broadcast %jit3A_366 : i32 to vector<128x1024xi32>
    %select_n3A_368 = arith.select %eq3A_365, %concatenate3A_351, %broadcast_in_dim3A_367 : vector<128x1024xi1>, vector<128x1024xi32>
    %reduce_min3A_369 = arith.constant dense<2147483647> : vector<128xi32>
    %reduce_min3A_370 = vector.multi_reduction <minsi>, %select_n3A_368, %reduce_min3A_369 [1] : vector<128x1024xi32> to vector<128xi32>
    %broadcast_in_dim3A_371 = vector.shape_cast %reduce_min3A_370 : vector<128xi32> to vector<128x1xi32>
    %jit3A_372 = arith.constant 3.000000e+38 : f32
    %broadcast_in_dim3A_373 = vector.broadcast %jit3A_372 : f32 to vector<128x1024xf32>
    %select_n3A_374 = arith.select %eq3A_365, %broadcast_in_dim3A_373, %select_n3A_360 : vector<128x1024xi1>, vector<128x1024xf32>
    %reduce_min3A_375 = arith.constant dense<0x7F800000> : vector<128xf32>
    %reduce_min3A_376 = vector.multi_reduction <minimumf>, %select_n3A_374, %reduce_min3A_375 [1] : vector<128x1024xf32> to vector<128xf32>
    %broadcast_in_dim3A_377 = vector.shape_cast %reduce_min3A_376 : vector<128xf32> to vector<128x1xf32>
    %eq3A_378 = vector.broadcast %broadcast_in_dim3A_377 : vector<128x1xf32> to vector<128x1024xf32>
    %eq3A_379 = arith.cmpf oeq, %select_n3A_374, %eq3A_378 : vector<128x1024xf32>
    %jit3A_380 = arith.constant 32768 : i32
    %broadcast_in_dim3A_381 = vector.broadcast %jit3A_380 : i32 to vector<128x1024xi32>
    %select_n3A_382 = arith.select %eq3A_379, %concatenate3A_351, %broadcast_in_dim3A_381 : vector<128x1024xi1>, vector<128x1024xi32>
    %reduce_min3A_383 = arith.constant dense<2147483647> : vector<128xi32>
    %reduce_min3A_384 = vector.multi_reduction <minsi>, %select_n3A_382, %reduce_min3A_383 [1] : vector<128x1024xi32> to vector<128xi32>
    %broadcast_in_dim3A_385 = vector.shape_cast %reduce_min3A_384 : vector<128xi32> to vector<128x1xi32>
    %jit3A_386 = arith.constant 3.000000e+38 : f32
    %broadcast_in_dim3A_387 = vector.broadcast %jit3A_386 : f32 to vector<128x1024xf32>
    %select_n3A_388 = arith.select %eq3A_379, %broadcast_in_dim3A_387, %select_n3A_374 : vector<128x1024xi1>, vector<128x1024xf32>
    %reduce_min3A_389 = arith.constant dense<0x7F800000> : vector<128xf32>
    %reduce_min3A_390 = vector.multi_reduction <minimumf>, %select_n3A_388, %reduce_min3A_389 [1] : vector<128x1024xf32> to vector<128xf32>
    %broadcast_in_dim3A_391 = vector.shape_cast %reduce_min3A_390 : vector<128xf32> to vector<128x1xf32>
    %eq3A_392 = vector.broadcast %broadcast_in_dim3A_391 : vector<128x1xf32> to vector<128x1024xf32>
    %eq3A_393 = arith.cmpf oeq, %select_n3A_388, %eq3A_392 : vector<128x1024xf32>
    %jit3A_394 = arith.constant 32768 : i32
    %broadcast_in_dim3A_395 = vector.broadcast %jit3A_394 : i32 to vector<128x1024xi32>
    %select_n3A_396 = arith.select %eq3A_393, %concatenate3A_351, %broadcast_in_dim3A_395 : vector<128x1024xi1>, vector<128x1024xi32>
    %reduce_min3A_397 = arith.constant dense<2147483647> : vector<128xi32>
    %reduce_min3A_398 = vector.multi_reduction <minsi>, %select_n3A_396, %reduce_min3A_397 [1] : vector<128x1024xi32> to vector<128xi32>
    %broadcast_in_dim3A_399 = vector.shape_cast %reduce_min3A_398 : vector<128xi32> to vector<128x1xi32>
    %jit3A_400 = arith.constant 3.000000e+38 : f32
    %broadcast_in_dim3A_401 = vector.broadcast %jit3A_400 : f32 to vector<128x1024xf32>
    %select_n3A_402 = arith.select %eq3A_393, %broadcast_in_dim3A_401, %select_n3A_388 : vector<128x1024xi1>, vector<128x1024xf32>
    %reduce_min3A_403 = arith.constant dense<0x7F800000> : vector<128xf32>
    %reduce_min3A_404 = vector.multi_reduction <minimumf>, %select_n3A_402, %reduce_min3A_403 [1] : vector<128x1024xf32> to vector<128xf32>
    %broadcast_in_dim3A_405 = vector.shape_cast %reduce_min3A_404 : vector<128xf32> to vector<128x1xf32>
    %eq3A_406 = vector.broadcast %broadcast_in_dim3A_405 : vector<128x1xf32> to vector<128x1024xf32>
    %eq3A_407 = arith.cmpf oeq, %select_n3A_402, %eq3A_406 : vector<128x1024xf32>
    %jit3A_408 = arith.constant 32768 : i32
    %broadcast_in_dim3A_409 = vector.broadcast %jit3A_408 : i32 to vector<128x1024xi32>
    %select_n3A_410 = arith.select %eq3A_407, %concatenate3A_351, %broadcast_in_dim3A_409 : vector<128x1024xi1>, vector<128x1024xi32>
    %reduce_min3A_411 = arith.constant dense<2147483647> : vector<128xi32>
    %reduce_min3A_412 = vector.multi_reduction <minsi>, %select_n3A_410, %reduce_min3A_411 [1] : vector<128x1024xi32> to vector<128xi32>
    %broadcast_in_dim3A_413 = vector.shape_cast %reduce_min3A_412 : vector<128xi32> to vector<128x1xi32>
    %jit3A_414 = arith.constant 3.000000e+38 : f32
    %broadcast_in_dim3A_415 = vector.broadcast %jit3A_414 : f32 to vector<128x1024xf32>
    %select_n3A_416 = arith.select %eq3A_407, %broadcast_in_dim3A_415, %select_n3A_402 : vector<128x1024xi1>, vector<128x1024xf32>
    %reduce_min3A_417 = arith.constant dense<0x7F800000> : vector<128xf32>
    %reduce_min3A_418 = vector.multi_reduction <minimumf>, %select_n3A_416, %reduce_min3A_417 [1] : vector<128x1024xf32> to vector<128xf32>
    %broadcast_in_dim3A_419 = vector.shape_cast %reduce_min3A_418 : vector<128xf32> to vector<128x1xf32>
    %eq3A_420 = vector.broadcast %broadcast_in_dim3A_419 : vector<128x1xf32> to vector<128x1024xf32>
    %eq3A_421 = arith.cmpf oeq, %select_n3A_416, %eq3A_420 : vector<128x1024xf32>
    %jit3A_422 = arith.constant 32768 : i32
    %broadcast_in_dim3A_423 = vector.broadcast %jit3A_422 : i32 to vector<128x1024xi32>
    %select_n3A_424 = arith.select %eq3A_421, %concatenate3A_351, %broadcast_in_dim3A_423 : vector<128x1024xi1>, vector<128x1024xi32>
    %reduce_min3A_425 = arith.constant dense<2147483647> : vector<128xi32>
    %reduce_min3A_426 = vector.multi_reduction <minsi>, %select_n3A_424, %reduce_min3A_425 [1] : vector<128x1024xi32> to vector<128xi32>
    %broadcast_in_dim3A_427 = vector.shape_cast %reduce_min3A_426 : vector<128xi32> to vector<128x1xi32>
    %jit3A_428 = arith.constant 3.000000e+38 : f32
    %broadcast_in_dim3A_429 = vector.broadcast %jit3A_428 : f32 to vector<128x1024xf32>
    %select_n3A_430 = arith.select %eq3A_421, %broadcast_in_dim3A_429, %select_n3A_416 : vector<128x1024xi1>, vector<128x1024xf32>
    %reduce_min3A_431 = arith.constant dense<0x7F800000> : vector<128xf32>
    %reduce_min3A_432 = vector.multi_reduction <minimumf>, %select_n3A_430, %reduce_min3A_431 [1] : vector<128x1024xf32> to vector<128xf32>
    %broadcast_in_dim3A_433 = vector.shape_cast %reduce_min3A_432 : vector<128xf32> to vector<128x1xf32>
    %eq3A_434 = vector.broadcast %broadcast_in_dim3A_433 : vector<128x1xf32> to vector<128x1024xf32>
    %eq3A_435 = arith.cmpf oeq, %select_n3A_430, %eq3A_434 : vector<128x1024xf32>
    %jit3A_436 = arith.constant 32768 : i32
    %broadcast_in_dim3A_437 = vector.broadcast %jit3A_436 : i32 to vector<128x1024xi32>
    %select_n3A_438 = arith.select %eq3A_435, %concatenate3A_351, %broadcast_in_dim3A_437 : vector<128x1024xi1>, vector<128x1024xi32>
    %reduce_min3A_439 = arith.constant dense<2147483647> : vector<128xi32>
    %reduce_min3A_440 = vector.multi_reduction <minsi>, %select_n3A_438, %reduce_min3A_439 [1] : vector<128x1024xi32> to vector<128xi32>
    %broadcast_in_dim3A_441 = vector.shape_cast %reduce_min3A_440 : vector<128xi32> to vector<128x1xi32>
    %jit3A_442 = arith.constant 3.000000e+38 : f32
    %broadcast_in_dim3A_443 = vector.broadcast %jit3A_442 : f32 to vector<128x1024xf32>
    %select_n3A_444 = arith.select %eq3A_435, %broadcast_in_dim3A_443, %select_n3A_430 : vector<128x1024xi1>, vector<128x1024xf32>
    %reduce_min3A_445 = arith.constant dense<0x7F800000> : vector<128xf32>
    %reduce_min3A_446 = vector.multi_reduction <minimumf>, %select_n3A_444, %reduce_min3A_445 [1] : vector<128x1024xf32> to vector<128xf32>
    %broadcast_in_dim3A_447 = vector.shape_cast %reduce_min3A_446 : vector<128xf32> to vector<128x1xf32>
    %eq3A_448 = vector.broadcast %broadcast_in_dim3A_447 : vector<128x1xf32> to vector<128x1024xf32>
    %eq3A_449 = arith.cmpf oeq, %select_n3A_444, %eq3A_448 : vector<128x1024xf32>
    %jit3A_450 = arith.constant 32768 : i32
    %broadcast_in_dim3A_451 = vector.broadcast %jit3A_450 : i32 to vector<128x1024xi32>
    %select_n3A_452 = arith.select %eq3A_449, %concatenate3A_351, %broadcast_in_dim3A_451 : vector<128x1024xi1>, vector<128x1024xi32>
    %reduce_min3A_453 = arith.constant dense<2147483647> : vector<128xi32>
    %reduce_min3A_454 = vector.multi_reduction <minsi>, %select_n3A_452, %reduce_min3A_453 [1] : vector<128x1024xi32> to vector<128xi32>
    %broadcast_in_dim3A_455 = vector.shape_cast %reduce_min3A_454 : vector<128xi32> to vector<128x1xi32>
    %concatenate3A_456 = tpu.concatenate %broadcast_in_dim3A_357, %broadcast_in_dim3A_371, %broadcast_in_dim3A_385, %broadcast_in_dim3A_399, %broadcast_in_dim3A_413, %broadcast_in_dim3A_427, %broadcast_in_dim3A_441, %broadcast_in_dim3A_455 in 1 : vector<128x1xi32>, vector<128x1xi32>, vector<128x1xi32>, vector<128x1xi32>, vector<128x1xi32>, vector<128x1xi32>, vector<128x1xi32>, vector<128x1xi32> -> vector<128x8xi32>
    %swap3A = arith.constant 0 : index
    %swap3A_457 = arith.constant 0 : index
    %swap3A_458 = vector.load %arg4[%swap3A, %swap3A_457] : memref<128x8xi32, #tpu.memory_space<vmem>>, vector<128x8xi32>
    tpu.vector_store %arg4[%swap3A, %swap3A_457], %concatenate3A_456 {strides = array<i32>} : memref<128x8xi32, #tpu.memory_space<vmem>>, vector<128x8xi32>,
    return
  }
  func.func @transform_0(%arg0: i32) -> (i32, i32) {
    %c0_i32 = arith.constant 0 : i32
    %c0_i32_0 = arith.constant 0 : i32
    return %arg0, %c0_i32 : i32, i32
  }
  func.func @transform_1(%arg0: i32) -> (i32, i32) {
    %c0_i32 = arith.constant 0 : i32
    %c0_i32_0 = arith.constant 0 : i32
    return %arg0, %c0_i32 : i32, i32
  }
  func.func @transform_2(%arg0: i32) -> (i32, i32) {
    %c0_i32 = arith.constant 0 : i32
    %c0_i32_0 = arith.constant 0 : i32
    return %arg0, %c0_i32 : i32, i32
  }
  func.func @transform_3(%arg0: i32) -> (i32, i32) {
    %c0_i32 = arith.constant 0 : i32
    %c0_i32_0 = arith.constant 0 : i32
    return %arg0, %c0_i32 : i32, i32
  }
}

module attributes {stable_mosaic.version = 14 : i64} {
  func.func @_mlp_body(%arg0: i32, %arg1: memref<4096x3xf32, #tpu.memory_space<vmem>>, %arg2: memref<4096x128xf32, #tpu.memory_space<vmem>>, %arg3: memref<64x256xf32, #tpu.memory_space<vmem>>, %arg4: memref<256xf32, #tpu.memory_space<vmem>>, %arg5: memref<256x256xf32, #tpu.memory_space<vmem>>, %arg6: memref<256xf32, #tpu.memory_space<vmem>>, %arg7: memref<256x256xf32, #tpu.memory_space<vmem>>, %arg8: memref<256xf32, #tpu.memory_space<vmem>>, %arg9: memref<256x256xf32, #tpu.memory_space<vmem>>, %arg10: memref<256xf32, #tpu.memory_space<vmem>>, %arg11: memref<256x1xf32, #tpu.memory_space<vmem>>, %arg12: memref<1xf32, #tpu.memory_space<vmem>>, %arg13: memref<512x1xf32, #tpu.memory_space<vmem>>) attributes {dimension_semantics = [#tpu.dimension_semantics<arbitrary>], iteration_bounds = array<i64: 8>, scalar_prefetch = 0 : i64, scratch_operands = 0 : i64, tpu.core_type = #tpu.core_type<tc>, window_params = [{transform_indices = @transform_0, window_bounds = array<i64: 4096, 3>}, {transform_indices = @transform_1, window_bounds = array<i64: 4096, 128>}, {pipeline_mode = #tpu.pipeline_mode<synchronous>, transform_indices = @transform_2, window_bounds = array<i64: 64, 256>}, {pipeline_mode = #tpu.pipeline_mode<synchronous>, transform_indices = @transform_3, window_bounds = array<i64: 256>}, {pipeline_mode = #tpu.pipeline_mode<synchronous>, transform_indices = @transform_4, window_bounds = array<i64: 256, 256>}, {pipeline_mode = #tpu.pipeline_mode<synchronous>, transform_indices = @transform_5, window_bounds = array<i64: 256>}, {pipeline_mode = #tpu.pipeline_mode<synchronous>, transform_indices = @transform_6, window_bounds = array<i64: 256, 256>}, {pipeline_mode = #tpu.pipeline_mode<synchronous>, transform_indices = @transform_7, window_bounds = array<i64: 256>}, {pipeline_mode = #tpu.pipeline_mode<synchronous>, transform_indices = @transform_8, window_bounds = array<i64: 256, 256>}, {pipeline_mode = #tpu.pipeline_mode<synchronous>, transform_indices = @transform_9, window_bounds = array<i64: 256>}, {pipeline_mode = #tpu.pipeline_mode<synchronous>, transform_indices = @transform_10, window_bounds = array<i64: 256, 1>}, {pipeline_mode = #tpu.pipeline_mode<synchronous>, transform_indices = @transform_11, window_bounds = array<i64: 1>}, {transform_indices = @transform_12, window_bounds = array<i64: 512, 1>}]} {
    %get3A = arith.constant 0 : index
    %get3A_0 = arith.constant 0 : index
    %get3A_1 = vector.load %arg2[%get3A, %get3A_0] : memref<4096x128xf32, #tpu.memory_space<vmem>>, vector<4096x128xf32>
    %slice3A = vector.extract_strided_slice %get3A_1 {offsets = [0, 0], sizes = [4096, 3], strides = [1, 1]} : vector<4096x128xf32> to vector<4096x3xf32>
    %slice3A_2 = vector.extract_strided_slice %get3A_1 {offsets = [0, 3], sizes = [4096, 32], strides = [1, 1]} : vector<4096x128xf32> to vector<4096x32xf32>
    %get3A_3 = arith.constant 0 : index
    %get3A_4 = arith.constant 0 : index
    %get3A_5 = vector.load %arg1[%get3A_3, %get3A_4] : memref<4096x3xf32, #tpu.memory_space<vmem>>, vector<4096x3xf32>
    %sub3A = arith.subf %get3A_5, %slice3A : vector<4096x3xf32>
    %sin3A = math.sin %sub3A : vector<4096x3xf32>
    %cos3A = math.cos %sub3A : vector<4096x3xf32>
    %mul3A = arith.constant 2.000000e+00 : f32
    %mul3A_6 = vector.broadcast %mul3A : f32 to vector<4096x3xf32>
    %mul3A_7 = arith.mulf %mul3A_6, %sin3A : vector<4096x3xf32>
    %mul3A_8 = arith.mulf %mul3A_7, %cos3A : vector<4096x3xf32>
    %mul3A_9 = arith.constant 2.000000e+00 : f32
    %mul3A_10 = vector.broadcast %mul3A_9 : f32 to vector<4096x3xf32>
    %mul3A_11 = arith.mulf %mul3A_10, %sin3A : vector<4096x3xf32>
    %mul3A_12 = arith.mulf %mul3A_11, %sin3A : vector<4096x3xf32>
    %sub3A_13 = arith.constant 1.000000e+00 : f32
    %sub3A_14 = vector.broadcast %sub3A_13 : f32 to vector<4096x3xf32>
    %sub3A_15 = arith.subf %sub3A_14, %mul3A_12 : vector<4096x3xf32>
    %mul3A_16 = arith.constant 2.000000e+00 : f32
    %mul3A_17 = vector.broadcast %mul3A_16 : f32 to vector<4096x3xf32>
    %mul3A_18 = arith.mulf %mul3A_17, %mul3A_8 : vector<4096x3xf32>
    %mul3A_19 = arith.mulf %mul3A_18, %sub3A_15 : vector<4096x3xf32>
    %mul3A_20 = arith.constant 2.000000e+00 : f32
    %mul3A_21 = vector.broadcast %mul3A_20 : f32 to vector<4096x3xf32>
    %mul3A_22 = arith.mulf %mul3A_21, %mul3A_8 : vector<4096x3xf32>
    %mul3A_23 = arith.mulf %mul3A_22, %mul3A_8 : vector<4096x3xf32>
    %sub3A_24 = arith.constant 1.000000e+00 : f32
    %sub3A_25 = vector.broadcast %sub3A_24 : f32 to vector<4096x3xf32>
    %sub3A_26 = arith.subf %sub3A_25, %mul3A_23 : vector<4096x3xf32>
    %mul3A_27 = arith.constant 2.000000e+00 : f32
    %mul3A_28 = vector.broadcast %mul3A_27 : f32 to vector<4096x3xf32>
    %mul3A_29 = arith.mulf %mul3A_28, %mul3A_19 : vector<4096x3xf32>
    %mul3A_30 = arith.mulf %mul3A_29, %sub3A_26 : vector<4096x3xf32>
    %mul3A_31 = arith.constant 2.000000e+00 : f32
    %mul3A_32 = vector.broadcast %mul3A_31 : f32 to vector<4096x3xf32>
    %mul3A_33 = arith.mulf %mul3A_32, %mul3A_19 : vector<4096x3xf32>
    %mul3A_34 = arith.mulf %mul3A_33, %mul3A_19 : vector<4096x3xf32>
    %sub3A_35 = arith.constant 1.000000e+00 : f32
    %sub3A_36 = vector.broadcast %sub3A_35 : f32 to vector<4096x3xf32>
    %sub3A_37 = arith.subf %sub3A_36, %mul3A_34 : vector<4096x3xf32>
    %broadcast_in_dim3A = arith.constant 0.000000e+00 : f32
    %broadcast_in_dim3A_38 = vector.broadcast %broadcast_in_dim3A : f32 to vector<4096x5xf32>
    %concatenate3A = tpu.concatenate %sub3A, %sin3A, %cos3A, %mul3A_8, %sub3A_15, %mul3A_19, %sub3A_26, %mul3A_30, %sub3A_37, %slice3A_2, %broadcast_in_dim3A_38 in 1 : vector<4096x3xf32>, vector<4096x3xf32>, vector<4096x3xf32>, vector<4096x3xf32>, vector<4096x3xf32>, vector<4096x3xf32>, vector<4096x3xf32>, vector<4096x3xf32>, vector<4096x3xf32>, vector<4096x32xf32>, vector<4096x5xf32> -> vector<4096x64xf32>
    %get3A_39 = arith.constant 0 : index
    %get3A_40 = arith.constant 0 : index
    %get3A_41 = vector.load %arg3[%get3A_39, %get3A_40] : memref<64x256xf32, #tpu.memory_space<vmem>>, vector<64x256xf32>
    %dot_general3A = arith.constant dense<0.000000e+00> : vector<4096x256xf32>
    %dot_general3A_42 = tpu.matmul %concatenate3A, %get3A_41, %dot_general3A {dimension_numbers = #tpu.dot_dimension_numbers<[1], [0], [0], [1], [0, 0, 1, 1], [], []>, transpose_lhs_hint = false} : vector<4096x64xf32>, vector<64x256xf32>, vector<4096x256xf32> -> vector<4096x256xf32>
    %get3A_43 = arith.constant 0 : index
    %get3A_44 = vector.load %arg4[%get3A_43] : memref<256xf32, #tpu.memory_space<vmem>>, vector<256xf32>
    %broadcast_in_dim3A_45 = vector.shape_cast %get3A_44 : vector<256xf32> to vector<1x256xf32>
    %add3A = vector.broadcast %broadcast_in_dim3A_45 : vector<1x256xf32> to vector<4096x256xf32>
    %add3A_46 = arith.addf %dot_general3A_42, %add3A : vector<4096x256xf32>
    %ge3A = arith.constant 0.000000e+00 : f32
    %ge3A_47 = vector.broadcast %ge3A : f32 to vector<4096x256xf32>
    %ge3A_48 = arith.cmpf oge, %add3A_46, %ge3A_47 : vector<4096x256xf32>
    %mul3A_49 = arith.constant 0.00999999977 : f32
    %mul3A_50 = vector.broadcast %mul3A_49 : f32 to vector<4096x256xf32>
    %mul3A_51 = arith.mulf %mul3A_50, %add3A_46 : vector<4096x256xf32>
    %select_n3A = arith.select %ge3A_48, %add3A_46, %mul3A_51 : vector<4096x256xi1>, vector<4096x256xf32>
    %get3A_52 = arith.constant 0 : index
    %get3A_53 = arith.constant 0 : index
    %get3A_54 = vector.load %arg5[%get3A_52, %get3A_53] : memref<256x256xf32, #tpu.memory_space<vmem>>, vector<256x256xf32>
    %dot_general3A_55 = arith.constant dense<0.000000e+00> : vector<4096x256xf32>
    %dot_general3A_56 = tpu.matmul %select_n3A, %get3A_54, %dot_general3A_55 {dimension_numbers = #tpu.dot_dimension_numbers<[1], [0], [0], [1], [0, 0, 1, 1], [], []>, transpose_lhs_hint = false} : vector<4096x256xf32>, vector<256x256xf32>, vector<4096x256xf32> -> vector<4096x256xf32>
    %get3A_57 = arith.constant 0 : index
    %get3A_58 = vector.load %arg6[%get3A_57] : memref<256xf32, #tpu.memory_space<vmem>>, vector<256xf32>
    %broadcast_in_dim3A_59 = vector.shape_cast %get3A_58 : vector<256xf32> to vector<1x256xf32>
    %add3A_60 = vector.broadcast %broadcast_in_dim3A_59 : vector<1x256xf32> to vector<4096x256xf32>
    %add3A_61 = arith.addf %dot_general3A_56, %add3A_60 : vector<4096x256xf32>
    %ge3A_62 = arith.constant 0.000000e+00 : f32
    %ge3A_63 = vector.broadcast %ge3A_62 : f32 to vector<4096x256xf32>
    %ge3A_64 = arith.cmpf oge, %add3A_61, %ge3A_63 : vector<4096x256xf32>
    %mul3A_65 = arith.constant 0.00999999977 : f32
    %mul3A_66 = vector.broadcast %mul3A_65 : f32 to vector<4096x256xf32>
    %mul3A_67 = arith.mulf %mul3A_66, %add3A_61 : vector<4096x256xf32>
    %select_n3A_68 = arith.select %ge3A_64, %add3A_61, %mul3A_67 : vector<4096x256xi1>, vector<4096x256xf32>
    %get3A_69 = arith.constant 0 : index
    %get3A_70 = arith.constant 0 : index
    %get3A_71 = vector.load %arg7[%get3A_69, %get3A_70] : memref<256x256xf32, #tpu.memory_space<vmem>>, vector<256x256xf32>
    %dot_general3A_72 = arith.constant dense<0.000000e+00> : vector<4096x256xf32>
    %dot_general3A_73 = tpu.matmul %select_n3A_68, %get3A_71, %dot_general3A_72 {dimension_numbers = #tpu.dot_dimension_numbers<[1], [0], [0], [1], [0, 0, 1, 1], [], []>, transpose_lhs_hint = false} : vector<4096x256xf32>, vector<256x256xf32>, vector<4096x256xf32> -> vector<4096x256xf32>
    %get3A_74 = arith.constant 0 : index
    %get3A_75 = vector.load %arg8[%get3A_74] : memref<256xf32, #tpu.memory_space<vmem>>, vector<256xf32>
    %broadcast_in_dim3A_76 = vector.shape_cast %get3A_75 : vector<256xf32> to vector<1x256xf32>
    %add3A_77 = vector.broadcast %broadcast_in_dim3A_76 : vector<1x256xf32> to vector<4096x256xf32>
    %add3A_78 = arith.addf %dot_general3A_73, %add3A_77 : vector<4096x256xf32>
    %ge3A_79 = arith.constant 0.000000e+00 : f32
    %ge3A_80 = vector.broadcast %ge3A_79 : f32 to vector<4096x256xf32>
    %ge3A_81 = arith.cmpf oge, %add3A_78, %ge3A_80 : vector<4096x256xf32>
    %mul3A_82 = arith.constant 0.00999999977 : f32
    %mul3A_83 = vector.broadcast %mul3A_82 : f32 to vector<4096x256xf32>
    %mul3A_84 = arith.mulf %mul3A_83, %add3A_78 : vector<4096x256xf32>
    %select_n3A_85 = arith.select %ge3A_81, %add3A_78, %mul3A_84 : vector<4096x256xi1>, vector<4096x256xf32>
    %get3A_86 = arith.constant 0 : index
    %get3A_87 = arith.constant 0 : index
    %get3A_88 = vector.load %arg9[%get3A_86, %get3A_87] : memref<256x256xf32, #tpu.memory_space<vmem>>, vector<256x256xf32>
    %dot_general3A_89 = arith.constant dense<0.000000e+00> : vector<4096x256xf32>
    %dot_general3A_90 = tpu.matmul %select_n3A_85, %get3A_88, %dot_general3A_89 {dimension_numbers = #tpu.dot_dimension_numbers<[1], [0], [0], [1], [0, 0, 1, 1], [], []>, transpose_lhs_hint = false} : vector<4096x256xf32>, vector<256x256xf32>, vector<4096x256xf32> -> vector<4096x256xf32>
    %get3A_91 = arith.constant 0 : index
    %get3A_92 = vector.load %arg10[%get3A_91] : memref<256xf32, #tpu.memory_space<vmem>>, vector<256xf32>
    %broadcast_in_dim3A_93 = vector.shape_cast %get3A_92 : vector<256xf32> to vector<1x256xf32>
    %add3A_94 = vector.broadcast %broadcast_in_dim3A_93 : vector<1x256xf32> to vector<4096x256xf32>
    %add3A_95 = arith.addf %dot_general3A_90, %add3A_94 : vector<4096x256xf32>
    %get3A_96 = arith.constant 0 : index
    %get3A_97 = arith.constant 0 : index
    %get3A_98 = vector.load %arg11[%get3A_96, %get3A_97] : memref<256x1xf32, #tpu.memory_space<vmem>>, vector<256x1xf32>
    %dot_general3A_99 = arith.constant dense<0.000000e+00> : vector<4096x1xf32>
    %dot_general3A_100 = tpu.matmul %add3A_95, %get3A_98, %dot_general3A_99 {dimension_numbers = #tpu.dot_dimension_numbers<[1], [0], [0], [1], [0, 0, 1, 1], [], []>, transpose_lhs_hint = false} : vector<4096x256xf32>, vector<256x1xf32>, vector<4096x1xf32> -> vector<4096x1xf32>
    %get3A_101 = arith.constant 0 : index
    %get3A_102 = vector.load %arg12[%get3A_101] : memref<1xf32, #tpu.memory_space<vmem>>, vector<1xf32>
    %broadcast_in_dim3A_103 = vector.shape_cast %get3A_102 : vector<1xf32> to vector<1x1xf32>
    %add3A_104 = vector.broadcast %broadcast_in_dim3A_103 : vector<1x1xf32> to vector<4096x1xf32>
    %add3A_105 = arith.addf %dot_general3A_100, %add3A_104 : vector<4096x1xf32>
    %mul3A_106 = arith.mulf %sub3A, %sub3A : vector<4096x3xf32>
    %reduce_sum3A = arith.constant dense<0.000000e+00> : vector<4096xf32>
    %reduce_sum3A_107 = vector.multi_reduction <add>, %mul3A_106, %reduce_sum3A [1] : vector<4096x3xf32> to vector<4096xf32>
    %broadcast_in_dim3A_108 = vector.shape_cast %reduce_sum3A_107 : vector<4096xf32> to vector<4096x1xf32>
    %sqrt3A = math.sqrt %broadcast_in_dim3A_108 : vector<4096x1xf32>
    %max3A = arith.constant 9.99999996E-13 : f32
    %max3A_109 = vector.broadcast %max3A : f32 to vector<4096x1xf32>
    %max3A_110 = arith.maximumf %sqrt3A, %max3A_109 : vector<4096x1xf32>
    %div3A = arith.constant 1.000000e+00 : f32
    %div3A_111 = vector.broadcast %div3A : f32 to vector<4096x1xf32>
    %div3A_112 = arith.divf %div3A_111, %max3A_110 : vector<4096x1xf32>
    %iota3A = tpu.iota {dimensions = array<i32: 1>} : vector<512x4096xi32>
    %jit3A = arith.constant 8 : i32
    %div3A_113 = vector.broadcast %jit3A : i32 to vector<512x4096xi32>
    %div3A_114 = arith.divsi %iota3A, %div3A_113 : vector<512x4096xi32>
    %sign3A = arith.constant 0 : i32
    %sign3A_115 = vector.broadcast %sign3A : i32 to vector<512x4096xi32>
    %sign3A_116 = arith.cmpi sgt, %iota3A, %sign3A_115 : vector<512x4096xi32>
    %sign3A_117 = arith.extui %sign3A_116 : vector<512x4096xi1> to vector<512x4096xi32>
    %sign3A_118 = arith.constant 0 : i32
    %sign3A_119 = vector.broadcast %sign3A_118 : i32 to vector<512x4096xi32>
    %sign3A_120 = arith.cmpi slt, %iota3A, %sign3A_119 : vector<512x4096xi32>
    %sign3A_121 = arith.extui %sign3A_120 : vector<512x4096xi1> to vector<512x4096xi32>
    %sign3A_122 = arith.subi %sign3A_117, %sign3A_121 : vector<512x4096xi32>
    %sign3A_123 = arith.constant 0 : i32
    %sign3A_124 = arith.cmpi sgt, %jit3A, %sign3A_123 : i32
    %sign3A_125 = arith.extui %sign3A_124 : i1 to i32
    %sign3A_126 = arith.constant 0 : i32
    %sign3A_127 = arith.cmpi slt, %jit3A, %sign3A_126 : i32
    %sign3A_128 = arith.extui %sign3A_127 : i1 to i32
    %sign3A_129 = arith.subi %sign3A_125, %sign3A_128 : i32
    %ne3A = vector.broadcast %sign3A_129 : i32 to vector<512x4096xi32>
    %ne3A_130 = arith.cmpi ne, %sign3A_122, %ne3A : vector<512x4096xi32>
    %rem3A = vector.broadcast %jit3A : i32 to vector<512x4096xi32>
    %rem3A_131 = arith.remsi %iota3A, %rem3A : vector<512x4096xi32>
    %ne3A_132 = arith.constant 0 : i32
    %ne3A_133 = vector.broadcast %ne3A_132 : i32 to vector<512x4096xi32>
    %ne3A_134 = arith.cmpi ne, %rem3A_131, %ne3A_133 : vector<512x4096xi32>
    %and3A = arith.andi %ne3A_130, %ne3A_134 : vector<512x4096xi1>
    %sub3A_135 = arith.constant 1 : i32
    %sub3A_136 = vector.broadcast %sub3A_135 : i32 to vector<512x4096xi32>
    %sub3A_137 = arith.subi %div3A_114, %sub3A_136 : vector<512x4096xi32>
    %select_n3A_138 = arith.select %and3A, %sub3A_137, %div3A_114 : vector<512x4096xi1>, vector<512x4096xi32>
    %iota3A_139 = tpu.iota {dimensions = array<i32: 0>} : vector<512x4096xi32>
    %eq3A = arith.cmpi eq, %select_n3A_138, %iota3A_139 : vector<512x4096xi32>
    %jit3A_140 = arith.constant 1.000000e+00 : f32
    %jit3A_141 = arith.constant 0.000000e+00 : f32
    %broadcast_in_dim3A_142 = vector.broadcast %jit3A_140 : f32 to vector<512x4096xf32>
    %broadcast_in_dim3A_143 = vector.broadcast %jit3A_141 : f32 to vector<512x4096xf32>
    %select_n3A_144 = arith.select %eq3A, %broadcast_in_dim3A_142, %broadcast_in_dim3A_143 : vector<512x4096xi1>, vector<512x4096xf32>
    %mul3A_145 = arith.mulf %div3A_112, %add3A_105 : vector<4096x1xf32>
    %concatenate3A_146 = tpu.concatenate %mul3A_145, %div3A_112 in 1 : vector<4096x1xf32>, vector<4096x1xf32> -> vector<4096x2xf32>
    %dot_general3A_147 = arith.constant dense<0.000000e+00> : vector<512x2xf32>
    %dot_general3A_148 = tpu.matmul %select_n3A_144, %concatenate3A_146, %dot_general3A_147 {dimension_numbers = #tpu.dot_dimension_numbers<[1], [0], [0], [1], [0, 0, 1, 1], [], []>, transpose_lhs_hint = false} : vector<512x4096xf32>, vector<4096x2xf32>, vector<512x2xf32> -> vector<512x2xf32>
    %slice3A_149 = vector.extract_strided_slice %dot_general3A_148 {offsets = [0, 0], sizes = [512, 1], strides = [1, 1]} : vector<512x2xf32> to vector<512x1xf32>
    %slice3A_150 = vector.extract_strided_slice %dot_general3A_148 {offsets = [0, 1], sizes = [512, 1], strides = [1, 1]} : vector<512x2xf32> to vector<512x1xf32>
    %div3A_151 = arith.divf %slice3A_149, %slice3A_150 : vector<512x1xf32>
    %swap3A = arith.constant 0 : index
    %swap3A_152 = arith.constant 0 : index
    %swap3A_153 = vector.load %arg13[%swap3A, %swap3A_152] : memref<512x1xf32, #tpu.memory_space<vmem>>, vector<512x1xf32>
    tpu.vector_store %arg13[%swap3A, %swap3A_152], %div3A_151 {strides = array<i32>} : memref<512x1xf32, #tpu.memory_space<vmem>>, vector<512x1xf32>,
    return
  }
  func.func @transform_0(%arg0: i32) -> (i32, i32) {
    %c0_i32 = arith.constant 0 : i32
    %c0_i32_0 = arith.constant 0 : i32
    return %arg0, %c0_i32 : i32, i32
  }
  func.func @transform_1(%arg0: i32) -> (i32, i32) {
    %c0_i32 = arith.constant 0 : i32
    %c0_i32_0 = arith.constant 0 : i32
    return %arg0, %c0_i32 : i32, i32
  }
  func.func @transform_2(%arg0: i32) -> (i32, i32) {
    %c0_i32 = arith.constant 0 : i32
    %c0_i32_0 = arith.constant 0 : i32
    %c0_i32_1 = arith.constant 0 : i32
    return %c0_i32, %c0_i32_0 : i32, i32
  }
  func.func @transform_3(%arg0: i32) -> i32 {
    %c0_i32 = arith.constant 0 : i32
    %c0_i32_0 = arith.constant 0 : i32
    return %c0_i32 : i32
  }
  func.func @transform_4(%arg0: i32) -> (i32, i32) {
    %c0_i32 = arith.constant 0 : i32
    %c0_i32_0 = arith.constant 0 : i32
    %c0_i32_1 = arith.constant 0 : i32
    return %c0_i32, %c0_i32_0 : i32, i32
  }
  func.func @transform_5(%arg0: i32) -> i32 {
    %c0_i32 = arith.constant 0 : i32
    %c0_i32_0 = arith.constant 0 : i32
    return %c0_i32 : i32
  }
  func.func @transform_6(%arg0: i32) -> (i32, i32) {
    %c0_i32 = arith.constant 0 : i32
    %c0_i32_0 = arith.constant 0 : i32
    %c0_i32_1 = arith.constant 0 : i32
    return %c0_i32, %c0_i32_0 : i32, i32
  }
  func.func @transform_7(%arg0: i32) -> i32 {
    %c0_i32 = arith.constant 0 : i32
    %c0_i32_0 = arith.constant 0 : i32
    return %c0_i32 : i32
  }
  func.func @transform_8(%arg0: i32) -> (i32, i32) {
    %c0_i32 = arith.constant 0 : i32
    %c0_i32_0 = arith.constant 0 : i32
    %c0_i32_1 = arith.constant 0 : i32
    return %c0_i32, %c0_i32_0 : i32, i32
  }
  func.func @transform_9(%arg0: i32) -> i32 {
    %c0_i32 = arith.constant 0 : i32
    %c0_i32_0 = arith.constant 0 : i32
    return %c0_i32 : i32
  }
  func.func @transform_10(%arg0: i32) -> (i32, i32) {
    %c0_i32 = arith.constant 0 : i32
    %c0_i32_0 = arith.constant 0 : i32
    %c0_i32_1 = arith.constant 0 : i32
    return %c0_i32, %c0_i32_0 : i32, i32
  }
  func.func @transform_11(%arg0: i32) -> i32 {
    %c0_i32 = arith.constant 0 : i32
    %c0_i32_0 = arith.constant 0 : i32
    return %c0_i32 : i32
  }
  func.func @transform_12(%arg0: i32) -> (i32, i32) {
    %c0_i32 = arith.constant 0 : i32
    %c0_i32_0 = arith.constant 0 : i32
    return %arg0, %c0_i32 : i32, i32
  }
}

</mosaic_0001>

<sc_bundles>
// kernel: kernel.10.cloned.1.call-start
scs
__scs_entry_jumppad:
0x0: {  	(pc) =	sbr.rel $0x88, $3  }
0x1: {  	(tag) =	ssettag $0x0;
	lr =	simm.s32 $0x1  }
0x2: {  	[smem:$0x3F94] =	sst lr;
	_ =	strace $0xD0000000  }
0x3: {  	_ = 	snop  }
0x4: {  	_ = 	snop  }
0x5: {  	_ = 	snop  }
0x6: {  	_ = 	snop  }
0x7: {  	_ = 	snop  }
__scs_overlays_trampoline_lowered:
0x8: {  	[smem:$0x3FA3] =	sst s0  }
0x9: {  	[smem:$0x3FA4] =	sst s1  }
0xa: {  	[smem:$0x3FA5] =	sst s2  }
0xb: {  	[smem:$0x3FA6] =	sst s3  }
0xc: {  	[smem:$0x3FA7] =	sst s4  }
0xd: {  	[smem:$0x3FA8] =	sst s5  }
0xe: {  	[smem:$0x3FA9] =	sst s6  }
0xf: {  	[smem:$0x3FAA] =	sst s7  }
0x10: {  	[smem:$0x3FAB] =	sst s8  }
0x11: {  	[smem:$0x3FAC] =	sst s9;
	s0 =	simm.s32 @!p0 $0x0  }
0x12: {  	s1 =	sld [smem:$0x3F92];
	s0 =	simm.s32 @p0 $0x1  }
0x13: {  	[smem:$0x3FAD] =	sst s0;
	s0 =	simm.s32 @!p1 $0x0  }
0x14: {  	s2 =	sld [smem:$0x3F91];
	s0 =	simm.s32 @p1 $0x1  }
0x15: {  	[smem:$0x3FAE] =	sst s0;
	s0 =	simm.s32 @!p2 $0x0  }
0x16: {  	s3 =	sld [smem:$0x3FDB];
	s0 =	simm.s32 @p2 $0x1  }
0x17: {  	s4 =	simm.s32 $0x1BF5;
	[smem:$0x3FB0] =	sst s0  }
0x18: {  	s0 =	sld [smem:$0x3F93];
	_ =	swait.ge [sflag:s4], $0x0  }
0x19: {  	s7 =	sld [smem:$0x3F94]  }
0x1a: {  	s8 =	sadd.s32 $0xFFFFE003, lr  }
0x1b: {  	s9 =	sadd.s32 $0xFFFFFEF7, lr;
	s5 =	simm.s32 $0xFFFFFFFF;
	p2 =	slt.u32 s8, $0xFFFFF086  }
0x1c: {  	p1 =	slt.u32 s9, $0xF7A;
	s5 =	simm.s32 @!p2 $0x0  }
0x1d: {  	s5 =	simm.s32 @p1 $0x1;
	p0 =	seq.s32 s7, s2  }
0x1e: {  	s7 =	smul.u32 @!p0 $0xF7A, s2;
	p2 =	seq.s32 @!p0 s5, $0x0  }
0x1f: {  	s9 =	smul.u32 $0xF7A, s1;
	s8 =	simm.s32 @!p0 $0x1BF5;
	p2 =	por !p2, p0  }
0x20: {  	[sflag:s8] =	ssyncset.s32 @!p0 $0xFFFFF086;
	s6 =	sadd.s32 @!p0 s3, s7;
	s7 =	simm.s32 @!p0 $0x108  }
0x21: {  	s3 =	sadd.s32 s3, s9;
	s6 =	sadd.s32 @!p0 $0x88, s6;
	s7 =	simm.s32 @p2 $0x1082  }
0x22: {  	[simem:s7], [sflag:s8] =	dma.local @!p0 [hbm:s6], $0xF7A  }
0x23: {  	s9 =	sor.u32 $0xD0000000, s2;
	s6 =	simm.s32 $0x108;
	_ =	swait.ge @!p0 [sflag:s8], $0x0  }
0x24: {  	s3 =	sadd.s32 $0x88, s3;
	s6 =	simm.s32 @!p1 $0x1082;
	[sflag:s4] =	ssyncset.s32 $0xFFFFF086  }
0x25: {  	[simem:s6], [sflag:s4] =	dma.local [hbm:s3], $0xF7A  }
0x26: {  	[smem:$0x3F94] =	sst s1;
	(tag) =	ssettag s2;
	_ =	strace s9  }
0x27: {  	s1 =	sld [smem:$0x3FA4]  }
0x28: {  	s2 =	sld [smem:$0x3FA5]  }
0x29: {  	s4 =	sld [smem:$0x3FA7]  }
0x2a: {  	p0 =	seq.s32 s5, $0x0;
	s5 =	sld [smem:$0x3FA8]  }
0x2b: {  	s6 =	sld [smem:$0x3FA9]  }
0x2c: {  	s7 =	sld [smem:$0x3FAA]  }
0x2d: {  	s3 =	simm.s32 $0x108;
	s8 =	sld [smem:$0x3FAB]  }
0x2e: {  	s3 =	simm.s32 @!p0 $0x1082;
	s9 =	sld [smem:$0x3FAC]  }
0x2f: {  	lr =	sadd.s32 s0, s3;
	s0 =	sld [smem:$0x3FA3]  }
0x30: {  	s3 =	sld [smem:$0x3FA6]  }
0x31: {  	[smem:$0x3FAF] =	sst s10  }
0x32: {  	s10 =	sld [smem:$0x3FAD];
	_ =	sdelay $0x3  }
0x33: {  	p0 =	seq.s32 s10, $0x1;
	s10 =	sld [smem:$0x3FAF];
	_ =	sdelay $0x3  }
0x34: {  	[smem:$0x3FAF] =	sst s10  }
0x35: {  	s10 =	sld [smem:$0x3FAE];
	_ =	sdelay $0x3  }
0x36: {  	p1 =	seq.s32 s10, $0x1;
	s10 =	sld [smem:$0x3FAF];
	_ =	sdelay $0x3  }
0x37: {  	[smem:$0x3FAF] =	sst s10  }
0x38: {  	s10 =	sld [smem:$0x3FB0]  }
0x39: {  	_ = 	snop;
	(pc) =	sbr.ind lr, $3  }
0x3a: {  	_ = 	snop  }
0x3b: {  	_ = 	snop  }
0x3c: {  	p2 =	seq.s32 s10, $0x1;
	s10 =	sld [smem:$0x3FAF]  }
0x3d: {  	_ =	shalt  }
0x3e: {  	_ =	shalt  }
0x3f: {  	_ =	shalt  }
0x40: {  	_ =	shalt  }
0x41: {  	_ =	shalt  }
0x42: {  	_ =	shalt  }
0x43: {  	_ =	shalt  }
0x44: {  	_ =	shalt  }
0x45: {  	_ =	shalt  }
0x46: {  	_ =	shalt  }
0x47: {  	_ =	shalt  }
0x48: {  	_ =	shalt  }
0x49: {  	_ =	shalt  }
0x4a: {  	_ =	shalt  }
0x4b: {  	_ =	shalt  }
0x4c: {  	_ =	shalt  }
0x4d: {  	_ =	shalt  }
0x4e: {  	_ =	shalt  }
0x4f: {  	_ =	shalt  }
0x50: {  	_ =	shalt  }
0x51: {  	_ =	shalt  }
0x52: {  	_ =	shalt  }
0x53: {  	_ =	shalt  }
0x54: {  	_ =	shalt  }
0x55: {  	_ =	shalt  }
0x56: {  	_ =	shalt  }
0x57: {  	_ =	shalt  }
0x58: {  	_ =	shalt  }
0x59: {  	_ =	shalt  }
0x5a: {  	_ =	shalt  }
0x5b: {  	_ =	shalt  }
0x5c: {  	_ =	shalt  }
0x5d: {  	_ =	shalt  }
0x5e: {  	_ =	shalt  }
0x5f: {  	_ =	shalt  }
0x60: {  	_ =	shalt  }
0x61: {  	_ =	shalt  }
0x62: {  	_ =	shalt  }
0x63: {  	_ =	shalt  }
0x64: {  	_ =	shalt  }
0x65: {  	_ =	shalt  }
0x66: {  	_ =	shalt  }
0x67: {  	_ =	shalt  }
0x68: {  	_ =	shalt  }
0x69: {  	_ =	shalt  }
0x6a: {  	_ =	shalt  }
0x6b: {  	_ =	shalt  }
0x6c: {  	_ =	shalt  }
0x6d: {  	_ =	shalt  }
0x6e: {  	_ =	shalt  }
0x6f: {  	_ =	shalt  }
0x70: {  	_ =	shalt  }
0x71: {  	_ =	shalt  }
0x72: {  	_ =	shalt  }
0x73: {  	_ =	shalt  }
0x74: {  	_ =	shalt  }
0x75: {  	_ =	shalt  }
0x76: {  	_ =	shalt  }
0x77: {  	_ =	shalt  }
0x78: {  	_ =	shalt  }
0x79: {  	_ =	shalt  }
0x7a: {  	_ =	shalt  }
0x7b: {  	_ =	shalt  }
0x7c: {  	_ =	shalt  }
0x7d: {  	_ =	shalt  }
0x7e: {  	_ =	shalt  }
0x7f: {  	_ =	shalt  }
0x80: {  	_ =	shalt  }
0x81: {  	_ =	shalt  }
0x82: {  	_ =	shalt  }
0x83: {  	_ =	shalt  }
0x84: {  	_ =	shalt  }
0x85: {  	_ =	shalt  }
0x86: {  	_ =	shalt  }
0x87: {  	_ =	shalt  }
.Lfunc_end0:
.L_simem_size_0:
called_computation.1_lowered:
.L_overlay_start_0:
0x88: {  	s2 =	sld [smem:$0x3FD9]  }
0x89: {  	s3 =	sld [smem:$0x3FFE];
	_ =	sdelay $0x1  }
0x8a: {  	s1 =	srdreg.scid  }
0x8b: {  	s0 =	sand.u32 $0x1, s1  }
0x8c: {  	s16 =	sshll.u32 s0, $0xA;
	s2 =	sadd.s32 s3, s2  }
0x8d: {  	s2 =	sadd.s32 s2, s16  }
0x8e: {  	[smem:$0x3FBB] =	sst s2  }
0x8f: {  	_ = 	snop  }
0x90: {  	(tm) =	ssettm $0x1  }
0x91: {  	s17 =	sld [smem:$0x3FFB];
	_ =	sdelay $0x3  }
0x92: {  	_ =	strace s17  }
0x93: {  	s2 =	sld [smem:$0x3FFC];
	_ =	sdelay $0x3  }
0x94: {  	_ =	strace s2  }
0x95: {  	s2 =	sld [smem:$0x3FFD];
	_ =	sdelay $0x3  }
0x96: {  	_ =	strace s2  }
0x97: {  	_ =	strace $0x8FFFFFFF  }
0x98: {  	s18 =	sld [smem:$0x3FDB];
	_ =	sdelay $0x1  }
0x99: {  	s19 =	simm.s32 $_scs_section_size  }
0x9a: {  	s4 =	simm.s32 $_size__tile_overlayer_lowered;
	s5 =	simm.s32 $_tile_overlayer_lowered  }
0x9b: {  	s22 =	simm.s32 $0x1BFF;
	s21 =	sshll.u32 s5, $0x1;
	s2 =	sadd.s32 s19, s18  }
0x9c: {  	s6 =	simm.s32 $0x0;
	s20 =	sshll.u32 s4, $0x1;
	s4 =	sadd.s32 s21, s2  }
0x9d: {  	[timem:s6], [sflag:s22] =	dma.local [hbm:s4], s20  }
0x9e: {  	_ =	swait.ge [sflag:s22], s20  }
0x9f: {  	s3 =	ssub.s32 $0x0, s20;
	[sflag:s22] =	ssyncset.done $0x0  }
0xa0: {  	[sflag:s22] =	ssyncadd.s32 s3;
	_ =	sdelay $0x1  }
0xa1: {  	s23 =	simm.s32 $0x1B8B  }
0xa2: {  	_ =	swait.ge [sflag:s23], $0x1  }
0xa3: {  	[sflag:s23] =	ssyncset.done $0x0  }
0xa4: {  	s25 =	simm.s32 $0x1B8E;
	s24 =	sld [smem:$0x3FFE];
	[sflag:s23] =	ssyncadd.s32 $0xFFFFFFFF  }
0xa5: {  	s26 =	simm.s32 $execute0_lowered;
	[smem:$0x3FD2] =	sst s25  }
0xa6: {  	s4 =	sshll.u32 s26, $0x1;
	_ =	strace $0x80000049;
	[dreg:$0x1] =	wrdreg $0xFFFFFFFF  }
0xa7: {  	s28 =	simm.s32 $_size_execute0_lowered;
	s2 =	sadd.s32 s2, s4;
	[dreg:$0x0] =	wrdreg $0x0  }
0xa8: {  	s4 =	sshll.u32 s28, $0x1;
	[dreg:$0x2] =	wrdreg s2  }
0xa9: {  	[dreg:$0x3] =	wrdreg s4  }
0xaa: {  	[dreg:$0x4] =	wrdreg $0xC0  }
0xab: {  	_ =	task [dreg:s6], $0x5FFFF  }
0xac: {  	[dreg:$0x1] =	wrdreg $0xFFFFFFFF  }
0xad: {  	[dreg:$0x0] =	wrdreg $0x60  }
0xae: {  	[dreg:$0x2] =	wrdreg s24  }
0xaf: {  	[dreg:$0x3] =	wrdreg $0x9  }
0xb0: {  	_ =	task.clear_ibuf [dreg:s6], $0x4FFFF;
	_ =	strace $0x90000049  }
0xb1: {  	s29 =	simm.s32 $0x9;
	_ =	strace $0x8000004B  }
0xb2: {  	_ =	swait.ge [sflag:s29], $0x1  }
0xb3: {  	[sflag:s29] =	ssyncadd.s32 $0xFFFFFFFF  }
0xb4: {  	_ =	strace $0x9000004B  }
0xb5: {  	_ =	sfence  }
0xb6: {  	s30 =	sld [smem:$0x0];
	_ =	sdelay $0x2  }
0xb7: {  	s31 =	sshll.u32 s1, $0xD;
	s1 =	sshrl.u32 s1, $0x2  }
0xb8: {  	s3 =	sand.u32 $0x4000, s31;
	s1 =	sadd.s32 s1, s30  }
0xb9: {  	s0 =	sor.u32 s3, s0;
	s1 =	sshll.u32 s1, $0x11  }
0xba: {  	s0 =	sor.u32 s1, s0  }
0xbb: {  	s0 =	sadd.s32 $0x8F2B, s0  }
0xbc: {  	[sflag:s0] =	ssyncadd.remote.s32 $0x1  }
0xbd: {  	_ =	sfence.sel $0xFFFF  }
0xbe: {  	[dreg:$0x0] =	wrdreg $0xFFFFFFFF;
	(pc) =	sbr.abs _section_cstart, $3  }
0xbf: {  	[dreg:$0x1] =	wrdreg $0xFFFFFFFF  }
0xc0: {  	_ =	task.clear_ibuf [dreg:s6], $0x2FFFF;
	_ =	strace $0x9FFFFFFF  }
0xc1: {  	(tm) =	ssettm $0x7FFFFFFF  }
tec
execute0_lowered:
.L_overlay_start_1:
0x0: {  	(tag) =	ssettag $0x1  }
0x1: {  	s1 =	srdreg.scid  }
0x2: {  	s0 =	stileid.u32;
	s10 =	sand.u32 $0x1, s1  }
0x3: {  	s8 =	rddreg [dreg:$0x0];
	s3 =	sshll.u32 s0, $0xB;
	s4 =	sshll.u32 s10, $0xA  }
0x4: {  	s2 =	simm.s32 $0x0;
	s1 =	rddreg [dreg:$0x1];
	s9 =	sor.u32 s4, s3  }
0x5: {  	[smem:$0x7FF] =	sst s2;
	s11 =	sadd.s32 $0x82400, s8;
	s3 =	sshrl.u32 s9, $0x3  }
0x6: {  	_ =	strace $0x8000004A;
	s4 =	sadd.s32 s11, s3;
	s3 =	simm.s32 $0x2  }
0x7: {  	[tilespmem:s2], [sflag:$0x2] =	stream.linear.gather [hbm4b:s4+s2], $0x200, $0x38;
	[tilespmem:$0x10200] =	vst v63  }
0x8: {  	_ =	swait.ge [sflag:s3], $0x200  }
0x9: {  	s6 =	simm.s32 $0x200;
	[sflag:s3] =	ssyncset.done $0x0  }
0xa: {  	s7 =	simm.s32 $0x1;
	s5 =	sadd.s32 $0x2400, s8;
	[sflag:s3] =	ssyncadd.s32 $0xFFFFFE00  }
0xb: {  	[tilespmem:s6], [sflag:$0x1] =	stream.indirect.gather [hbm4b:s5+s6], $0x80, s2, s6, $0xb8;
	[tilespmem:$0x10200] =	vst v63  }
0xc: {  	_ =	swait.ge [sflag:s7], $0x10000  }
0xd: {  	s12 =	sadd.s32 $0x83400, s8;
	s29 =	sshll.u32 s9, $0x4;
	[sflag:s7] =	ssyncset.done $0x0  }
0xe: {  	s8 =	sadd.s32 s12, s29;
	[sflag:s7] =	ssyncadd.s32 $0xFFFF0000  }
0xf: {  	[hbm4b:s8+s2] =	stream.linear.scatter [tilespmem:s6], [sflag:$0x2], $0x10000, $0x38;
	[tilespmem:$0x10200] =	vst v63  }
0x10: {  	s13 =	sor.u32 $0x200, s9;
	_ =	swait.ge [sflag:s3], $0x10000  }
0x11: {  	s9 =	sshrl.u32 s13, $0x3;
	[sflag:s3] =	ssyncset.done $0x0  }
0x12: {  	s10 =	ssub.s32 $0x2, s10;
	s9 =	sadd.s32 s11, s9;
	[sflag:s3] =	ssyncadd.s32 $0xFFFF0000  }
0x13: {  	[tilespmem:s2], [sflag:$0x2] =	stream.linear.gather [hbm4b:s9+s2], $0x200, $0x38;
	[tilespmem:$0x10200] =	vst v63  }
0x14: {  	s30 =	sshrl.u32 s10, $0x1;
	_ =	swait.ge [sflag:s3], $0x200  }
0x15: {  	s11 =	ssub.s32 s10, s30;
	[sflag:s3] =	ssyncset.done $0x0  }
0x16: {  	s11 =	smax.u32 s11, $0x1;
	[sflag:s3] =	ssyncadd.s32 $0xFFFFFE00  }
0x17: {  	[tilespmem:s6], [sflag:$0x1] =	stream.indirect.gather [hbm4b:s5+s6], $0x80, s2, s6, $0xb8;
	[tilespmem:$0x10200] =	vst v63  }
0x18: {  	p0 =	sne.s32 s11, $0x1;
	_ =	swait.ge [sflag:s7], $0x10000  }
.Ltmp0:
0x19: {  	s31 =	sshll.u32 s13, $0x4;
	[sflag:s7] =	ssyncset.done $0x0;
	(pc) =	sbr.rel @!p0 .LBB2_2-.Ltmp0, $4  }
0x1a: {  	s10 =	sadd.s32 s12, s31;
	[sflag:s7] =	ssyncadd.s32 $0xFFFF0000  }
0x1b: {  	[hbm4b:s10+s2] =	stream.linear.scatter [tilespmem:s6], [sflag:$0x2], $0x10000, $0x38;
	[tilespmem:$0x10200] =	vst v63  }
0x1c: {  	_ =	swait.ge [sflag:s3], $0x10000  }
0x1d: {  	s11 =	sadd.s32 $0xFFFFFFFF, s11;
	[sflag:s3] =	ssyncset.done $0x0  }
.LBB2_1:
0x1e: {  	p0 =	sne.s32 s11, $0x1;
	s11 =	sadd.s32 $0xFFFFFFFF, s11;
	[sflag:s3] =	ssyncadd.s32 $0xFFFF0000  }
0x1f: {  	[tilespmem:s2], [sflag:$0x2] =	stream.linear.gather [hbm4b:s4+s2], $0x200, $0x38;
	[tilespmem:$0x10200] =	vst v63  }
0x20: {  	_ =	swait.ge [sflag:s3], $0x200  }
0x21: {  	[sflag:s3] =	ssyncset.done $0x0  }
0x22: {  	[sflag:s3] =	ssyncadd.s32 $0xFFFFFE00  }
0x23: {  	[tilespmem:s6], [sflag:$0x1] =	stream.indirect.gather [hbm4b:s5+s6], $0x80, s2, s6, $0xb8;
	[tilespmem:$0x10200] =	vst v63  }
0x24: {  	_ =	swait.ge [sflag:s7], $0x10000  }
0x25: {  	[sflag:s7] =	ssyncset.done $0x0  }
0x26: {  	[sflag:s7] =	ssyncadd.s32 $0xFFFF0000  }
0x27: {  	[hbm4b:s8+s2] =	stream.linear.scatter [tilespmem:s6], [sflag:$0x2], $0x10000, $0x38;
	[tilespmem:$0x10200] =	vst v63  }
0x28: {  	_ =	swait.ge [sflag:s3], $0x10000  }
0x29: {  	[sflag:s3] =	ssyncset.done $0x0  }
0x2a: {  	[sflag:s3] =	ssyncadd.s32 $0xFFFF0000  }
0x2b: {  	[tilespmem:s2], [sflag:$0x2] =	stream.linear.gather [hbm4b:s9+s2], $0x200, $0x38;
	[tilespmem:$0x10200] =	vst v63  }
0x2c: {  	_ =	swait.ge [sflag:s3], $0x200  }
0x2d: {  	[sflag:s3] =	ssyncset.done $0x0  }
0x2e: {  	[sflag:s3] =	ssyncadd.s32 $0xFFFFFE00  }
0x2f: {  	[tilespmem:s6], [sflag:$0x1] =	stream.indirect.gather [hbm4b:s5+s6], $0x80, s2, s6, $0xb8;
	[tilespmem:$0x10200] =	vst v63  }
0x30: {  	_ =	swait.ge [sflag:s7], $0x10000  }
.Ltmp1:
0x31: {  	[sflag:s7] =	ssyncset.done $0x0;
	(pc) =	sbr.rel @p0 .LBB2_1-.Ltmp1, $4  }
0x32: {  	[sflag:s7] =	ssyncadd.s32 $0xFFFF0000  }
0x33: {  	[hbm4b:s10+s2] =	stream.linear.scatter [tilespmem:s6], [sflag:$0x2], $0x10000, $0x38;
	[tilespmem:$0x10200] =	vst v63  }
0x34: {  	_ =	swait.ge [sflag:s3], $0x10000  }
0x35: {  	[sflag:s3] =	ssyncset.done $0x0  }
.LBB2_2:
0x36: {  	[sflag:s3] =	ssyncadd.s32 $0xFFFF0000  }
0x37: {  	_ =	sfence.sel $0x180000  }
0x38: {  	[bflag:$0x0] =	sbarrier.arrive $0xFFFF  }
0x39: {  	p0 =	sne.s32 s0, $0x0;
	_ =	strace $0x9000004A  }
0x3a: {  	s0 =	sadd.s32 @!p0 $0x100000, s1;
	[bflag:$0x2] =	sbarrier.arrive $0xFFFF  }
0x3b: {  	[sflag:s0] =	ssyncadd.tile.s32 @!p0 $0x1;
	_ =	shalt  }
.Lfunc_end2:
_tile_overlayer_lowered:
.L_overlay_start_2:
0x3c: {  	(tag) =	ssettag $0x2  }
0x3d: {  	s0 =	rddreg [dreg:$0x0];
	s2 =	stileid.u32  }
0x3e: {  	s1 =	rddreg [dreg:$0x1];
	p0 =	sne.s32 s2, $0x0  }
0x3f: {  	s3 =	rddreg [dreg:$0x2];
	[bflag:$0x3] =	sbarrier.arrive $0xFFFF;
	s2 =	simm.s32 @!p0 $0x1C02  }
0x40: {  	[timem:s3], [sflag:s2] =	dma.local @!p0 [hbm:s0], s1  }
0x41: {  	s0 =	simm.s32 @!p0 $0x2  }
0x42: {  	_ =	swait.ge @!p0 [sflag:s0], s1  }
0x43: {  	s1 =	ssub.s32 @!p0 $0x0, s1;
	[sflag:s0] =	ssyncset.done @!p0 $0x0  }
0x44: {  	[sflag:s0] =	ssyncadd.s32 @!p0 s1  }
0x45: {  	[bflag:$0x3] =	sbarrier.arrive $0xFFFF  }
0x46: {  	_ =	shalt  }

// kernel: kernel.7.cloned.1.call-start
scs
__scs_entry_jumppad:
0x0: {  	(pc) =	sbr.rel $0x88, $3  }
0x1: {  	(tag) =	ssettag $0x0;
	lr =	simm.s32 $0x1  }
0x2: {  	[smem:$0x3F94] =	sst lr;
	_ =	strace $0xD0000000  }
0x3: {  	_ = 	snop  }
0x4: {  	_ = 	snop  }
0x5: {  	_ = 	snop  }
0x6: {  	_ = 	snop  }
0x7: {  	_ = 	snop  }
__scs_overlays_trampoline_lowered:
0x8: {  	[smem:$0x3FA3] =	sst s0  }
0x9: {  	[smem:$0x3FA4] =	sst s1  }
0xa: {  	[smem:$0x3FA5] =	sst s2  }
0xb: {  	[smem:$0x3FA6] =	sst s3  }
0xc: {  	[smem:$0x3FA7] =	sst s4  }
0xd: {  	[smem:$0x3FA8] =	sst s5  }
0xe: {  	[smem:$0x3FA9] =	sst s6  }
0xf: {  	[smem:$0x3FAA] =	sst s7  }
0x10: {  	[smem:$0x3FAB] =	sst s8  }
0x11: {  	[smem:$0x3FAC] =	sst s9;
	s0 =	simm.s32 @!p0 $0x0  }
0x12: {  	s1 =	sld [smem:$0x3F92];
	s0 =	simm.s32 @p0 $0x1  }
0x13: {  	[smem:$0x3FAD] =	sst s0;
	s0 =	simm.s32 @!p1 $0x0  }
0x14: {  	s2 =	sld [smem:$0x3F91];
	s0 =	simm.s32 @p1 $0x1  }
0x15: {  	[smem:$0x3FAE] =	sst s0;
	s0 =	simm.s32 @!p2 $0x0  }
0x16: {  	s3 =	sld [smem:$0x3FDB];
	s0 =	simm.s32 @p2 $0x1  }
0x17: {  	s4 =	simm.s32 $0x1BF5;
	[smem:$0x3FB0] =	sst s0  }
0x18: {  	s0 =	sld [smem:$0x3F93];
	_ =	swait.ge [sflag:s4], $0x0  }
0x19: {  	s7 =	sld [smem:$0x3F94]  }
0x1a: {  	s8 =	sadd.s32 $0xFFFFE003, lr  }
0x1b: {  	s9 =	sadd.s32 $0xFFFFFEF7, lr;
	s5 =	simm.s32 $0xFFFFFFFF;
	p2 =	slt.u32 s8, $0xFFFFF086  }
0x1c: {  	p1 =	slt.u32 s9, $0xF7A;
	s5 =	simm.s32 @!p2 $0x0  }
0x1d: {  	s5 =	simm.s32 @p1 $0x1;
	p0 =	seq.s32 s7, s2  }
0x1e: {  	s7 =	smul.u32 @!p0 $0xF7A, s2;
	p2 =	seq.s32 @!p0 s5, $0x0  }
0x1f: {  	s9 =	smul.u32 $0xF7A, s1;
	s8 =	simm.s32 @!p0 $0x1BF5;
	p2 =	por !p2, p0  }
0x20: {  	[sflag:s8] =	ssyncset.s32 @!p0 $0xFFFFF086;
	s6 =	sadd.s32 @!p0 s3, s7;
	s7 =	simm.s32 @!p0 $0x108  }
0x21: {  	s3 =	sadd.s32 s3, s9;
	s6 =	sadd.s32 @!p0 $0x88, s6;
	s7 =	simm.s32 @p2 $0x1082  }
0x22: {  	[simem:s7], [sflag:s8] =	dma.local @!p0 [hbm:s6], $0xF7A  }
0x23: {  	s9 =	sor.u32 $0xD0000000, s2;
	s6 =	simm.s32 $0x108;
	_ =	swait.ge @!p0 [sflag:s8], $0x0  }
0x24: {  	s3 =	sadd.s32 $0x88, s3;
	s6 =	simm.s32 @!p1 $0x1082;
	[sflag:s4] =	ssyncset.s32 $0xFFFFF086  }
0x25: {  	[simem:s6], [sflag:s4] =	dma.local [hbm:s3], $0xF7A  }
0x26: {  	[smem:$0x3F94] =	sst s1;
	(tag) =	ssettag s2;
	_ =	strace s9  }
0x27: {  	s1 =	sld [smem:$0x3FA4]  }
0x28: {  	s2 =	sld [smem:$0x3FA5]  }
0x29: {  	s4 =	sld [smem:$0x3FA7]  }
0x2a: {  	p0 =	seq.s32 s5, $0x0;
	s5 =	sld [smem:$0x3FA8]  }
0x2b: {  	s6 =	sld [smem:$0x3FA9]  }
0x2c: {  	s7 =	sld [smem:$0x3FAA]  }
0x2d: {  	s3 =	simm.s32 $0x108;
	s8 =	sld [smem:$0x3FAB]  }
0x2e: {  	s3 =	simm.s32 @!p0 $0x1082;
	s9 =	sld [smem:$0x3FAC]  }
0x2f: {  	lr =	sadd.s32 s0, s3;
	s0 =	sld [smem:$0x3FA3]  }
0x30: {  	s3 =	sld [smem:$0x3FA6]  }
0x31: {  	[smem:$0x3FAF] =	sst s10  }
0x32: {  	s10 =	sld [smem:$0x3FAD];
	_ =	sdelay $0x3  }
0x33: {  	p0 =	seq.s32 s10, $0x1;
	s10 =	sld [smem:$0x3FAF];
	_ =	sdelay $0x3  }
0x34: {  	[smem:$0x3FAF] =	sst s10  }
0x35: {  	s10 =	sld [smem:$0x3FAE];
	_ =	sdelay $0x3  }
0x36: {  	p1 =	seq.s32 s10, $0x1;
	s10 =	sld [smem:$0x3FAF];
	_ =	sdelay $0x3  }
0x37: {  	[smem:$0x3FAF] =	sst s10  }
0x38: {  	s10 =	sld [smem:$0x3FB0]  }
0x39: {  	_ = 	snop;
	(pc) =	sbr.ind lr, $3  }
0x3a: {  	_ = 	snop  }
0x3b: {  	_ = 	snop  }
0x3c: {  	p2 =	seq.s32 s10, $0x1;
	s10 =	sld [smem:$0x3FAF]  }
0x3d: {  	_ =	shalt  }
0x3e: {  	_ =	shalt  }
0x3f: {  	_ =	shalt  }
0x40: {  	_ =	shalt  }
0x41: {  	_ =	shalt  }
0x42: {  	_ =	shalt  }
0x43: {  	_ =	shalt  }
0x44: {  	_ =	shalt  }
0x45: {  	_ =	shalt  }
0x46: {  	_ =	shalt  }
0x47: {  	_ =	shalt  }
0x48: {  	_ =	shalt  }
0x49: {  	_ =	shalt  }
0x4a: {  	_ =	shalt  }
0x4b: {  	_ =	shalt  }
0x4c: {  	_ =	shalt  }
0x4d: {  	_ =	shalt  }
0x4e: {  	_ =	shalt  }
0x4f: {  	_ =	shalt  }
0x50: {  	_ =	shalt  }
0x51: {  	_ =	shalt  }
0x52: {  	_ =	shalt  }
0x53: {  	_ =	shalt  }
0x54: {  	_ =	shalt  }
0x55: {  	_ =	shalt  }
0x56: {  	_ =	shalt  }
0x57: {  	_ =	shalt  }
0x58: {  	_ =	shalt  }
0x59: {  	_ =	shalt  }
0x5a: {  	_ =	shalt  }
0x5b: {  	_ =	shalt  }
0x5c: {  	_ =	shalt  }
0x5d: {  	_ =	shalt  }
0x5e: {  	_ =	shalt  }
0x5f: {  	_ =	shalt  }
0x60: {  	_ =	shalt  }
0x61: {  	_ =	shalt  }
0x62: {  	_ =	shalt  }
0x63: {  	_ =	shalt  }
0x64: {  	_ =	shalt  }
0x65: {  	_ =	shalt  }
0x66: {  	_ =	shalt  }
0x67: {  	_ =	shalt  }
0x68: {  	_ =	shalt  }
0x69: {  	_ =	shalt  }
0x6a: {  	_ =	shalt  }
0x6b: {  	_ =	shalt  }
0x6c: {  	_ =	shalt  }
0x6d: {  	_ =	shalt  }
0x6e: {  	_ =	shalt  }
0x6f: {  	_ =	shalt  }
0x70: {  	_ =	shalt  }
0x71: {  	_ =	shalt  }
0x72: {  	_ =	shalt  }
0x73: {  	_ =	shalt  }
0x74: {  	_ =	shalt  }
0x75: {  	_ =	shalt  }
0x76: {  	_ =	shalt  }
0x77: {  	_ =	shalt  }
0x78: {  	_ =	shalt  }
0x79: {  	_ =	shalt  }
0x7a: {  	_ =	shalt  }
0x7b: {  	_ =	shalt  }
0x7c: {  	_ =	shalt  }
0x7d: {  	_ =	shalt  }
0x7e: {  	_ =	shalt  }
0x7f: {  	_ =	shalt  }
0x80: {  	_ =	shalt  }
0x81: {  	_ =	shalt  }
0x82: {  	_ =	shalt  }
0x83: {  	_ =	shalt  }
0x84: {  	_ =	shalt  }
0x85: {  	_ =	shalt  }
0x86: {  	_ =	shalt  }
0x87: {  	_ =	shalt  }
.Lfunc_end0:
.L_simem_size_0:
called_computation_lowered:
.L_overlay_start_0:
0x88: {  	s2 =	sld [smem:$0x3FD9]  }
0x89: {  	s3 =	sld [smem:$0x3FFE];
	_ =	sdelay $0x1  }
0x8a: {  	s1 =	srdreg.scid  }
0x8b: {  	s0 =	sand.u32 $0x1, s1  }
0x8c: {  	s16 =	sshll.u32 s0, $0xA;
	s2 =	sadd.s32 s3, s2  }
0x8d: {  	s2 =	sadd.s32 s2, s16  }
0x8e: {  	[smem:$0x3FBB] =	sst s2  }
0x8f: {  	_ = 	snop  }
0x90: {  	(tm) =	ssettm $0x1  }
0x91: {  	s17 =	sld [smem:$0x3FFB];
	_ =	sdelay $0x3  }
0x92: {  	_ =	strace s17  }
0x93: {  	s2 =	sld [smem:$0x3FFC];
	_ =	sdelay $0x3  }
0x94: {  	_ =	strace s2  }
0x95: {  	s2 =	sld [smem:$0x3FFD];
	_ =	sdelay $0x3  }
0x96: {  	_ =	strace s2  }
0x97: {  	_ =	strace $0x8FFFFFFF  }
0x98: {  	s18 =	sld [smem:$0x3FDB];
	_ =	sdelay $0x1  }
0x99: {  	s19 =	simm.s32 $_scs_section_size  }
0x9a: {  	s4 =	simm.s32 $_size__tile_overlayer_lowered;
	s5 =	simm.s32 $_tile_overlayer_lowered  }
0x9b: {  	s22 =	simm.s32 $0x1BFF;
	s21 =	sshll.u32 s5, $0x1;
	s2 =	sadd.s32 s19, s18  }
0x9c: {  	s6 =	simm.s32 $0x0;
	s20 =	sshll.u32 s4, $0x1;
	s4 =	sadd.s32 s21, s2  }
0x9d: {  	[timem:s6], [sflag:s22] =	dma.local [hbm:s4], s20  }
0x9e: {  	_ =	swait.ge [sflag:s22], s20  }
0x9f: {  	s3 =	ssub.s32 $0x0, s20;
	[sflag:s22] =	ssyncset.done $0x0  }
0xa0: {  	[sflag:s22] =	ssyncadd.s32 s3;
	_ =	sdelay $0x1  }
0xa1: {  	s23 =	simm.s32 $0x1B8B  }
0xa2: {  	_ =	swait.ge [sflag:s23], $0x1  }
0xa3: {  	[sflag:s23] =	ssyncset.done $0x0  }
0xa4: {  	s25 =	simm.s32 $0x1B8E;
	s24 =	sld [smem:$0x3FFE];
	[sflag:s23] =	ssyncadd.s32 $0xFFFFFFFF  }
0xa5: {  	s26 =	simm.s32 $execute0_lowered;
	[smem:$0x3FD2] =	sst s25  }
0xa6: {  	s4 =	sshll.u32 s26, $0x1;
	_ =	strace $0x80000046;
	[dreg:$0x1] =	wrdreg $0xFFFFFFFF  }
0xa7: {  	s28 =	simm.s32 $_size_execute0_lowered;
	s2 =	sadd.s32 s2, s4;
	[dreg:$0x0] =	wrdreg $0x0  }
0xa8: {  	s4 =	sshll.u32 s28, $0x1;
	[dreg:$0x2] =	wrdreg s2  }
0xa9: {  	[dreg:$0x3] =	wrdreg s4  }
0xaa: {  	[dreg:$0x4] =	wrdreg $0xC0  }
0xab: {  	_ =	task [dreg:s6], $0x5FFFF  }
0xac: {  	[dreg:$0x1] =	wrdreg $0xFFFFFFFF  }
0xad: {  	[dreg:$0x0] =	wrdreg $0x60  }
0xae: {  	[dreg:$0x2] =	wrdreg s24  }
0xaf: {  	[dreg:$0x3] =	wrdreg $0x9  }
0xb0: {  	_ =	task.clear_ibuf [dreg:s6], $0x4FFFF;
	_ =	strace $0x90000046  }
0xb1: {  	s29 =	simm.s32 $0x9;
	_ =	strace $0x80000048  }
0xb2: {  	_ =	swait.ge [sflag:s29], $0x1  }
0xb3: {  	[sflag:s29] =	ssyncadd.s32 $0xFFFFFFFF  }
0xb4: {  	_ =	strace $0x90000048  }
0xb5: {  	_ =	sfence  }
0xb6: {  	s30 =	sld [smem:$0x0];
	_ =	sdelay $0x2  }
0xb7: {  	s31 =	sshll.u32 s1, $0xD;
	s1 =	sshrl.u32 s1, $0x2  }
0xb8: {  	s3 =	sand.u32 $0x4000, s31;
	s1 =	sadd.s32 s1, s30  }
0xb9: {  	s0 =	sor.u32 s3, s0;
	s1 =	sshll.u32 s1, $0x11  }
0xba: {  	s0 =	sor.u32 s1, s0  }
0xbb: {  	s0 =	sadd.s32 $0x8F2B, s0  }
0xbc: {  	[sflag:s0] =	ssyncadd.remote.s32 $0x1  }
0xbd: {  	_ =	sfence.sel $0xFFFF  }
0xbe: {  	[dreg:$0x0] =	wrdreg $0xFFFFFFFF;
	(pc) =	sbr.abs _section_cstart, $3  }
0xbf: {  	[dreg:$0x1] =	wrdreg $0xFFFFFFFF  }
0xc0: {  	_ =	task.clear_ibuf [dreg:s6], $0x2FFFF;
	_ =	strace $0x9FFFFFFF  }
0xc1: {  	(tm) =	ssettm $0x7FFFFFFF  }
tec
execute0_lowered:
.L_overlay_start_1:
0x0: {  	(tag) =	ssettag $0x1  }
0x1: {  	s0 =	rddreg [dreg:$0x0];
	s2 =	simm.s32 $0x0;
	s1 =	srdreg.scid  }
0x2: {  	s3 =	stileid.u32;
	[smem:$0x7FF] =	sst s2  }
0x3: {  	s1 =	sand.u32 $0x1, s1;
	s4 =	sshll.u32 s3, $0x8;
	s3 =	sadd.s32 $0x93400, s0  }
0x4: {  	s6 =	sadd.s32 $0x92400, s0;
	_ =	strace $0x80000047;
	s5 =	sshll.u32 s1, $0x7  }
0x5: {  	s1 =	ssub.s32 $0x2, s1;
	s4 =	sor.u32 s5, s4;
	s5 =	sadd.s32 $0x96400, s0  }
0x6: {  	s8 =	sshrl.u32 s1, $0x1;
	s7 =	smul.u32 $0x180, s4;
	s9 =	sadd.s32 s6, s4  }
0x7: {  	s10 =	sor.u32 $0x10, s4;
	s29 =	sor.u32 $0x20, s4;
	s12 =	sor.u32 $0x30, s4  }
0x8: {  	s16 =	sor.u32 $0x40, s4;
	[dreg:$0x2] =	wrdreg s9;
	s28 =	sadd.s32 s6, s10  }
0x9: {  	s20 =	sor.u32 $0x50, s4;
	s11 =	sadd.s32 s6, s29;
	[dreg:$0x4] =	wrdreg s28  }
0xa: {  	s24 =	sor.u32 $0x60, s4;
	s15 =	sadd.s32 s6, s12;
	[dreg:$0x6] =	wrdreg s11  }
0xb: {  	s4 =	sor.u32 $0x70, s4;
	s19 =	sadd.s32 s6, s16;
	[dreg:$0x8] =	wrdreg s15  }
0xc: {  	s1 =	ssub.s32 s1, s8;
	s23 =	sadd.s32 s6, s20;
	[dreg:$0xa] =	wrdreg s19  }
0xd: {  	s26 =	smul.u32 $0x180, s10;
	s7 =	sadd.s32 s5, s7;
	[dreg:$0xc] =	wrdreg s23  }
0xe: {  	s31 =	smul.u32 $0x180, s29;
	s28 =	sadd.s32 s6, s24;
	[dreg:$0x3] =	wrdreg s7  }
0xf: {  	s14 =	smul.u32 $0x180, s12;
	s6 =	sadd.s32 s6, s4;
	[dreg:$0xe] =	wrdreg s28  }
0x10: {  	s18 =	smul.u32 $0x180, s16;
	s30 =	sadd.s32 s5, s26;
	[dreg:$0x10] =	wrdreg s6  }
0x11: {  	s22 =	smul.u32 $0x180, s20;
	s13 =	sadd.s32 s5, s31;
	[dreg:$0x5] =	wrdreg s30  }
0x12: {  	s17 =	sadd.s32 s5, s14;
	s21 =	sadd.s32 s5, s18;
	[dreg:$0x7] =	wrdreg s13  }
0x13: {  	s25 =	sadd.s32 s5, s22;
	s26 =	smul.u32 $0x180, s24;
	[dreg:$0x9] =	wrdreg s17  }
0x14: {  	s6 =	simm.s32 $0x2;
	[dreg:$0xb] =	wrdreg s21;
	s30 =	smul.u32 $0x180, s4  }
0x15: {  	v2 =	vlaneseq.u32;
	s7 =	simm.s32 $0x80;
	[dreg:$0xd] =	wrdreg s25;
	s29 =	sadd.s32 s5, s26  }
0x16: {  	vm0 =	vmmov $0xffff;
	vm1 =	vmmov $0xff;
	v1 =	vshrl.u32 v2, $0x3;
	s14 =	simm.s32 $0x1;
	[dreg:$0xf] =	wrdreg s29;
	s31 =	sadd.s32 s5, s30  }
0x17: {  	v0 =	vand.u32 $0x7, v2;
	v2 =	vor.u32 $0x8, v2;
	v1 =	vmul.u32 $0x8, v1;
	s4 =	sadd.s32 $0x93500, s0;
	s0 =	smax.u32 s1, $0x1;
	[dreg:$0x11] =	wrdreg s31  }
.LBB2_1:
0x18: {  	[dreg:$0x12] =	wrdreg s0  }
0x19: {  	s15 =	rddreg [dreg:$0x2]  }
0x1a: {  	[tilespmem:s2], [sflag:$0x2] =	stream.linear.gather [hbm4b:s15+s2], $0x80, $0x38;
	[tilespmem:$0xC080] =	vst v63  }
0x1b: {  	_ =	swait.ge [sflag:s6], $0x80  }
0x1c: {  	[sflag:s6] =	ssyncset.done $0x0  }
0x1d: {  	[sflag:s6] =	ssyncadd.s32 $0xFFFFFF80  }
0x1e: {  	v3 =	vld [tilespmem:$0x0];
	_ =	sdelay $0x4  }
0x1f: {  	v4 =	vshrl.u32 v3, $0x3  }
0x20: {  	v4 =	vmul.u32 $0x18, v4  }
0x21: {  	v3 =	vand.u32 $0x7, v3  }
0x22: {  	v3 =	vor.u32 v3, v4  }
0x23: {  	v4 =	vperm.xlane v3, v0;
	_ =	sdelay $0x1  }
0x24: {  	v4 =	vadd.s32 v1, v4;
	_ =	sdelay $0x1  }
0x25: {  	v3 =	vperm.xlane v3, v2;
	_ =	sdelay $0x1  }
0x26: {  	v3 =	vadd.s32 v1, v3  }
0x27: {  	[tilespmem:s7], [sflag:$0x1] =	stream.indirect_vreg.gather [hbm4b:s3+s2], $0x80, v4, vm0, $0xb8;
	[tilespmem:$0xC080] =	vst v63  }
0x28: {  	s12 =	simm.s32 $0x880  }
0x29: {  	[tilespmem:s12], [sflag:$0x1] =	stream.indirect_vreg.gather [hbm4b:s4+s2], $0x80, v4, vm1, $0xb8;
	[tilespmem:$0xC080] =	vst v63  }
0x2a: {  	s13 =	simm.s32 $0xC80  }
0x2b: {  	[tilespmem:s13], [sflag:$0x1] =	stream.indirect_vreg.gather [hbm4b:s3+s2], $0x80, v3, vm0, $0xb8;
	[tilespmem:$0xC080] =	vst v63  }
0x2c: {  	s15 =	simm.s32 $0x1480  }
0x2d: {  	[tilespmem:s15], [sflag:$0x1] =	stream.indirect_vreg.gather [hbm4b:s4+s2], $0x80, v3, vm1, $0xb8;
	[tilespmem:$0xC080] =	vst v63  }
0x2e: {  	v3 =	vld [tilespmem:$0x10];
	_ =	sdelay $0x4  }
0x2f: {  	v57 =	vshrl.u32 v3, $0x3  }
0x30: {  	v4 =	vmul.u32 $0x18, v57  }
0x31: {  	v3 =	vand.u32 $0x7, v3  }
0x32: {  	v3 =	vor.u32 v3, v4  }
0x33: {  	v4 =	vperm.xlane v3, v0;
	_ =	sdelay $0x1  }
0x34: {  	v4 =	vadd.s32 v1, v4;
	_ =	sdelay $0x1  }
0x35: {  	v3 =	vperm.xlane v3, v2;
	_ =	sdelay $0x1  }
0x36: {  	s16 =	simm.s32 $0x1880;
	v3 =	vadd.s32 v1, v3  }
0x37: {  	[tilespmem:s16], [sflag:$0x1] =	stream.indirect_vreg.gather [hbm4b:s3+s2], $0x80, v4, vm0, $0xb8;
	[tilespmem:$0xC080] =	vst v63  }
0x38: {  	s17 =	simm.s32 $0x2080  }
0x39: {  	[tilespmem:s17], [sflag:$0x1] =	stream.indirect_vreg.gather [hbm4b:s4+s2], $0x80, v4, vm1, $0xb8;
	[tilespmem:$0xC080] =	vst v63  }
0x3a: {  	s18 =	simm.s32 $0x2480  }
0x3b: {  	[tilespmem:s18], [sflag:$0x1] =	stream.indirect_vreg.gather [hbm4b:s3+s2], $0x80, v3, vm0, $0xb8;
	[tilespmem:$0xC080] =	vst v63  }
0x3c: {  	s19 =	simm.s32 $0x2C80  }
0x3d: {  	[tilespmem:s19], [sflag:$0x1] =	stream.indirect_vreg.gather [hbm4b:s4+s2], $0x80, v3, vm1, $0xb8;
	[tilespmem:$0xC080] =	vst v63  }
0x3e: {  	v3 =	vld [tilespmem:$0x20];
	_ =	sdelay $0x4  }
0x3f: {  	v58 =	vshrl.u32 v3, $0x3  }
0x40: {  	v4 =	vmul.u32 $0x18, v58  }
0x41: {  	v3 =	vand.u32 $0x7, v3  }
0x42: {  	v3 =	vor.u32 v3, v4  }
0x43: {  	v4 =	vperm.xlane v3, v0;
	_ =	sdelay $0x1  }
0x44: {  	v4 =	vadd.s32 v1, v4;
	_ =	sdelay $0x1  }
0x45: {  	v3 =	vperm.xlane v3, v2;
	_ =	sdelay $0x1  }
0x46: {  	s20 =	simm.s32 $0x3080;
	v3 =	vadd.s32 v1, v3  }
0x47: {  	[tilespmem:s20], [sflag:$0x1] =	stream.indirect_vreg.gather [hbm4b:s3+s2], $0x80, v4, vm0, $0xb8;
	[tilespmem:$0xC080] =	vst v63  }
0x48: {  	s21 =	simm.s32 $0x3880  }
0x49: {  	[tilespmem:s21], [sflag:$0x1] =	stream.indirect_vreg.gather [hbm4b:s4+s2], $0x80, v4, vm1, $0xb8;
	[tilespmem:$0xC080] =	vst v63  }
0x4a: {  	s22 =	simm.s32 $0x3C80  }
0x4b: {  	[tilespmem:s22], [sflag:$0x1] =	stream.indirect_vreg.gather [hbm4b:s3+s2], $0x80, v3, vm0, $0xb8;
	[tilespmem:$0xC080] =	vst v63  }
0x4c: {  	s24 =	simm.s32 $0x4480  }
0x4d: {  	[tilespmem:s24], [sflag:$0x1] =	stream.indirect_vreg.gather [hbm4b:s4+s2], $0x80, v3, vm1, $0xb8;
	[tilespmem:$0xC080] =	vst v63  }
0x4e: {  	v3 =	vld [tilespmem:$0x30];
	_ =	sdelay $0x4  }
0x4f: {  	v59 =	vshrl.u32 v3, $0x3  }
0x50: {  	v4 =	vmul.u32 $0x18, v59  }
0x51: {  	v3 =	vand.u32 $0x7, v3  }
0x52: {  	v3 =	vor.u32 v3, v4  }
0x53: {  	v4 =	vperm.xlane v3, v0;
	_ =	sdelay $0x1  }
0x54: {  	v4 =	vadd.s32 v1, v4;
	_ =	sdelay $0x1  }
0x55: {  	v3 =	vperm.xlane v3, v2;
	_ =	sdelay $0x1  }
0x56: {  	s25 =	simm.s32 $0x4880;
	v3 =	vadd.s32 v1, v3  }
0x57: {  	[tilespmem:s25], [sflag:$0x1] =	stream.indirect_vreg.gather [hbm4b:s3+s2], $0x80, v4, vm0, $0xb8;
	[tilespmem:$0xC080] =	vst v63  }
0x58: {  	s26 =	simm.s32 $0x5080  }
0x59: {  	[tilespmem:s26], [sflag:$0x1] =	stream.indirect_vreg.gather [hbm4b:s4+s2], $0x80, v4, vm1, $0xb8;
	[tilespmem:$0xC080] =	vst v63  }
0x5a: {  	s28 =	simm.s32 $0x5480  }
0x5b: {  	[tilespmem:s28], [sflag:$0x1] =	stream.indirect_vreg.gather [hbm4b:s3+s2], $0x80, v3, vm0, $0xb8;
	[tilespmem:$0xC080] =	vst v63  }
0x5c: {  	s29 =	simm.s32 $0x5C80  }
0x5d: {  	[tilespmem:s29], [sflag:$0x1] =	stream.indirect_vreg.gather [hbm4b:s4+s2], $0x80, v3, vm1, $0xb8;
	[tilespmem:$0xC080] =	vst v63  }
0x5e: {  	v3 =	vld [tilespmem:$0x40];
	_ =	sdelay $0x4  }
0x5f: {  	v60 =	vshrl.u32 v3, $0x3  }
0x60: {  	v4 =	vmul.u32 $0x18, v60  }
0x61: {  	v3 =	vand.u32 $0x7, v3  }
0x62: {  	v3 =	vor.u32 v3, v4  }
0x63: {  	v4 =	vperm.xlane v3, v0;
	_ =	sdelay $0x1  }
0x64: {  	v4 =	vadd.s32 v1, v4;
	_ =	sdelay $0x1  }
0x65: {  	v3 =	vperm.xlane v3, v2;
	_ =	sdelay $0x1  }
0x66: {  	s30 =	simm.s32 $0x6080;
	v3 =	vadd.s32 v1, v3  }
0x67: {  	[tilespmem:s30], [sflag:$0x1] =	stream.indirect_vreg.gather [hbm4b:s3+s2], $0x80, v4, vm0, $0xb8;
	[tilespmem:$0xC080] =	vst v63  }
0x68: {  	s31 =	simm.s32 $0x6880  }
0x69: {  	[tilespmem:s31], [sflag:$0x1] =	stream.indirect_vreg.gather [hbm4b:s4+s2], $0x80, v4, vm1, $0xb8;
	[tilespmem:$0xC080] =	vst v63  }
0x6a: {  	s1 =	simm.s32 $0x6C80  }
0x6b: {  	[tilespmem:s1], [sflag:$0x1] =	stream.indirect_vreg.gather [hbm4b:s3+s2], $0x80, v3, vm0, $0xb8;
	[tilespmem:$0xC080] =	vst v63  }
0x6c: {  	s5 =	simm.s32 $0x7480  }
0x6d: {  	[tilespmem:s5], [sflag:$0x1] =	stream.indirect_vreg.gather [hbm4b:s4+s2], $0x80, v3, vm1, $0xb8;
	[tilespmem:$0xC080] =	vst v63  }
0x6e: {  	v3 =	vld [tilespmem:$0x50];
	_ =	sdelay $0x4  }
0x6f: {  	v61 =	vshrl.u32 v3, $0x3  }
0x70: {  	v4 =	vmul.u32 $0x18, v61  }
0x71: {  	v3 =	vand.u32 $0x7, v3  }
0x72: {  	v3 =	vor.u32 v3, v4  }
0x73: {  	v4 =	vperm.xlane v3, v0;
	_ =	sdelay $0x1  }
0x74: {  	v4 =	vadd.s32 v1, v4;
	_ =	sdelay $0x1  }
0x75: {  	v3 =	vperm.xlane v3, v2;
	_ =	sdelay $0x1  }
0x76: {  	s8 =	simm.s32 $0x7880;
	v3 =	vadd.s32 v1, v3  }
0x77: {  	[tilespmem:s8], [sflag:$0x1] =	stream.indirect_vreg.gather [hbm4b:s3+s2], $0x80, v4, vm0, $0xb8;
	[tilespmem:$0xC080] =	vst v63  }
0x78: {  	s9 =	simm.s32 $0x8080  }
0x79: {  	[tilespmem:s9], [sflag:$0x1] =	stream.indirect_vreg.gather [hbm4b:s4+s2], $0x80, v4, vm1, $0xb8;
	[tilespmem:$0xC080] =	vst v63  }
0x7a: {  	s10 =	simm.s32 $0x8480  }
0x7b: {  	[tilespmem:s10], [sflag:$0x1] =	stream.indirect_vreg.gather [hbm4b:s3+s2], $0x80, v3, vm0, $0xb8;
	[tilespmem:$0xC080] =	vst v63  }
0x7c: {  	s15 =	simm.s32 $0x8C80  }
0x7d: {  	[tilespmem:s15], [sflag:$0x1] =	stream.indirect_vreg.gather [hbm4b:s4+s2], $0x80, v3, vm1, $0xb8;
	[tilespmem:$0xC080] =	vst v63  }
0x7e: {  	v3 =	vld [tilespmem:$0x60];
	_ =	sdelay $0x4  }
0x7f: {  	v62 =	vshrl.u32 v3, $0x3  }
0x80: {  	v4 =	vmul.u32 $0x18, v62  }
0x81: {  	v3 =	vand.u32 $0x7, v3  }
0x82: {  	v3 =	vor.u32 v3, v4  }
0x83: {  	v4 =	vperm.xlane v3, v0;
	_ =	sdelay $0x1  }
0x84: {  	v4 =	vadd.s32 v1, v4;
	_ =	sdelay $0x1  }
0x85: {  	v3 =	vperm.xlane v3, v2;
	_ =	sdelay $0x1  }
0x86: {  	s19 =	simm.s32 $0x9080;
	v3 =	vadd.s32 v1, v3  }
0x87: {  	[tilespmem:s19], [sflag:$0x1] =	stream.indirect_vreg.gather [hbm4b:s3+s2], $0x80, v4, vm0, $0xb8;
	[tilespmem:$0xC080] =	vst v63  }
0x88: {  	s20 =	simm.s32 $0x9880  }
0x89: {  	[tilespmem:s20], [sflag:$0x1] =	stream.indirect_vreg.gather [hbm4b:s4+s2], $0x80, v4, vm1, $0xb8;
	[tilespmem:$0xC080] =	vst v63  }
0x8a: {  	s22 =	simm.s32 $0x9C80  }
0x8b: {  	[tilespmem:s22], [sflag:$0x1] =	stream.indirect_vreg.gather [hbm4b:s3+s2], $0x80, v3, vm0, $0xb8;
	[tilespmem:$0xC080] =	vst v63  }
0x8c: {  	s24 =	simm.s32 $0xA480  }
0x8d: {  	[tilespmem:s24], [sflag:$0x1] =	stream.indirect_vreg.gather [hbm4b:s4+s2], $0x80, v3, vm1, $0xb8;
	[tilespmem:$0xC080] =	vst v63  }
0x8e: {  	v3 =	vld [tilespmem:$0x70];
	_ =	sdelay $0x4  }
0x8f: {  	v63 =	vshrl.u32 v3, $0x3  }
0x90: {  	v4 =	vmul.u32 $0x18, v63  }
0x91: {  	v3 =	vand.u32 $0x7, v3  }
0x92: {  	v3 =	vor.u32 v3, v4  }
0x93: {  	v4 =	vperm.xlane v3, v0;
	_ =	sdelay $0x1  }
0x94: {  	v4 =	vadd.s32 v1, v4;
	_ =	sdelay $0x1  }
0x95: {  	v3 =	vperm.xlane v3, v2;
	_ =	sdelay $0x1  }
0x96: {  	s25 =	simm.s32 $0xA880;
	v3 =	vadd.s32 v1, v3  }
0x97: {  	[tilespmem:s25], [sflag:$0x1] =	stream.indirect_vreg.gather [hbm4b:s3+s2], $0x80, v4, vm0, $0xb8;
	[tilespmem:$0xC080] =	vst v63  }
0x98: {  	s26 =	simm.s32 $0xB080  }
0x99: {  	[tilespmem:s26], [sflag:$0x1] =	stream.indirect_vreg.gather [hbm4b:s4+s2], $0x80, v4, vm1, $0xb8;
	[tilespmem:$0xC080] =	vst v63  }
0x9a: {  	s28 =	simm.s32 $0xB480  }
0x9b: {  	[tilespmem:s28], [sflag:$0x1] =	stream.indirect_vreg.gather [hbm4b:s3+s2], $0x80, v3, vm0, $0xb8;
	[tilespmem:$0xC080] =	vst v63  }
0x9c: {  	s29 =	simm.s32 $0xBC80  }
0x9d: {  	[tilespmem:s29], [sflag:$0x1] =	stream.indirect_vreg.gather [hbm4b:s4+s2], $0x80, v3, vm1, $0xb8;
	[tilespmem:$0xC080] =	vst v63  }
0x9e: {  	_ =	swait.ge [sflag:s14], $0xC000  }
0x9f: {  	[sflag:s14] =	ssyncset.done $0x0  }
0xa0: {  	s30 =	rddreg [dreg:$0x3];
	[sflag:s14] =	ssyncadd.s32 $0xFFFF4000  }
0xa1: {  	[hbm4b:s30+s2] =	stream.linear.scatter [tilespmem:s7], [sflag:$0x2], $0xC000, $0x38;
	[tilespmem:$0xC080] =	vst v63  }
0xa2: {  	_ =	swait.ge [sflag:s6], $0xC000  }
0xa3: {  	[sflag:s6] =	ssyncset.done $0x0  }
0xa4: {  	s31 =	rddreg [dreg:$0x4];
	[sflag:s6] =	ssyncadd.s32 $0xFFFF4000  }
0xa5: {  	[tilespmem:s2], [sflag:$0x2] =	stream.linear.gather [hbm4b:s31+s2], $0x80, $0x38;
	[tilespmem:$0xC080] =	vst v63  }
0xa6: {  	_ =	swait.ge [sflag:s6], $0x80  }
0xa7: {  	[sflag:s6] =	ssyncset.done $0x0  }
0xa8: {  	[sflag:s6] =	ssyncadd.s32 $0xFFFFFF80  }
0xa9: {  	v3 =	vld [tilespmem:$0x0];
	_ =	sdelay $0x4  }
0xaa: {  	v8 =	vshrl.u32 v3, $0x3  }
0xab: {  	v4 =	vmul.u32 $0x18, v8  }
0xac: {  	v3 =	vand.u32 $0x7, v3  }
0xad: {  	v3 =	vor.u32 v3, v4  }
0xae: {  	v4 =	vperm.xlane v3, v0;
	_ =	sdelay $0x1  }
0xaf: {  	v4 =	vadd.s32 v1, v4;
	_ =	sdelay $0x1  }
0xb0: {  	v3 =	vperm.xlane v3, v2;
	_ =	sdelay $0x1  }
0xb1: {  	v3 =	vadd.s32 v1, v3  }
0xb2: {  	[tilespmem:s7], [sflag:$0x1] =	stream.indirect_vreg.gather [hbm4b:s3+s2], $0x80, v4, vm0, $0xb8;
	[tilespmem:$0xC080] =	vst v63  }
0xb3: {  	s11 =	simm.s32 $0x880  }
0xb4: {  	[tilespmem:s11], [sflag:$0x1] =	stream.indirect_vreg.gather [hbm4b:s4+s2], $0x80, v4, vm1, $0xb8;
	[tilespmem:$0xC080] =	vst v63  }
0xb5: {  	s12 =	simm.s32 $0xC80  }
0xb6: {  	[tilespmem:s12], [sflag:$0x1] =	stream.indirect_vreg.gather [hbm4b:s3+s2], $0x80, v3, vm0, $0xb8;
	[tilespmem:$0xC080] =	vst v63  }
0xb7: {  	s22 =	simm.s32 $0x1480  }
0xb8: {  	[tilespmem:s22], [sflag:$0x1] =	stream.indirect_vreg.gather [hbm4b:s4+s2], $0x80, v3, vm1, $0xb8;
	[tilespmem:$0xC080] =	vst v63  }
0xb9: {  	v3 =	vld [tilespmem:$0x10];
	_ =	sdelay $0x4  }
0xba: {  	v9 =	vshrl.u32 v3, $0x3  }
0xbb: {  	v4 =	vmul.u32 $0x18, v9  }
0xbc: {  	v3 =	vand.u32 $0x7, v3  }
0xbd: {  	v3 =	vor.u32 v3, v4  }
0xbe: {  	v4 =	vperm.xlane v3, v0;
	_ =	sdelay $0x1  }
0xbf: {  	v4 =	vadd.s32 v1, v4;
	_ =	sdelay $0x1  }
0xc0: {  	v3 =	vperm.xlane v3, v2;
	_ =	sdelay $0x1  }
0xc1: {  	s13 =	simm.s32 $0x1880;
	v3 =	vadd.s32 v1, v3  }
0xc2: {  	[tilespmem:s13], [sflag:$0x1] =	stream.indirect_vreg.gather [hbm4b:s3+s2], $0x80, v4, vm0, $0xb8;
	[tilespmem:$0xC080] =	vst v63  }
0xc3: {  	s16 =	simm.s32 $0x2080  }
0xc4: {  	[tilespmem:s16], [sflag:$0x1] =	stream.indirect_vreg.gather [hbm4b:s4+s2], $0x80, v4, vm1, $0xb8;
	[tilespmem:$0xC080] =	vst v63  }
0xc5: {  	s17 =	simm.s32 $0x2480  }
0xc6: {  	[tilespmem:s17], [sflag:$0x1] =	stream.indirect_vreg.gather [hbm4b:s3+s2], $0x80, v3, vm0, $0xb8;
	[tilespmem:$0xC080] =	vst v63  }
0xc7: {  	s23 =	simm.s32 $0x2C80  }
0xc8: {  	[tilespmem:s23], [sflag:$0x1] =	stream.indirect_vreg.gather [hbm4b:s4+s2], $0x80, v3, vm1, $0xb8;
	[tilespmem:$0xC080] =	vst v63  }
0xc9: {  	v3 =	vld [tilespmem:$0x20];
	_ =	sdelay $0x4  }
0xca: {  	v10 =	vshrl.u32 v3, $0x3  }
0xcb: {  	v4 =	vmul.u32 $0x18, v10  }
0xcc: {  	v3 =	vand.u32 $0x7, v3  }
0xcd: {  	v3 =	vor.u32 v3, v4  }
0xce: {  	v4 =	vperm.xlane v3, v0;
	_ =	sdelay $0x1  }
0xcf: {  	v4 =	vadd.s32 v1, v4;
	_ =	sdelay $0x1  }
0xd0: {  	v3 =	vperm.xlane v3, v2;
	_ =	sdelay $0x1  }
0xd1: {  	s23 =	simm.s32 $0x3080;
	v3 =	vadd.s32 v1, v3  }
0xd2: {  	[tilespmem:s23], [sflag:$0x1] =	stream.indirect_vreg.gather [hbm4b:s3+s2], $0x80, v4, vm0, $0xb8;
	[tilespmem:$0xC080] =	vst v63  }
0xd3: {  	s24 =	simm.s32 $0x3880  }
0xd4: {  	[tilespmem:s24], [sflag:$0x1] =	stream.indirect_vreg.gather [hbm4b:s4+s2], $0x80, v4, vm1, $0xb8;
	[tilespmem:$0xC080] =	vst v63  }
0xd5: {  	s25 =	simm.s32 $0x3C80  }
0xd6: {  	[tilespmem:s25], [sflag:$0x1] =	stream.indirect_vreg.gather [hbm4b:s3+s2], $0x80, v3, vm0, $0xb8;
	[tilespmem:$0xC080] =	vst v63  }
0xd7: {  	s26 =	simm.s32 $0x4480  }
0xd8: {  	[tilespmem:s26], [sflag:$0x1] =	stream.indirect_vreg.gather [hbm4b:s4+s2], $0x80, v3, vm1, $0xb8;
	[tilespmem:$0xC080] =	vst v63  }
0xd9: {  	v3 =	vld [tilespmem:$0x30];
	_ =	sdelay $0x4  }
0xda: {  	v11 =	vshrl.u32 v3, $0x3  }
0xdb: {  	v4 =	vmul.u32 $0x18, v11  }
0xdc: {  	v3 =	vand.u32 $0x7, v3  }
0xdd: {  	v3 =	vor.u32 v3, v4  }
0xde: {  	v4 =	vperm.xlane v3, v0;
	_ =	sdelay $0x1  }
0xdf: {  	v4 =	vadd.s32 v1, v4;
	_ =	sdelay $0x1  }
0xe0: {  	v3 =	vperm.xlane v3, v2;
	_ =	sdelay $0x1  }
0xe1: {  	s28 =	simm.s32 $0x4880;
	v3 =	vadd.s32 v1, v3  }
0xe2: {  	[tilespmem:s28], [sflag:$0x1] =	stream.indirect_vreg.gather [hbm4b:s3+s2], $0x80, v4, vm0, $0xb8;
	[tilespmem:$0xC080] =	vst v63  }
0xe3: {  	s29 =	simm.s32 $0x5080  }
0xe4: {  	[tilespmem:s29], [sflag:$0x1] =	stream.indirect_vreg.gather [hbm4b:s4+s2], $0x80, v4, vm1, $0xb8;
	[tilespmem:$0xC080] =	vst v63  }
0xe5: {  	s30 =	simm.s32 $0x5480  }
0xe6: {  	[tilespmem:s30], [sflag:$0x1] =	stream.indirect_vreg.gather [hbm4b:s3+s2], $0x80, v3, vm0, $0xb8;
	[tilespmem:$0xC080] =	vst v63  }
0xe7: {  	s31 =	simm.s32 $0x5C80  }
0xe8: {  	[tilespmem:s31], [sflag:$0x1] =	stream.indirect_vreg.gather [hbm4b:s4+s2], $0x80, v3, vm1, $0xb8;
	[tilespmem:$0xC080] =	vst v63  }
0xe9: {  	v3 =	vld [tilespmem:$0x40];
	_ =	sdelay $0x4  }
0xea: {  	v12 =	vshrl.u32 v3, $0x3  }
0xeb: {  	v4 =	vmul.u32 $0x18, v12  }
0xec: {  	v3 =	vand.u32 $0x7, v3  }
0xed: {  	v3 =	vor.u32 v3, v4  }
0xee: {  	v4 =	vperm.xlane v3, v0;
	_ =	sdelay $0x1  }
0xef: {  	v4 =	vadd.s32 v1, v4;
	_ =	sdelay $0x1  }
0xf0: {  	v3 =	vperm.xlane v3, v2;
	_ =	sdelay $0x1  }
0xf1: {  	s11 =	simm.s32 $0x6080;
	v3 =	vadd.s32 v1, v3  }
0xf2: {  	[tilespmem:s11], [sflag:$0x1] =	stream.indirect_vreg.gather [hbm4b:s3+s2], $0x80, v4, vm0, $0xb8;
	[tilespmem:$0xC080] =	vst v63  }
0xf3: {  	s12 =	simm.s32 $0x6880  }
0xf4: {  	[tilespmem:s12], [sflag:$0x1] =	stream.indirect_vreg.gather [hbm4b:s4+s2], $0x80, v4, vm1, $0xb8;
	[tilespmem:$0xC080] =	vst v63  }
0xf5: {  	s13 =	simm.s32 $0x6C80  }
0xf6: {  	[tilespmem:s13], [sflag:$0x1] =	stream.indirect_vreg.gather [hbm4b:s3+s2], $0x80, v3, vm0, $0xb8;
	[tilespmem:$0xC080] =	vst v63  }
0xf7: {  	s18 =	simm.s32 $0x7480  }
0xf8: {  	[tilespmem:s18], [sflag:$0x1] =	stream.indirect_vreg.gather [hbm4b:s4+s2], $0x80, v3, vm1, $0xb8;
	[tilespmem:$0xC080] =	vst v63  }
0xf9: {  	v3 =	vld [tilespmem:$0x50];
	_ =	sdelay $0x4  }
0xfa: {  	v13 =	vshrl.u32 v3, $0x3  }
0xfb: {  	v4 =	vmul.u32 $0x18, v13  }
0xfc: {  	v3 =	vand.u32 $0x7, v3  }
0xfd: {  	v3 =	vor.u32 v3, v4  }
0xfe: {  	v4 =	vperm.xlane v3, v0;
	_ =	sdelay $0x1  }
0xff: {  	v4 =	vadd.s32 v1, v4;
	_ =	sdelay $0x1  }
0x100: {  	v3 =	vperm.xlane v3, v2;
	_ =	sdelay $0x1  }
0x101: {  	s16 =	simm.s32 $0x7880;
	v3 =	vadd.s32 v1, v3  }
0x102: {  	[tilespmem:s16], [sflag:$0x1] =	stream.indirect_vreg.gather [hbm4b:s3+s2], $0x80, v4, vm0, $0xb8;
	[tilespmem:$0xC080] =	vst v63  }
0x103: {  	s17 =	simm.s32 $0x8080  }
0x104: {  	[tilespmem:s17], [sflag:$0x1] =	stream.indirect_vreg.gather [hbm4b:s4+s2], $0x80, v4, vm1, $0xb8;
	[tilespmem:$0xC080] =	vst v63  }
0x105: {  	s18 =	simm.s32 $0x8480  }
0x106: {  	[tilespmem:s18], [sflag:$0x1] =	stream.indirect_vreg.gather [hbm4b:s3+s2], $0x80, v3, vm0, $0xb8;
	[tilespmem:$0xC080] =	vst v63  }
0x107: {  	s21 =	simm.s32 $0x8C80  }
0x108: {  	[tilespmem:s21], [sflag:$0x1] =	stream.indirect_vreg.gather [hbm4b:s4+s2], $0x80, v3, vm1, $0xb8;
	[tilespmem:$0xC080] =	vst v63  }
0x109: {  	v3 =	vld [tilespmem:$0x60];
	_ =	sdelay $0x4  }
0x10a: {  	v14 =	vshrl.u32 v3, $0x3  }
0x10b: {  	v4 =	vmul.u32 $0x18, v14  }
0x10c: {  	v3 =	vand.u32 $0x7, v3  }
0x10d: {  	v3 =	vor.u32 v3, v4  }
0x10e: {  	v4 =	vperm.xlane v3, v0;
	_ =	sdelay $0x1  }
0x10f: {  	v4 =	vadd.s32 v1, v4;
	_ =	sdelay $0x1  }
0x110: {  	v3 =	vperm.xlane v3, v2;
	_ =	sdelay $0x1  }
0x111: {  	s0 =	simm.s32 $0x9080;
	v3 =	vadd.s32 v1, v3  }
0x112: {  	[tilespmem:s0], [sflag:$0x1] =	stream.indirect_vreg.gather [hbm4b:s3+s2], $0x80, v4, vm0, $0xb8;
	[tilespmem:$0xC080] =	vst v63  }
0x113: {  	s1 =	simm.s32 $0x9880  }
0x114: {  	[tilespmem:s1], [sflag:$0x1] =	stream.indirect_vreg.gather [hbm4b:s4+s2], $0x80, v4, vm1, $0xb8;
	[tilespmem:$0xC080] =	vst v63  }
0x115: {  	s5 =	simm.s32 $0x9C80  }
0x116: {  	[tilespmem:s5], [sflag:$0x1] =	stream.indirect_vreg.gather [hbm4b:s3+s2], $0x80, v3, vm0, $0xb8;
	[tilespmem:$0xC080] =	vst v63  }
0x117: {  	s19 =	simm.s32 $0xA480  }
0x118: {  	[tilespmem:s19], [sflag:$0x1] =	stream.indirect_vreg.gather [hbm4b:s4+s2], $0x80, v3, vm1, $0xb8;
	[tilespmem:$0xC080] =	vst v63  }
0x119: {  	v3 =	vld [tilespmem:$0x70];
	_ =	sdelay $0x4  }
0x11a: {  	v15 =	vshrl.u32 v3, $0x3  }
0x11b: {  	v4 =	vmul.u32 $0x18, v15  }
0x11c: {  	v3 =	vand.u32 $0x7, v3  }
0x11d: {  	v3 =	vor.u32 v3, v4  }
0x11e: {  	v4 =	vperm.xlane v3, v0;
	_ =	sdelay $0x1  }
0x11f: {  	v4 =	vadd.s32 v1, v4;
	_ =	sdelay $0x1  }
0x120: {  	v3 =	vperm.xlane v3, v2;
	_ =	sdelay $0x1  }
0x121: {  	s8 =	simm.s32 $0xA880;
	v3 =	vadd.s32 v1, v3  }
0x122: {  	[tilespmem:s8], [sflag:$0x1] =	stream.indirect_vreg.gather [hbm4b:s3+s2], $0x80, v4, vm0, $0xb8;
	[tilespmem:$0xC080] =	vst v63  }
0x123: {  	s9 =	simm.s32 $0xB080  }
0x124: {  	[tilespmem:s9], [sflag:$0x1] =	stream.indirect_vreg.gather [hbm4b:s4+s2], $0x80, v4, vm1, $0xb8;
	[tilespmem:$0xC080] =	vst v63  }
0x125: {  	s10 =	simm.s32 $0xB480  }
0x126: {  	[tilespmem:s10], [sflag:$0x1] =	stream.indirect_vreg.gather [hbm4b:s3+s2], $0x80, v3, vm0, $0xb8;
	[tilespmem:$0xC080] =	vst v63  }
0x127: {  	s20 =	simm.s32 $0xBC80  }
0x128: {  	[tilespmem:s20], [sflag:$0x1] =	stream.indirect_vreg.gather [hbm4b:s4+s2], $0x80, v3, vm1, $0xb8;
	[tilespmem:$0xC080] =	vst v63  }
0x129: {  	_ =	swait.ge [sflag:s14], $0xC000  }
0x12a: {  	[sflag:s14] =	ssyncset.done $0x0  }
0x12b: {  	s15 =	rddreg [dreg:$0x5];
	[sflag:s14] =	ssyncadd.s32 $0xFFFF4000  }
0x12c: {  	[hbm4b:s15+s2] =	stream.linear.scatter [tilespmem:s7], [sflag:$0x2], $0xC000, $0x38;
	[tilespmem:$0xC080] =	vst v63  }
0x12d: {  	_ =	swait.ge [sflag:s6], $0xC000  }
0x12e: {  	[sflag:s6] =	ssyncset.done $0x0  }
0x12f: {  	s15 =	rddreg [dreg:$0x6];
	[sflag:s6] =	ssyncadd.s32 $0xFFFF4000  }
0x130: {  	[tilespmem:s2], [sflag:$0x2] =	stream.linear.gather [hbm4b:s15+s2], $0x80, $0x38;
	[tilespmem:$0xC080] =	vst v63  }
0x131: {  	_ =	swait.ge [sflag:s6], $0x80  }
0x132: {  	[sflag:s6] =	ssyncset.done $0x0  }
0x133: {  	[sflag:s6] =	ssyncadd.s32 $0xFFFFFF80  }
0x134: {  	v3 =	vld [tilespmem:$0x0];
	_ =	sdelay $0x4  }
0x135: {  	v16 =	vshrl.u32 v3, $0x3  }
0x136: {  	v4 =	vmul.u32 $0x18, v16  }
0x137: {  	v3 =	vand.u32 $0x7, v3  }
0x138: {  	v3 =	vor.u32 v3, v4  }
0x139: {  	v4 =	vperm.xlane v3, v0;
	_ =	sdelay $0x1  }
0x13a: {  	v4 =	vadd.s32 v1, v4;
	_ =	sdelay $0x1  }
0x13b: {  	v3 =	vperm.xlane v3, v2;
	_ =	sdelay $0x1  }
0x13c: {  	v3 =	vadd.s32 v1, v3  }
0x13d: {  	[tilespmem:s7], [sflag:$0x1] =	stream.indirect_vreg.gather [hbm4b:s3+s2], $0x80, v4, vm0, $0xb8;
	[tilespmem:$0xC080] =	vst v63  }
0x13e: {  	s15 =	simm.s32 $0x880  }
0x13f: {  	[tilespmem:s15], [sflag:$0x1] =	stream.indirect_vreg.gather [hbm4b:s4+s2], $0x80, v4, vm1, $0xb8;
	[tilespmem:$0xC080] =	vst v63  }
0x140: {  	s15 =	simm.s32 $0xC80  }
0x141: {  	[tilespmem:s15], [sflag:$0x1] =	stream.indirect_vreg.gather [hbm4b:s3+s2], $0x80, v3, vm0, $0xb8;
	[tilespmem:$0xC080] =	vst v63  }
0x142: {  	_ = 	snop  }
0x143: {  	[tilespmem:s22], [sflag:$0x1] =	stream.indirect_vreg.gather [hbm4b:s4+s2], $0x80, v3, vm1, $0xb8;
	[tilespmem:$0xC080] =	vst v63  }
0x144: {  	v3 =	vld [tilespmem:$0x10];
	_ =	sdelay $0x4  }
0x145: {  	v17 =	vshrl.u32 v3, $0x3  }
0x146: {  	v4 =	vmul.u32 $0x18, v17  }
0x147: {  	v3 =	vand.u32 $0x7, v3  }
0x148: {  	v3 =	vor.u32 v3, v4  }
0x149: {  	v4 =	vperm.xlane v3, v0;
	_ =	sdelay $0x1  }
0x14a: {  	v4 =	vadd.s32 v1, v4;
	_ =	sdelay $0x1  }
0x14b: {  	v3 =	vperm.xlane v3, v2;
	_ =	sdelay $0x1  }
0x14c: {  	s15 =	simm.s32 $0x1880;
	v3 =	vadd.s32 v1, v3  }
0x14d: {  	[tilespmem:s15], [sflag:$0x1] =	stream.indirect_vreg.gather [hbm4b:s3+s2], $0x80, v4, vm0, $0xb8;
	[tilespmem:$0xC080] =	vst v63  }
0x14e: {  	s15 =	simm.s32 $0x2080  }
0x14f: {  	[tilespmem:s15], [sflag:$0x1] =	stream.indirect_vreg.gather [hbm4b:s4+s2], $0x80, v4, vm1, $0xb8;
	[tilespmem:$0xC080] =	vst v63  }
0x150: {  	s15 =	simm.s32 $0x2480  }
0x151: {  	[tilespmem:s15], [sflag:$0x1] =	stream.indirect_vreg.gather [hbm4b:s3+s2], $0x80, v3, vm0, $0xb8;
	[tilespmem:$0xC080] =	vst v63  }
0x152: {  	s15 =	simm.s32 $0x2C80  }
0x153: {  	[tilespmem:s15], [sflag:$0x1] =	stream.indirect_vreg.gather [hbm4b:s4+s2], $0x80, v3, vm1, $0xb8;
	[tilespmem:$0xC080] =	vst v63  }
0x154: {  	v3 =	vld [tilespmem:$0x20];
	_ =	sdelay $0x4  }
0x155: {  	v18 =	vshrl.u32 v3, $0x3  }
0x156: {  	v4 =	vmul.u32 $0x18, v18  }
0x157: {  	v3 =	vand.u32 $0x7, v3  }
0x158: {  	v3 =	vor.u32 v3, v4  }
0x159: {  	v4 =	vperm.xlane v3, v0;
	_ =	sdelay $0x1  }
0x15a: {  	v4 =	vadd.s32 v1, v4;
	_ =	sdelay $0x1  }
0x15b: {  	v3 =	vperm.xlane v3, v2;
	_ =	sdelay $0x1  }
0x15c: {  	v3 =	vadd.s32 v1, v3  }
0x15d: {  	[tilespmem:s23], [sflag:$0x1] =	stream.indirect_vreg.gather [hbm4b:s3+s2], $0x80, v4, vm0, $0xb8;
	[tilespmem:$0xC080] =	vst v63  }
0x15e: {  	_ = 	snop  }
0x15f: {  	[tilespmem:s24], [sflag:$0x1] =	stream.indirect_vreg.gather [hbm4b:s4+s2], $0x80, v4, vm1, $0xb8;
	[tilespmem:$0xC080] =	vst v63  }
0x160: {  	_ = 	snop  }
0x161: {  	[tilespmem:s25], [sflag:$0x1] =	stream.indirect_vreg.gather [hbm4b:s3+s2], $0x80, v3, vm0, $0xb8;
	[tilespmem:$0xC080] =	vst v63  }
0x162: {  	_ = 	snop  }
0x163: {  	[tilespmem:s26], [sflag:$0x1] =	stream.indirect_vreg.gather [hbm4b:s4+s2], $0x80, v3, vm1, $0xb8;
	[tilespmem:$0xC080] =	vst v63  }
0x164: {  	v3 =	vld [tilespmem:$0x30];
	_ =	sdelay $0x4  }
0x165: {  	v19 =	vshrl.u32 v3, $0x3  }
0x166: {  	v4 =	vmul.u32 $0x18, v19  }
0x167: {  	v3 =	vand.u32 $0x7, v3  }
0x168: {  	v3 =	vor.u32 v3, v4  }
0x169: {  	v4 =	vperm.xlane v3, v0;
	_ =	sdelay $0x1  }
0x16a: {  	v4 =	vadd.s32 v1, v4;
	_ =	sdelay $0x1  }
0x16b: {  	v3 =	vperm.xlane v3, v2;
	_ =	sdelay $0x1  }
0x16c: {  	v3 =	vadd.s32 v1, v3  }
0x16d: {  	[tilespmem:s28], [sflag:$0x1] =	stream.indirect_vreg.gather [hbm4b:s3+s2], $0x80, v4, vm0, $0xb8;
	[tilespmem:$0xC080] =	vst v63  }
0x16e: {  	_ = 	snop  }
0x16f: {  	[tilespmem:s29], [sflag:$0x1] =	stream.indirect_vreg.gather [hbm4b:s4+s2], $0x80, v4, vm1, $0xb8;
	[tilespmem:$0xC080] =	vst v63  }
0x170: {  	_ = 	snop  }
0x171: {  	[tilespmem:s30], [sflag:$0x1] =	stream.indirect_vreg.gather [hbm4b:s3+s2], $0x80, v3, vm0, $0xb8;
	[tilespmem:$0xC080] =	vst v63  }
0x172: {  	_ = 	snop  }
0x173: {  	[tilespmem:s31], [sflag:$0x1] =	stream.indirect_vreg.gather [hbm4b:s4+s2], $0x80, v3, vm1, $0xb8;
	[tilespmem:$0xC080] =	vst v63  }
0x174: {  	v3 =	vld [tilespmem:$0x40];
	_ =	sdelay $0x4  }
0x175: {  	v20 =	vshrl.u32 v3, $0x3  }
0x176: {  	v4 =	vmul.u32 $0x18, v20  }
0x177: {  	v3 =	vand.u32 $0x7, v3  }
0x178: {  	v3 =	vor.u32 v3, v4  }
0x179: {  	v4 =	vperm.xlane v3, v0;
	_ =	sdelay $0x1  }
0x17a: {  	v4 =	vadd.s32 v1, v4;
	_ =	sdelay $0x1  }
0x17b: {  	v3 =	vperm.xlane v3, v2;
	_ =	sdelay $0x1  }
0x17c: {  	v3 =	vadd.s32 v1, v3  }
0x17d: {  	[tilespmem:s11], [sflag:$0x1] =	stream.indirect_vreg.gather [hbm4b:s3+s2], $0x80, v4, vm0, $0xb8;
	[tilespmem:$0xC080] =	vst v63  }
0x17e: {  	_ = 	snop  }
0x17f: {  	[tilespmem:s12], [sflag:$0x1] =	stream.indirect_vreg.gather [hbm4b:s4+s2], $0x80, v4, vm1, $0xb8;
	[tilespmem:$0xC080] =	vst v63  }
0x180: {  	_ = 	snop  }
0x181: {  	[tilespmem:s13], [sflag:$0x1] =	stream.indirect_vreg.gather [hbm4b:s3+s2], $0x80, v3, vm0, $0xb8;
	[tilespmem:$0xC080] =	vst v63  }
0x182: {  	s15 =	simm.s32 $0x7480  }
0x183: {  	[tilespmem:s15], [sflag:$0x1] =	stream.indirect_vreg.gather [hbm4b:s4+s2], $0x80, v3, vm1, $0xb8;
	[tilespmem:$0xC080] =	vst v63  }
0x184: {  	v3 =	vld [tilespmem:$0x50];
	_ =	sdelay $0x4  }
0x185: {  	v21 =	vshrl.u32 v3, $0x3  }
0x186: {  	v4 =	vmul.u32 $0x18, v21  }
0x187: {  	v3 =	vand.u32 $0x7, v3  }
0x188: {  	v3 =	vor.u32 v3, v4  }
0x189: {  	v4 =	vperm.xlane v3, v0;
	_ =	sdelay $0x1  }
0x18a: {  	v4 =	vadd.s32 v1, v4;
	_ =	sdelay $0x1  }
0x18b: {  	v3 =	vperm.xlane v3, v2;
	_ =	sdelay $0x1  }
0x18c: {  	v3 =	vadd.s32 v1, v3  }
0x18d: {  	[tilespmem:s16], [sflag:$0x1] =	stream.indirect_vreg.gather [hbm4b:s3+s2], $0x80, v4, vm0, $0xb8;
	[tilespmem:$0xC080] =	vst v63  }
0x18e: {  	_ = 	snop  }
0x18f: {  	[tilespmem:s17], [sflag:$0x1] =	stream.indirect_vreg.gather [hbm4b:s4+s2], $0x80, v4, vm1, $0xb8;
	[tilespmem:$0xC080] =	vst v63  }
0x190: {  	_ = 	snop  }
0x191: {  	[tilespmem:s18], [sflag:$0x1] =	stream.indirect_vreg.gather [hbm4b:s3+s2], $0x80, v3, vm0, $0xb8;
	[tilespmem:$0xC080] =	vst v63  }
0x192: {  	s21 =	simm.s32 $0x8C80  }
0x193: {  	[tilespmem:s21], [sflag:$0x1] =	stream.indirect_vreg.gather [hbm4b:s4+s2], $0x80, v3, vm1, $0xb8;
	[tilespmem:$0xC080] =	vst v63  }
0x194: {  	v3 =	vld [tilespmem:$0x60];
	_ =	sdelay $0x4  }
0x195: {  	v22 =	vshrl.u32 v3, $0x3  }
0x196: {  	v4 =	vmul.u32 $0x18, v22  }
0x197: {  	v3 =	vand.u32 $0x7, v3  }
0x198: {  	v3 =	vor.u32 v3, v4  }
0x199: {  	v4 =	vperm.xlane v3, v0;
	_ =	sdelay $0x1  }
0x19a: {  	v4 =	vadd.s32 v1, v4;
	_ =	sdelay $0x1  }
0x19b: {  	v3 =	vperm.xlane v3, v2;
	_ =	sdelay $0x1  }
0x19c: {  	s0 =	simm.s32 $0x9080;
	v3 =	vadd.s32 v1, v3  }
0x19d: {  	[tilespmem:s0], [sflag:$0x1] =	stream.indirect_vreg.gather [hbm4b:s3+s2], $0x80, v4, vm0, $0xb8;
	[tilespmem:$0xC080] =	vst v63  }
0x19e: {  	s1 =	simm.s32 $0x9880  }
0x19f: {  	[tilespmem:s1], [sflag:$0x1] =	stream.indirect_vreg.gather [hbm4b:s4+s2], $0x80, v4, vm1, $0xb8;
	[tilespmem:$0xC080] =	vst v63  }
0x1a0: {  	s5 =	simm.s32 $0x9C80  }
0x1a1: {  	[tilespmem:s5], [sflag:$0x1] =	stream.indirect_vreg.gather [hbm4b:s3+s2], $0x80, v3, vm0, $0xb8;
	[tilespmem:$0xC080] =	vst v63  }
0x1a2: {  	s19 =	simm.s32 $0xA480  }
0x1a3: {  	[tilespmem:s19], [sflag:$0x1] =	stream.indirect_vreg.gather [hbm4b:s4+s2], $0x80, v3, vm1, $0xb8;
	[tilespmem:$0xC080] =	vst v63  }
0x1a4: {  	v3 =	vld [tilespmem:$0x70];
	_ =	sdelay $0x4  }
0x1a5: {  	v23 =	vshrl.u32 v3, $0x3  }
0x1a6: {  	v4 =	vmul.u32 $0x18, v23  }
0x1a7: {  	v3 =	vand.u32 $0x7, v3  }
0x1a8: {  	v3 =	vor.u32 v3, v4  }
0x1a9: {  	v4 =	vperm.xlane v3, v0;
	_ =	sdelay $0x1  }
0x1aa: {  	v4 =	vadd.s32 v1, v4;
	_ =	sdelay $0x1  }
0x1ab: {  	v3 =	vperm.xlane v3, v2;
	_ =	sdelay $0x1  }
0x1ac: {  	s8 =	simm.s32 $0xA880;
	v3 =	vadd.s32 v1, v3  }
0x1ad: {  	[tilespmem:s8], [sflag:$0x1] =	stream.indirect_vreg.gather [hbm4b:s3+s2], $0x80, v4, vm0, $0xb8;
	[tilespmem:$0xC080] =	vst v63  }
0x1ae: {  	s9 =	simm.s32 $0xB080  }
0x1af: {  	[tilespmem:s9], [sflag:$0x1] =	stream.indirect_vreg.gather [hbm4b:s4+s2], $0x80, v4, vm1, $0xb8;
	[tilespmem:$0xC080] =	vst v63  }
0x1b0: {  	s10 =	simm.s32 $0xB480  }
0x1b1: {  	[tilespmem:s10], [sflag:$0x1] =	stream.indirect_vreg.gather [hbm4b:s3+s2], $0x80, v3, vm0, $0xb8;
	[tilespmem:$0xC080] =	vst v63  }
0x1b2: {  	s20 =	simm.s32 $0xBC80  }
0x1b3: {  	[tilespmem:s20], [sflag:$0x1] =	stream.indirect_vreg.gather [hbm4b:s4+s2], $0x80, v3, vm1, $0xb8;
	[tilespmem:$0xC080] =	vst v63  }
0x1b4: {  	_ =	swait.ge [sflag:s14], $0xC000  }
0x1b5: {  	[sflag:s14] =	ssyncset.done $0x0  }
0x1b6: {  	s15 =	rddreg [dreg:$0x7];
	[sflag:s14] =	ssyncadd.s32 $0xFFFF4000  }
0x1b7: {  	[hbm4b:s15+s2] =	stream.linear.scatter [tilespmem:s7], [sflag:$0x2], $0xC000, $0x38;
	[tilespmem:$0xC080] =	vst v63  }
0x1b8: {  	_ =	swait.ge [sflag:s6], $0xC000  }
0x1b9: {  	[sflag:s6] =	ssyncset.done $0x0  }
0x1ba: {  	s15 =	rddreg [dreg:$0x8];
	[sflag:s6] =	ssyncadd.s32 $0xFFFF4000  }
0x1bb: {  	[tilespmem:s2], [sflag:$0x2] =	stream.linear.gather [hbm4b:s15+s2], $0x80, $0x38;
	[tilespmem:$0xC080] =	vst v63  }
0x1bc: {  	_ =	swait.ge [sflag:s6], $0x80  }
0x1bd: {  	[sflag:s6] =	ssyncset.done $0x0  }
0x1be: {  	[sflag:s6] =	ssyncadd.s32 $0xFFFFFF80  }
0x1bf: {  	v3 =	vld [tilespmem:$0x0];
	_ =	sdelay $0x4  }
0x1c0: {  	v24 =	vshrl.u32 v3, $0x3  }
0x1c1: {  	v4 =	vmul.u32 $0x18, v24  }
0x1c2: {  	v3 =	vand.u32 $0x7, v3  }
0x1c3: {  	v3 =	vor.u32 v3, v4  }
0x1c4: {  	v4 =	vperm.xlane v3, v0;
	_ =	sdelay $0x1  }
0x1c5: {  	v4 =	vadd.s32 v1, v4;
	_ =	sdelay $0x1  }
0x1c6: {  	v3 =	vperm.xlane v3, v2;
	_ =	sdelay $0x1  }
0x1c7: {  	v3 =	vadd.s32 v1, v3  }
0x1c8: {  	[tilespmem:s7], [sflag:$0x1] =	stream.indirect_vreg.gather [hbm4b:s3+s2], $0x80, v4, vm0, $0xb8;
	[tilespmem:$0xC080] =	vst v63  }
0x1c9: {  	s15 =	simm.s32 $0x880  }
0x1ca: {  	[tilespmem:s15], [sflag:$0x1] =	stream.indirect_vreg.gather [hbm4b:s4+s2], $0x80, v4, vm1, $0xb8;
	[tilespmem:$0xC080] =	vst v63  }
0x1cb: {  	s15 =	simm.s32 $0xC80  }
0x1cc: {  	[tilespmem:s15], [sflag:$0x1] =	stream.indirect_vreg.gather [hbm4b:s3+s2], $0x80, v3, vm0, $0xb8;
	[tilespmem:$0xC080] =	vst v63  }
0x1cd: {  	s22 =	simm.s32 $0x1480  }
0x1ce: {  	[tilespmem:s22], [sflag:$0x1] =	stream.indirect_vreg.gather [hbm4b:s4+s2], $0x80, v3, vm1, $0xb8;
	[tilespmem:$0xC080] =	vst v63  }
0x1cf: {  	v3 =	vld [tilespmem:$0x10];
	_ =	sdelay $0x4  }
0x1d0: {  	v25 =	vshrl.u32 v3, $0x3  }
0x1d1: {  	v4 =	vmul.u32 $0x18, v25  }
0x1d2: {  	v3 =	vand.u32 $0x7, v3  }
0x1d3: {  	v3 =	vor.u32 v3, v4  }
0x1d4: {  	v4 =	vperm.xlane v3, v0;
	_ =	sdelay $0x1  }
0x1d5: {  	v4 =	vadd.s32 v1, v4;
	_ =	sdelay $0x1  }
0x1d6: {  	v3 =	vperm.xlane v3, v2;
	_ =	sdelay $0x1  }
0x1d7: {  	s15 =	simm.s32 $0x1880;
	v3 =	vadd.s32 v1, v3  }
0x1d8: {  	[tilespmem:s15], [sflag:$0x1] =	stream.indirect_vreg.gather [hbm4b:s3+s2], $0x80, v4, vm0, $0xb8;
	[tilespmem:$0xC080] =	vst v63  }
0x1d9: {  	s15 =	simm.s32 $0x2080  }
0x1da: {  	[tilespmem:s15], [sflag:$0x1] =	stream.indirect_vreg.gather [hbm4b:s4+s2], $0x80, v4, vm1, $0xb8;
	[tilespmem:$0xC080] =	vst v63  }
0x1db: {  	s15 =	simm.s32 $0x2480  }
0x1dc: {  	[tilespmem:s15], [sflag:$0x1] =	stream.indirect_vreg.gather [hbm4b:s3+s2], $0x80, v3, vm0, $0xb8;
	[tilespmem:$0xC080] =	vst v63  }
0x1dd: {  	s15 =	simm.s32 $0x2C80  }
0x1de: {  	[tilespmem:s15], [sflag:$0x1] =	stream.indirect_vreg.gather [hbm4b:s4+s2], $0x80, v3, vm1, $0xb8;
	[tilespmem:$0xC080] =	vst v63  }
0x1df: {  	v3 =	vld [tilespmem:$0x20];
	_ =	sdelay $0x4  }
0x1e0: {  	v26 =	vshrl.u32 v3, $0x3  }
0x1e1: {  	v4 =	vmul.u32 $0x18, v26  }
0x1e2: {  	v3 =	vand.u32 $0x7, v3  }
0x1e3: {  	v3 =	vor.u32 v3, v4  }
0x1e4: {  	v4 =	vperm.xlane v3, v0;
	_ =	sdelay $0x1  }
0x1e5: {  	v4 =	vadd.s32 v1, v4;
	_ =	sdelay $0x1  }
0x1e6: {  	v3 =	vperm.xlane v3, v2;
	_ =	sdelay $0x1  }
0x1e7: {  	s23 =	simm.s32 $0x3080;
	v3 =	vadd.s32 v1, v3  }
0x1e8: {  	[tilespmem:s23], [sflag:$0x1] =	stream.indirect_vreg.gather [hbm4b:s3+s2], $0x80, v4, vm0, $0xb8;
	[tilespmem:$0xC080] =	vst v63  }
0x1e9: {  	s24 =	simm.s32 $0x3880  }
0x1ea: {  	[tilespmem:s24], [sflag:$0x1] =	stream.indirect_vreg.gather [hbm4b:s4+s2], $0x80, v4, vm1, $0xb8;
	[tilespmem:$0xC080] =	vst v63  }
0x1eb: {  	s25 =	simm.s32 $0x3C80  }
0x1ec: {  	[tilespmem:s25], [sflag:$0x1] =	stream.indirect_vreg.gather [hbm4b:s3+s2], $0x80, v3, vm0, $0xb8;
	[tilespmem:$0xC080] =	vst v63  }
0x1ed: {  	s26 =	simm.s32 $0x4480  }
0x1ee: {  	[tilespmem:s26], [sflag:$0x1] =	stream.indirect_vreg.gather [hbm4b:s4+s2], $0x80, v3, vm1, $0xb8;
	[tilespmem:$0xC080] =	vst v63  }
0x1ef: {  	v3 =	vld [tilespmem:$0x30];
	_ =	sdelay $0x4  }
0x1f0: {  	v27 =	vshrl.u32 v3, $0x3  }
0x1f1: {  	v4 =	vmul.u32 $0x18, v27  }
0x1f2: {  	v3 =	vand.u32 $0x7, v3  }
0x1f3: {  	v3 =	vor.u32 v3, v4  }
0x1f4: {  	v4 =	vperm.xlane v3, v0;
	_ =	sdelay $0x1  }
0x1f5: {  	v4 =	vadd.s32 v1, v4;
	_ =	sdelay $0x1  }
0x1f6: {  	v3 =	vperm.xlane v3, v2;
	_ =	sdelay $0x1  }
0x1f7: {  	s28 =	simm.s32 $0x4880;
	v3 =	vadd.s32 v1, v3  }
0x1f8: {  	[tilespmem:s28], [sflag:$0x1] =	stream.indirect_vreg.gather [hbm4b:s3+s2], $0x80, v4, vm0, $0xb8;
	[tilespmem:$0xC080] =	vst v63  }
0x1f9: {  	s29 =	simm.s32 $0x5080  }
0x1fa: {  	[tilespmem:s29], [sflag:$0x1] =	stream.indirect_vreg.gather [hbm4b:s4+s2], $0x80, v4, vm1, $0xb8;
	[tilespmem:$0xC080] =	vst v63  }
0x1fb: {  	s30 =	simm.s32 $0x5480  }
0x1fc: {  	[tilespmem:s30], [sflag:$0x1] =	stream.indirect_vreg.gather [hbm4b:s3+s2], $0x80, v3, vm0, $0xb8;
	[tilespmem:$0xC080] =	vst v63  }
0x1fd: {  	s31 =	simm.s32 $0x5C80  }
0x1fe: {  	[tilespmem:s31], [sflag:$0x1] =	stream.indirect_vreg.gather [hbm4b:s4+s2], $0x80, v3, vm1, $0xb8;
	[tilespmem:$0xC080] =	vst v63  }
0x1ff: {  	v3 =	vld [tilespmem:$0x40];
	_ =	sdelay $0x4  }
0x200: {  	v28 =	vshrl.u32 v3, $0x3  }
0x201: {  	v4 =	vmul.u32 $0x18, v28  }
0x202: {  	v3 =	vand.u32 $0x7, v3  }
0x203: {  	v3 =	vor.u32 v3, v4  }
0x204: {  	v4 =	vperm.xlane v3, v0;
	_ =	sdelay $0x1  }
0x205: {  	v4 =	vadd.s32 v1, v4;
	_ =	sdelay $0x1  }
0x206: {  	v3 =	vperm.xlane v3, v2;
	_ =	sdelay $0x1  }
0x207: {  	s11 =	simm.s32 $0x6080;
	v3 =	vadd.s32 v1, v3  }
0x208: {  	[tilespmem:s11], [sflag:$0x1] =	stream.indirect_vreg.gather [hbm4b:s3+s2], $0x80, v4, vm0, $0xb8;
	[tilespmem:$0xC080] =	vst v63  }
0x209: {  	s12 =	simm.s32 $0x6880  }
0x20a: {  	[tilespmem:s12], [sflag:$0x1] =	stream.indirect_vreg.gather [hbm4b:s4+s2], $0x80, v4, vm1, $0xb8;
	[tilespmem:$0xC080] =	vst v63  }
0x20b: {  	s13 =	simm.s32 $0x6C80  }
0x20c: {  	[tilespmem:s13], [sflag:$0x1] =	stream.indirect_vreg.gather [hbm4b:s3+s2], $0x80, v3, vm0, $0xb8;
	[tilespmem:$0xC080] =	vst v63  }
0x20d: {  	s15 =	simm.s32 $0x7480  }
0x20e: {  	[tilespmem:s15], [sflag:$0x1] =	stream.indirect_vreg.gather [hbm4b:s4+s2], $0x80, v3, vm1, $0xb8;
	[tilespmem:$0xC080] =	vst v63  }
0x20f: {  	v3 =	vld [tilespmem:$0x50];
	_ =	sdelay $0x4  }
0x210: {  	v29 =	vshrl.u32 v3, $0x3  }
0x211: {  	v4 =	vmul.u32 $0x18, v29  }
0x212: {  	v3 =	vand.u32 $0x7, v3  }
0x213: {  	v3 =	vor.u32 v3, v4  }
0x214: {  	v4 =	vperm.xlane v3, v0;
	_ =	sdelay $0x1  }
0x215: {  	v4 =	vadd.s32 v1, v4;
	_ =	sdelay $0x1  }
0x216: {  	v3 =	vperm.xlane v3, v2;
	_ =	sdelay $0x1  }
0x217: {  	s16 =	simm.s32 $0x7880;
	v3 =	vadd.s32 v1, v3  }
0x218: {  	[tilespmem:s16], [sflag:$0x1] =	stream.indirect_vreg.gather [hbm4b:s3+s2], $0x80, v4, vm0, $0xb8;
	[tilespmem:$0xC080] =	vst v63  }
0x219: {  	s17 =	simm.s32 $0x8080  }
0x21a: {  	[tilespmem:s17], [sflag:$0x1] =	stream.indirect_vreg.gather [hbm4b:s4+s2], $0x80, v4, vm1, $0xb8;
	[tilespmem:$0xC080] =	vst v63  }
0x21b: {  	s18 =	simm.s32 $0x8480  }
0x21c: {  	[tilespmem:s18], [sflag:$0x1] =	stream.indirect_vreg.gather [hbm4b:s3+s2], $0x80, v3, vm0, $0xb8;
	[tilespmem:$0xC080] =	vst v63  }
0x21d: {  	s21 =	simm.s32 $0x8C80  }
0x21e: {  	[tilespmem:s21], [sflag:$0x1] =	stream.indirect_vreg.gather [hbm4b:s4+s2], $0x80, v3, vm1, $0xb8;
	[tilespmem:$0xC080] =	vst v63  }
0x21f: {  	v3 =	vld [tilespmem:$0x60];
	_ =	sdelay $0x4  }
0x220: {  	v30 =	vshrl.u32 v3, $0x3  }
0x221: {  	v4 =	vmul.u32 $0x18, v30  }
0x222: {  	v3 =	vand.u32 $0x7, v3  }
0x223: {  	v3 =	vor.u32 v3, v4  }
0x224: {  	v4 =	vperm.xlane v3, v0;
	_ =	sdelay $0x1  }
0x225: {  	v4 =	vadd.s32 v1, v4;
	_ =	sdelay $0x1  }
0x226: {  	v3 =	vperm.xlane v3, v2;
	_ =	sdelay $0x1  }
0x227: {  	s0 =	simm.s32 $0x9080;
	v3 =	vadd.s32 v1, v3  }
0x228: {  	[tilespmem:s0], [sflag:$0x1] =	stream.indirect_vreg.gather [hbm4b:s3+s2], $0x80, v4, vm0, $0xb8;
	[tilespmem:$0xC080] =	vst v63  }
0x229: {  	s1 =	simm.s32 $0x9880  }
0x22a: {  	[tilespmem:s1], [sflag:$0x1] =	stream.indirect_vreg.gather [hbm4b:s4+s2], $0x80, v4, vm1, $0xb8;
	[tilespmem:$0xC080] =	vst v63  }
0x22b: {  	s5 =	simm.s32 $0x9C80  }
0x22c: {  	[tilespmem:s5], [sflag:$0x1] =	stream.indirect_vreg.gather [hbm4b:s3+s2], $0x80, v3, vm0, $0xb8;
	[tilespmem:$0xC080] =	vst v63  }
0x22d: {  	s19 =	simm.s32 $0xA480  }
0x22e: {  	[tilespmem:s19], [sflag:$0x1] =	stream.indirect_vreg.gather [hbm4b:s4+s2], $0x80, v3, vm1, $0xb8;
	[tilespmem:$0xC080] =	vst v63  }
0x22f: {  	v3 =	vld [tilespmem:$0x70];
	_ =	sdelay $0x4  }
0x230: {  	v31 =	vshrl.u32 v3, $0x3  }
0x231: {  	v4 =	vmul.u32 $0x18, v31  }
0x232: {  	v3 =	vand.u32 $0x7, v3  }
0x233: {  	v3 =	vor.u32 v3, v4  }
0x234: {  	v4 =	vperm.xlane v3, v0;
	_ =	sdelay $0x1  }
0x235: {  	v4 =	vadd.s32 v1, v4;
	_ =	sdelay $0x1  }
0x236: {  	v3 =	vperm.xlane v3, v2;
	_ =	sdelay $0x1  }
0x237: {  	s8 =	simm.s32 $0xA880;
	v3 =	vadd.s32 v1, v3  }
0x238: {  	[tilespmem:s8], [sflag:$0x1] =	stream.indirect_vreg.gather [hbm4b:s3+s2], $0x80, v4, vm0, $0xb8;
	[tilespmem:$0xC080] =	vst v63  }
0x239: {  	s9 =	simm.s32 $0xB080  }
0x23a: {  	[tilespmem:s9], [sflag:$0x1] =	stream.indirect_vreg.gather [hbm4b:s4+s2], $0x80, v4, vm1, $0xb8;
	[tilespmem:$0xC080] =	vst v63  }
0x23b: {  	s10 =	simm.s32 $0xB480  }
0x23c: {  	[tilespmem:s10], [sflag:$0x1] =	stream.indirect_vreg.gather [hbm4b:s3+s2], $0x80, v3, vm0, $0xb8;
	[tilespmem:$0xC080] =	vst v63  }
0x23d: {  	s20 =	simm.s32 $0xBC80  }
0x23e: {  	[tilespmem:s20], [sflag:$0x1] =	stream.indirect_vreg.gather [hbm4b:s4+s2], $0x80, v3, vm1, $0xb8;
	[tilespmem:$0xC080] =	vst v63  }
0x23f: {  	_ =	swait.ge [sflag:s14], $0xC000  }
0x240: {  	[sflag:s14] =	ssyncset.done $0x0  }
0x241: {  	s15 =	rddreg [dreg:$0x9];
	[sflag:s14] =	ssyncadd.s32 $0xFFFF4000  }
0x242: {  	[hbm4b:s15+s2] =	stream.linear.scatter [tilespmem:s7], [sflag:$0x2], $0xC000, $0x38;
	[tilespmem:$0xC080] =	vst v63  }
0x243: {  	_ =	swait.ge [sflag:s6], $0xC000  }
0x244: {  	[sflag:s6] =	ssyncset.done $0x0  }
0x245: {  	s15 =	rddreg [dreg:$0xa];
	[sflag:s6] =	ssyncadd.s32 $0xFFFF4000  }
0x246: {  	[tilespmem:s2], [sflag:$0x2] =	stream.linear.gather [hbm4b:s15+s2], $0x80, $0x38;
	[tilespmem:$0xC080] =	vst v63  }
0x247: {  	_ =	swait.ge [sflag:s6], $0x80  }
0x248: {  	[sflag:s6] =	ssyncset.done $0x0  }
0x249: {  	[sflag:s6] =	ssyncadd.s32 $0xFFFFFF80  }
0x24a: {  	v3 =	vld [tilespmem:$0x0];
	_ =	sdelay $0x4  }
0x24b: {  	v32 =	vshrl.u32 v3, $0x3  }
0x24c: {  	v4 =	vmul.u32 $0x18, v32  }
0x24d: {  	v3 =	vand.u32 $0x7, v3  }
0x24e: {  	v3 =	vor.u32 v3, v4  }
0x24f: {  	v4 =	vperm.xlane v3, v0;
	_ =	sdelay $0x1  }
0x250: {  	v4 =	vadd.s32 v1, v4;
	_ =	sdelay $0x1  }
0x251: {  	v3 =	vperm.xlane v3, v2;
	_ =	sdelay $0x1  }
0x252: {  	v3 =	vadd.s32 v1, v3  }
0x253: {  	[tilespmem:s7], [sflag:$0x1] =	stream.indirect_vreg.gather [hbm4b:s3+s2], $0x80, v4, vm0, $0xb8;
	[tilespmem:$0xC080] =	vst v63  }
0x254: {  	s15 =	simm.s32 $0x880  }
0x255: {  	[tilespmem:s15], [sflag:$0x1] =	stream.indirect_vreg.gather [hbm4b:s4+s2], $0x80, v4, vm1, $0xb8;
	[tilespmem:$0xC080] =	vst v63  }
0x256: {  	s15 =	simm.s32 $0xC80  }
0x257: {  	[tilespmem:s15], [sflag:$0x1] =	stream.indirect_vreg.gather [hbm4b:s3+s2], $0x80, v3, vm0, $0xb8;
	[tilespmem:$0xC080] =	vst v63  }
0x258: {  	s22 =	simm.s32 $0x1480  }
0x259: {  	[tilespmem:s22], [sflag:$0x1] =	stream.indirect_vreg.gather [hbm4b:s4+s2], $0x80, v3, vm1, $0xb8;
	[tilespmem:$0xC080] =	vst v63  }
0x25a: {  	v3 =	vld [tilespmem:$0x10];
	_ =	sdelay $0x4  }
0x25b: {  	v33 =	vshrl.u32 v3, $0x3  }
0x25c: {  	v4 =	vmul.u32 $0x18, v33  }
0x25d: {  	v3 =	vand.u32 $0x7, v3  }
0x25e: {  	v3 =	vor.u32 v3, v4  }
0x25f: {  	v4 =	vperm.xlane v3, v0;
	_ =	sdelay $0x1  }
0x260: {  	v4 =	vadd.s32 v1, v4;
	_ =	sdelay $0x1  }
0x261: {  	v3 =	vperm.xlane v3, v2;
	_ =	sdelay $0x1  }
0x262: {  	s15 =	simm.s32 $0x1880;
	v3 =	vadd.s32 v1, v3  }
0x263: {  	[tilespmem:s15], [sflag:$0x1] =	stream.indirect_vreg.gather [hbm4b:s3+s2], $0x80, v4, vm0, $0xb8;
	[tilespmem:$0xC080] =	vst v63  }
0x264: {  	s15 =	simm.s32 $0x2080  }
0x265: {  	[tilespmem:s15], [sflag:$0x1] =	stream.indirect_vreg.gather [hbm4b:s4+s2], $0x80, v4, vm1, $0xb8;
	[tilespmem:$0xC080] =	vst v63  }
0x266: {  	s15 =	simm.s32 $0x2480  }
0x267: {  	[tilespmem:s15], [sflag:$0x1] =	stream.indirect_vreg.gather [hbm4b:s3+s2], $0x80, v3, vm0, $0xb8;
	[tilespmem:$0xC080] =	vst v63  }
0x268: {  	s15 =	simm.s32 $0x2C80  }
0x269: {  	[tilespmem:s15], [sflag:$0x1] =	stream.indirect_vreg.gather [hbm4b:s4+s2], $0x80, v3, vm1, $0xb8;
	[tilespmem:$0xC080] =	vst v63  }
0x26a: {  	v3 =	vld [tilespmem:$0x20];
	_ =	sdelay $0x4  }
0x26b: {  	v34 =	vshrl.u32 v3, $0x3  }
0x26c: {  	v4 =	vmul.u32 $0x18, v34  }
0x26d: {  	v3 =	vand.u32 $0x7, v3  }
0x26e: {  	v3 =	vor.u32 v3, v4  }
0x26f: {  	v4 =	vperm.xlane v3, v0;
	_ =	sdelay $0x1  }
0x270: {  	v4 =	vadd.s32 v1, v4;
	_ =	sdelay $0x1  }
0x271: {  	v3 =	vperm.xlane v3, v2;
	_ =	sdelay $0x1  }
0x272: {  	s23 =	simm.s32 $0x3080;
	v3 =	vadd.s32 v1, v3  }
0x273: {  	[tilespmem:s23], [sflag:$0x1] =	stream.indirect_vreg.gather [hbm4b:s3+s2], $0x80, v4, vm0, $0xb8;
	[tilespmem:$0xC080] =	vst v63  }
0x274: {  	s24 =	simm.s32 $0x3880  }
0x275: {  	[tilespmem:s24], [sflag:$0x1] =	stream.indirect_vreg.gather [hbm4b:s4+s2], $0x80, v4, vm1, $0xb8;
	[tilespmem:$0xC080] =	vst v63  }
0x276: {  	s25 =	simm.s32 $0x3C80  }
0x277: {  	[tilespmem:s25], [sflag:$0x1] =	stream.indirect_vreg.gather [hbm4b:s3+s2], $0x80, v3, vm0, $0xb8;
	[tilespmem:$0xC080] =	vst v63  }
0x278: {  	s26 =	simm.s32 $0x4480  }
0x279: {  	[tilespmem:s26], [sflag:$0x1] =	stream.indirect_vreg.gather [hbm4b:s4+s2], $0x80, v3, vm1, $0xb8;
	[tilespmem:$0xC080] =	vst v63  }
0x27a: {  	v3 =	vld [tilespmem:$0x30];
	_ =	sdelay $0x4  }
0x27b: {  	v35 =	vshrl.u32 v3, $0x3  }
0x27c: {  	v4 =	vmul.u32 $0x18, v35  }
0x27d: {  	v3 =	vand.u32 $0x7, v3  }
0x27e: {  	v3 =	vor.u32 v3, v4  }
0x27f: {  	v4 =	vperm.xlane v3, v0;
	_ =	sdelay $0x1  }
0x280: {  	v4 =	vadd.s32 v1, v4;
	_ =	sdelay $0x1  }
0x281: {  	v3 =	vperm.xlane v3, v2;
	_ =	sdelay $0x1  }
0x282: {  	s28 =	simm.s32 $0x4880;
	v3 =	vadd.s32 v1, v3  }
0x283: {  	[tilespmem:s28], [sflag:$0x1] =	stream.indirect_vreg.gather [hbm4b:s3+s2], $0x80, v4, vm0, $0xb8;
	[tilespmem:$0xC080] =	vst v63  }
0x284: {  	s29 =	simm.s32 $0x5080  }
0x285: {  	[tilespmem:s29], [sflag:$0x1] =	stream.indirect_vreg.gather [hbm4b:s4+s2], $0x80, v4, vm1, $0xb8;
	[tilespmem:$0xC080] =	vst v63  }
0x286: {  	s30 =	simm.s32 $0x5480  }
0x287: {  	[tilespmem:s30], [sflag:$0x1] =	stream.indirect_vreg.gather [hbm4b:s3+s2], $0x80, v3, vm0, $0xb8;
	[tilespmem:$0xC080] =	vst v63  }
0x288: {  	s31 =	simm.s32 $0x5C80  }
0x289: {  	[tilespmem:s31], [sflag:$0x1] =	stream.indirect_vreg.gather [hbm4b:s4+s2], $0x80, v3, vm1, $0xb8;
	[tilespmem:$0xC080] =	vst v63  }
0x28a: {  	v3 =	vld [tilespmem:$0x40];
	_ =	sdelay $0x4  }
0x28b: {  	v36 =	vshrl.u32 v3, $0x3  }
0x28c: {  	v4 =	vmul.u32 $0x18, v36  }
0x28d: {  	v3 =	vand.u32 $0x7, v3  }
0x28e: {  	v3 =	vor.u32 v3, v4  }
0x28f: {  	v4 =	vperm.xlane v3, v0;
	_ =	sdelay $0x1  }
0x290: {  	v4 =	vadd.s32 v1, v4;
	_ =	sdelay $0x1  }
0x291: {  	v3 =	vperm.xlane v3, v2;
	_ =	sdelay $0x1  }
0x292: {  	s11 =	simm.s32 $0x6080;
	v3 =	vadd.s32 v1, v3  }
0x293: {  	[tilespmem:s11], [sflag:$0x1] =	stream.indirect_vreg.gather [hbm4b:s3+s2], $0x80, v4, vm0, $0xb8;
	[tilespmem:$0xC080] =	vst v63  }
0x294: {  	s12 =	simm.s32 $0x6880  }
0x295: {  	[tilespmem:s12], [sflag:$0x1] =	stream.indirect_vreg.gather [hbm4b:s4+s2], $0x80, v4, vm1, $0xb8;
	[tilespmem:$0xC080] =	vst v63  }
0x296: {  	s13 =	simm.s32 $0x6C80  }
0x297: {  	[tilespmem:s13], [sflag:$0x1] =	stream.indirect_vreg.gather [hbm4b:s3+s2], $0x80, v3, vm0, $0xb8;
	[tilespmem:$0xC080] =	vst v63  }
0x298: {  	s15 =	simm.s32 $0x7480  }
0x299: {  	[tilespmem:s15], [sflag:$0x1] =	stream.indirect_vreg.gather [hbm4b:s4+s2], $0x80, v3, vm1, $0xb8;
	[tilespmem:$0xC080] =	vst v63  }
0x29a: {  	v3 =	vld [tilespmem:$0x50];
	_ =	sdelay $0x4  }
0x29b: {  	v37 =	vshrl.u32 v3, $0x3  }
0x29c: {  	v4 =	vmul.u32 $0x18, v37  }
0x29d: {  	v3 =	vand.u32 $0x7, v3  }
0x29e: {  	v3 =	vor.u32 v3, v4  }
0x29f: {  	v4 =	vperm.xlane v3, v0;
	_ =	sdelay $0x1  }
0x2a0: {  	v4 =	vadd.s32 v1, v4;
	_ =	sdelay $0x1  }
0x2a1: {  	v3 =	vperm.xlane v3, v2;
	_ =	sdelay $0x1  }
0x2a2: {  	s16 =	simm.s32 $0x7880;
	v3 =	vadd.s32 v1, v3  }
0x2a3: {  	[tilespmem:s16], [sflag:$0x1] =	stream.indirect_vreg.gather [hbm4b:s3+s2], $0x80, v4, vm0, $0xb8;
	[tilespmem:$0xC080] =	vst v63  }
0x2a4: {  	s17 =	simm.s32 $0x8080  }
0x2a5: {  	[tilespmem:s17], [sflag:$0x1] =	stream.indirect_vreg.gather [hbm4b:s4+s2], $0x80, v4, vm1, $0xb8;
	[tilespmem:$0xC080] =	vst v63  }
0x2a6: {  	s18 =	simm.s32 $0x8480  }
0x2a7: {  	[tilespmem:s18], [sflag:$0x1] =	stream.indirect_vreg.gather [hbm4b:s3+s2], $0x80, v3, vm0, $0xb8;
	[tilespmem:$0xC080] =	vst v63  }
0x2a8: {  	s21 =	simm.s32 $0x8C80  }
0x2a9: {  	[tilespmem:s21], [sflag:$0x1] =	stream.indirect_vreg.gather [hbm4b:s4+s2], $0x80, v3, vm1, $0xb8;
	[tilespmem:$0xC080] =	vst v63  }
0x2aa: {  	v3 =	vld [tilespmem:$0x60];
	_ =	sdelay $0x4  }
0x2ab: {  	v38 =	vshrl.u32 v3, $0x3  }
0x2ac: {  	v4 =	vmul.u32 $0x18, v38  }
0x2ad: {  	v3 =	vand.u32 $0x7, v3  }
0x2ae: {  	v3 =	vor.u32 v3, v4  }
0x2af: {  	v4 =	vperm.xlane v3, v0;
	_ =	sdelay $0x1  }
0x2b0: {  	v4 =	vadd.s32 v1, v4;
	_ =	sdelay $0x1  }
0x2b1: {  	v3 =	vperm.xlane v3, v2;
	_ =	sdelay $0x1  }
0x2b2: {  	s0 =	simm.s32 $0x9080;
	v3 =	vadd.s32 v1, v3  }
0x2b3: {  	[tilespmem:s0], [sflag:$0x1] =	stream.indirect_vreg.gather [hbm4b:s3+s2], $0x80, v4, vm0, $0xb8;
	[tilespmem:$0xC080] =	vst v63  }
0x2b4: {  	s1 =	simm.s32 $0x9880  }
0x2b5: {  	[tilespmem:s1], [sflag:$0x1] =	stream.indirect_vreg.gather [hbm4b:s4+s2], $0x80, v4, vm1, $0xb8;
	[tilespmem:$0xC080] =	vst v63  }
0x2b6: {  	s5 =	simm.s32 $0x9C80  }
0x2b7: {  	[tilespmem:s5], [sflag:$0x1] =	stream.indirect_vreg.gather [hbm4b:s3+s2], $0x80, v3, vm0, $0xb8;
	[tilespmem:$0xC080] =	vst v63  }
0x2b8: {  	s19 =	simm.s32 $0xA480  }
0x2b9: {  	[tilespmem:s19], [sflag:$0x1] =	stream.indirect_vreg.gather [hbm4b:s4+s2], $0x80, v3, vm1, $0xb8;
	[tilespmem:$0xC080] =	vst v63  }
0x2ba: {  	v3 =	vld [tilespmem:$0x70];
	_ =	sdelay $0x4  }
0x2bb: {  	v39 =	vshrl.u32 v3, $0x3  }
0x2bc: {  	v4 =	vmul.u32 $0x18, v39  }
0x2bd: {  	v3 =	vand.u32 $0x7, v3  }
0x2be: {  	v3 =	vor.u32 v3, v4  }
0x2bf: {  	v4 =	vperm.xlane v3, v0;
	_ =	sdelay $0x1  }
0x2c0: {  	v4 =	vadd.s32 v1, v4;
	_ =	sdelay $0x1  }
0x2c1: {  	v3 =	vperm.xlane v3, v2;
	_ =	sdelay $0x1  }
0x2c2: {  	s8 =	simm.s32 $0xA880;
	v3 =	vadd.s32 v1, v3  }
0x2c3: {  	[tilespmem:s8], [sflag:$0x1] =	stream.indirect_vreg.gather [hbm4b:s3+s2], $0x80, v4, vm0, $0xb8;
	[tilespmem:$0xC080] =	vst v63  }
0x2c4: {  	s9 =	simm.s32 $0xB080  }
0x2c5: {  	[tilespmem:s9], [sflag:$0x1] =	stream.indirect_vreg.gather [hbm4b:s4+s2], $0x80, v4, vm1, $0xb8;
	[tilespmem:$0xC080] =	vst v63  }
0x2c6: {  	s10 =	simm.s32 $0xB480  }
0x2c7: {  	[tilespmem:s10], [sflag:$0x1] =	stream.indirect_vreg.gather [hbm4b:s3+s2], $0x80, v3, vm0, $0xb8;
	[tilespmem:$0xC080] =	vst v63  }
0x2c8: {  	s20 =	simm.s32 $0xBC80  }
0x2c9: {  	[tilespmem:s20], [sflag:$0x1] =	stream.indirect_vreg.gather [hbm4b:s4+s2], $0x80, v3, vm1, $0xb8;
	[tilespmem:$0xC080] =	vst v63  }
0x2ca: {  	_ =	swait.ge [sflag:s14], $0xC000  }
0x2cb: {  	[sflag:s14] =	ssyncset.done $0x0  }
0x2cc: {  	s15 =	rddreg [dreg:$0xb];
	[sflag:s14] =	ssyncadd.s32 $0xFFFF4000  }
0x2cd: {  	[hbm4b:s15+s2] =	stream.linear.scatter [tilespmem:s7], [sflag:$0x2], $0xC000, $0x38;
	[tilespmem:$0xC080] =	vst v63  }
0x2ce: {  	_ =	swait.ge [sflag:s6], $0xC000  }
0x2cf: {  	[sflag:s6] =	ssyncset.done $0x0  }
0x2d0: {  	s15 =	rddreg [dreg:$0xc];
	[sflag:s6] =	ssyncadd.s32 $0xFFFF4000  }
0x2d1: {  	[tilespmem:s2], [sflag:$0x2] =	stream.linear.gather [hbm4b:s15+s2], $0x80, $0x38;
	[tilespmem:$0xC080] =	vst v63  }
0x2d2: {  	_ =	swait.ge [sflag:s6], $0x80  }
0x2d3: {  	[sflag:s6] =	ssyncset.done $0x0  }
0x2d4: {  	[sflag:s6] =	ssyncadd.s32 $0xFFFFFF80  }
0x2d5: {  	v3 =	vld [tilespmem:$0x0];
	_ =	sdelay $0x4  }
0x2d6: {  	v40 =	vshrl.u32 v3, $0x3  }
0x2d7: {  	v4 =	vmul.u32 $0x18, v40  }
0x2d8: {  	v3 =	vand.u32 $0x7, v3  }
0x2d9: {  	v3 =	vor.u32 v3, v4  }
0x2da: {  	v4 =	vperm.xlane v3, v0;
	_ =	sdelay $0x1  }
0x2db: {  	v4 =	vadd.s32 v1, v4;
	_ =	sdelay $0x1  }
0x2dc: {  	v3 =	vperm.xlane v3, v2;
	_ =	sdelay $0x1  }
0x2dd: {  	v3 =	vadd.s32 v1, v3  }
0x2de: {  	[tilespmem:s7], [sflag:$0x1] =	stream.indirect_vreg.gather [hbm4b:s3+s2], $0x80, v4, vm0, $0xb8;
	[tilespmem:$0xC080] =	vst v63  }
0x2df: {  	s15 =	simm.s32 $0x880  }
0x2e0: {  	[tilespmem:s15], [sflag:$0x1] =	stream.indirect_vreg.gather [hbm4b:s4+s2], $0x80, v4, vm1, $0xb8;
	[tilespmem:$0xC080] =	vst v63  }
0x2e1: {  	s15 =	simm.s32 $0xC80  }
0x2e2: {  	[tilespmem:s15], [sflag:$0x1] =	stream.indirect_vreg.gather [hbm4b:s3+s2], $0x80, v3, vm0, $0xb8;
	[tilespmem:$0xC080] =	vst v63  }
0x2e3: {  	s22 =	simm.s32 $0x1480  }
0x2e4: {  	[tilespmem:s22], [sflag:$0x1] =	stream.indirect_vreg.gather [hbm4b:s4+s2], $0x80, v3, vm1, $0xb8;
	[tilespmem:$0xC080] =	vst v63  }
0x2e5: {  	v3 =	vld [tilespmem:$0x10];
	_ =	sdelay $0x4  }
0x2e6: {  	v41 =	vshrl.u32 v3, $0x3  }
0x2e7: {  	v4 =	vmul.u32 $0x18, v41  }
0x2e8: {  	v3 =	vand.u32 $0x7, v3  }
0x2e9: {  	v3 =	vor.u32 v3, v4  }
0x2ea: {  	v4 =	vperm.xlane v3, v0;
	_ =	sdelay $0x1  }
0x2eb: {  	v4 =	vadd.s32 v1, v4;
	_ =	sdelay $0x1  }
0x2ec: {  	v3 =	vperm.xlane v3, v2;
	_ =	sdelay $0x1  }
0x2ed: {  	s15 =	simm.s32 $0x1880;
	v3 =	vadd.s32 v1, v3  }
0x2ee: {  	[tilespmem:s15], [sflag:$0x1] =	stream.indirect_vreg.gather [hbm4b:s3+s2], $0x80, v4, vm0, $0xb8;
	[tilespmem:$0xC080] =	vst v63  }
0x2ef: {  	s15 =	simm.s32 $0x2080  }
0x2f0: {  	[tilespmem:s15], [sflag:$0x1] =	stream.indirect_vreg.gather [hbm4b:s4+s2], $0x80, v4, vm1, $0xb8;
	[tilespmem:$0xC080] =	vst v63  }
0x2f1: {  	s15 =	simm.s32 $0x2480  }
0x2f2: {  	[tilespmem:s15], [sflag:$0x1] =	stream.indirect_vreg.gather [hbm4b:s3+s2], $0x80, v3, vm0, $0xb8;
	[tilespmem:$0xC080] =	vst v63  }
0x2f3: {  	s15 =	simm.s32 $0x2C80  }
0x2f4: {  	[tilespmem:s15], [sflag:$0x1] =	stream.indirect_vreg.gather [hbm4b:s4+s2], $0x80, v3, vm1, $0xb8;
	[tilespmem:$0xC080] =	vst v63  }
0x2f5: {  	v3 =	vld [tilespmem:$0x20];
	_ =	sdelay $0x4  }
0x2f6: {  	v42 =	vshrl.u32 v3, $0x3  }
0x2f7: {  	v4 =	vmul.u32 $0x18, v42  }
0x2f8: {  	v3 =	vand.u32 $0x7, v3  }
0x2f9: {  	v3 =	vor.u32 v3, v4  }
0x2fa: {  	v4 =	vperm.xlane v3, v0;
	_ =	sdelay $0x1  }
0x2fb: {  	v4 =	vadd.s32 v1, v4;
	_ =	sdelay $0x1  }
0x2fc: {  	v3 =	vperm.xlane v3, v2;
	_ =	sdelay $0x1  }
0x2fd: {  	s23 =	simm.s32 $0x3080;
	v3 =	vadd.s32 v1, v3  }
0x2fe: {  	[tilespmem:s23], [sflag:$0x1] =	stream.indirect_vreg.gather [hbm4b:s3+s2], $0x80, v4, vm0, $0xb8;
	[tilespmem:$0xC080] =	vst v63  }
0x2ff: {  	s24 =	simm.s32 $0x3880  }
0x300: {  	[tilespmem:s24], [sflag:$0x1] =	stream.indirect_vreg.gather [hbm4b:s4+s2], $0x80, v4, vm1, $0xb8;
	[tilespmem:$0xC080] =	vst v63  }
0x301: {  	s25 =	simm.s32 $0x3C80  }
0x302: {  	[tilespmem:s25], [sflag:$0x1] =	stream.indirect_vreg.gather [hbm4b:s3+s2], $0x80, v3, vm0, $0xb8;
	[tilespmem:$0xC080] =	vst v63  }
0x303: {  	s26 =	simm.s32 $0x4480  }
0x304: {  	[tilespmem:s26], [sflag:$0x1] =	stream.indirect_vreg.gather [hbm4b:s4+s2], $0x80, v3, vm1, $0xb8;
	[tilespmem:$0xC080] =	vst v63  }
0x305: {  	v3 =	vld [tilespmem:$0x30];
	_ =	sdelay $0x4  }
0x306: {  	v43 =	vshrl.u32 v3, $0x3  }
0x307: {  	v4 =	vmul.u32 $0x18, v43  }
0x308: {  	v3 =	vand.u32 $0x7, v3  }
0x309: {  	v3 =	vor.u32 v3, v4  }
0x30a: {  	v4 =	vperm.xlane v3, v0;
	_ =	sdelay $0x1  }
0x30b: {  	v4 =	vadd.s32 v1, v4;
	_ =	sdelay $0x1  }
0x30c: {  	v3 =	vperm.xlane v3, v2;
	_ =	sdelay $0x1  }
0x30d: {  	s28 =	simm.s32 $0x4880;
	v3 =	vadd.s32 v1, v3  }
0x30e: {  	[tilespmem:s28], [sflag:$0x1] =	stream.indirect_vreg.gather [hbm4b:s3+s2], $0x80, v4, vm0, $0xb8;
	[tilespmem:$0xC080] =	vst v63  }
0x30f: {  	s29 =	simm.s32 $0x5080  }
0x310: {  	[tilespmem:s29], [sflag:$0x1] =	stream.indirect_vreg.gather [hbm4b:s4+s2], $0x80, v4, vm1, $0xb8;
	[tilespmem:$0xC080] =	vst v63  }
0x311: {  	s30 =	simm.s32 $0x5480  }
0x312: {  	[tilespmem:s30], [sflag:$0x1] =	stream.indirect_vreg.gather [hbm4b:s3+s2], $0x80, v3, vm0, $0xb8;
	[tilespmem:$0xC080] =	vst v63  }
0x313: {  	s31 =	simm.s32 $0x5C80  }
0x314: {  	[tilespmem:s31], [sflag:$0x1] =	stream.indirect_vreg.gather [hbm4b:s4+s2], $0x80, v3, vm1, $0xb8;
	[tilespmem:$0xC080] =	vst v63  }
0x315: {  	v3 =	vld [tilespmem:$0x40];
	_ =	sdelay $0x4  }
0x316: {  	v44 =	vshrl.u32 v3, $0x3  }
0x317: {  	v4 =	vmul.u32 $0x18, v44  }
0x318: {  	v3 =	vand.u32 $0x7, v3  }
0x319: {  	v3 =	vor.u32 v3, v4  }
0x31a: {  	v4 =	vperm.xlane v3, v0;
	_ =	sdelay $0x1  }
0x31b: {  	v4 =	vadd.s32 v1, v4;
	_ =	sdelay $0x1  }
0x31c: {  	v3 =	vperm.xlane v3, v2;
	_ =	sdelay $0x1  }
0x31d: {  	s11 =	simm.s32 $0x6080;
	v3 =	vadd.s32 v1, v3  }
0x31e: {  	[tilespmem:s11], [sflag:$0x1] =	stream.indirect_vreg.gather [hbm4b:s3+s2], $0x80, v4, vm0, $0xb8;
	[tilespmem:$0xC080] =	vst v63  }
0x31f: {  	s12 =	simm.s32 $0x6880  }
0x320: {  	[tilespmem:s12], [sflag:$0x1] =	stream.indirect_vreg.gather [hbm4b:s4+s2], $0x80, v4, vm1, $0xb8;
	[tilespmem:$0xC080] =	vst v63  }
0x321: {  	s13 =	simm.s32 $0x6C80  }
0x322: {  	[tilespmem:s13], [sflag:$0x1] =	stream.indirect_vreg.gather [hbm4b:s3+s2], $0x80, v3, vm0, $0xb8;
	[tilespmem:$0xC080] =	vst v63  }
0x323: {  	s15 =	simm.s32 $0x7480  }
0x324: {  	[tilespmem:s15], [sflag:$0x1] =	stream.indirect_vreg.gather [hbm4b:s4+s2], $0x80, v3, vm1, $0xb8;
	[tilespmem:$0xC080] =	vst v63  }
0x325: {  	v3 =	vld [tilespmem:$0x50];
	_ =	sdelay $0x4  }
0x326: {  	v45 =	vshrl.u32 v3, $0x3  }
0x327: {  	v4 =	vmul.u32 $0x18, v45  }
0x328: {  	v3 =	vand.u32 $0x7, v3  }
0x329: {  	v3 =	vor.u32 v3, v4  }
0x32a: {  	v4 =	vperm.xlane v3, v0;
	_ =	sdelay $0x1  }
0x32b: {  	v4 =	vadd.s32 v1, v4;
	_ =	sdelay $0x1  }
0x32c: {  	v3 =	vperm.xlane v3, v2;
	_ =	sdelay $0x1  }
0x32d: {  	s16 =	simm.s32 $0x7880;
	v3 =	vadd.s32 v1, v3  }
0x32e: {  	[tilespmem:s16], [sflag:$0x1] =	stream.indirect_vreg.gather [hbm4b:s3+s2], $0x80, v4, vm0, $0xb8;
	[tilespmem:$0xC080] =	vst v63  }
0x32f: {  	s17 =	simm.s32 $0x8080  }
0x330: {  	[tilespmem:s17], [sflag:$0x1] =	stream.indirect_vreg.gather [hbm4b:s4+s2], $0x80, v4, vm1, $0xb8;
	[tilespmem:$0xC080] =	vst v63  }
0x331: {  	s18 =	simm.s32 $0x8480  }
0x332: {  	[tilespmem:s18], [sflag:$0x1] =	stream.indirect_vreg.gather [hbm4b:s3+s2], $0x80, v3, vm0, $0xb8;
	[tilespmem:$0xC080] =	vst v63  }
0x333: {  	s21 =	simm.s32 $0x8C80  }
0x334: {  	[tilespmem:s21], [sflag:$0x1] =	stream.indirect_vreg.gather [hbm4b:s4+s2], $0x80, v3, vm1, $0xb8;
	[tilespmem:$0xC080] =	vst v63  }
0x335: {  	v3 =	vld [tilespmem:$0x60];
	_ =	sdelay $0x4  }
0x336: {  	v46 =	vshrl.u32 v3, $0x3  }
0x337: {  	v4 =	vmul.u32 $0x18, v46  }
0x338: {  	v3 =	vand.u32 $0x7, v3  }
0x339: {  	v3 =	vor.u32 v3, v4  }
0x33a: {  	v4 =	vperm.xlane v3, v0;
	_ =	sdelay $0x1  }
0x33b: {  	v4 =	vadd.s32 v1, v4;
	_ =	sdelay $0x1  }
0x33c: {  	v3 =	vperm.xlane v3, v2;
	_ =	sdelay $0x1  }
0x33d: {  	s0 =	simm.s32 $0x9080;
	v3 =	vadd.s32 v1, v3  }
0x33e: {  	[tilespmem:s0], [sflag:$0x1] =	stream.indirect_vreg.gather [hbm4b:s3+s2], $0x80, v4, vm0, $0xb8;
	[tilespmem:$0xC080] =	vst v63  }
0x33f: {  	s1 =	simm.s32 $0x9880  }
0x340: {  	[tilespmem:s1], [sflag:$0x1] =	stream.indirect_vreg.gather [hbm4b:s4+s2], $0x80, v4, vm1, $0xb8;
	[tilespmem:$0xC080] =	vst v63  }
0x341: {  	s5 =	simm.s32 $0x9C80  }
0x342: {  	[tilespmem:s5], [sflag:$0x1] =	stream.indirect_vreg.gather [hbm4b:s3+s2], $0x80, v3, vm0, $0xb8;
	[tilespmem:$0xC080] =	vst v63  }
0x343: {  	s19 =	simm.s32 $0xA480  }
0x344: {  	[tilespmem:s19], [sflag:$0x1] =	stream.indirect_vreg.gather [hbm4b:s4+s2], $0x80, v3, vm1, $0xb8;
	[tilespmem:$0xC080] =	vst v63  }
0x345: {  	v3 =	vld [tilespmem:$0x70];
	_ =	sdelay $0x4  }
0x346: {  	v47 =	vshrl.u32 v3, $0x3  }
0x347: {  	v4 =	vmul.u32 $0x18, v47  }
0x348: {  	v3 =	vand.u32 $0x7, v3  }
0x349: {  	v3 =	vor.u32 v3, v4  }
0x34a: {  	v4 =	vperm.xlane v3, v0;
	_ =	sdelay $0x1  }
0x34b: {  	v4 =	vadd.s32 v1, v4;
	_ =	sdelay $0x1  }
0x34c: {  	v3 =	vperm.xlane v3, v2;
	_ =	sdelay $0x1  }
0x34d: {  	s8 =	simm.s32 $0xA880;
	v3 =	vadd.s32 v1, v3  }
0x34e: {  	[tilespmem:s8], [sflag:$0x1] =	stream.indirect_vreg.gather [hbm4b:s3+s2], $0x80, v4, vm0, $0xb8;
	[tilespmem:$0xC080] =	vst v63  }
0x34f: {  	s9 =	simm.s32 $0xB080  }
0x350: {  	[tilespmem:s9], [sflag:$0x1] =	stream.indirect_vreg.gather [hbm4b:s4+s2], $0x80, v4, vm1, $0xb8;
	[tilespmem:$0xC080] =	vst v63  }
0x351: {  	s10 =	simm.s32 $0xB480  }
0x352: {  	[tilespmem:s10], [sflag:$0x1] =	stream.indirect_vreg.gather [hbm4b:s3+s2], $0x80, v3, vm0, $0xb8;
	[tilespmem:$0xC080] =	vst v63  }
0x353: {  	s20 =	simm.s32 $0xBC80  }
0x354: {  	[tilespmem:s20], [sflag:$0x1] =	stream.indirect_vreg.gather [hbm4b:s4+s2], $0x80, v3, vm1, $0xb8;
	[tilespmem:$0xC080] =	vst v63  }
0x355: {  	_ =	swait.ge [sflag:s14], $0xC000  }
0x356: {  	[sflag:s14] =	ssyncset.done $0x0  }
0x357: {  	s21 =	rddreg [dreg:$0xd];
	[sflag:s14] =	ssyncadd.s32 $0xFFFF4000  }
0x358: {  	[hbm4b:s21+s2] =	stream.linear.scatter [tilespmem:s7], [sflag:$0x2], $0xC000, $0x38;
	[tilespmem:$0xC080] =	vst v63  }
0x359: {  	_ =	swait.ge [sflag:s6], $0xC000  }
0x35a: {  	[sflag:s6] =	ssyncset.done $0x0  }
0x35b: {  	s19 =	rddreg [dreg:$0xe];
	[sflag:s6] =	ssyncadd.s32 $0xFFFF4000  }
0x35c: {  	[tilespmem:s2], [sflag:$0x2] =	stream.linear.gather [hbm4b:s19+s2], $0x80, $0x38;
	[tilespmem:$0xC080] =	vst v63  }
0x35d: {  	_ =	swait.ge [sflag:s6], $0x80  }
0x35e: {  	[sflag:s6] =	ssyncset.done $0x0  }
0x35f: {  	[sflag:s6] =	ssyncadd.s32 $0xFFFFFF80  }
0x360: {  	v3 =	vld [tilespmem:$0x0];
	_ =	sdelay $0x4  }
0x361: {  	v48 =	vshrl.u32 v3, $0x3  }
0x362: {  	v4 =	vmul.u32 $0x18, v48  }
0x363: {  	v3 =	vand.u32 $0x7, v3  }
0x364: {  	v3 =	vor.u32 v3, v4  }
0x365: {  	v4 =	vperm.xlane v3, v0;
	_ =	sdelay $0x1  }
0x366: {  	v4 =	vadd.s32 v1, v4;
	_ =	sdelay $0x1  }
0x367: {  	v3 =	vperm.xlane v3, v2;
	_ =	sdelay $0x1  }
0x368: {  	v3 =	vadd.s32 v1, v3  }
0x369: {  	[tilespmem:s7], [sflag:$0x1] =	stream.indirect_vreg.gather [hbm4b:s3+s2], $0x80, v4, vm0, $0xb8;
	[tilespmem:$0xC080] =	vst v63  }
0x36a: {  	s20 =	simm.s32 $0x880  }
0x36b: {  	[tilespmem:s20], [sflag:$0x1] =	stream.indirect_vreg.gather [hbm4b:s4+s2], $0x80, v4, vm1, $0xb8;
	[tilespmem:$0xC080] =	vst v63  }
0x36c: {  	s21 =	simm.s32 $0xC80  }
0x36d: {  	[tilespmem:s21], [sflag:$0x1] =	stream.indirect_vreg.gather [hbm4b:s3+s2], $0x80, v3, vm0, $0xb8;
	[tilespmem:$0xC080] =	vst v63  }
0x36e: {  	s22 =	simm.s32 $0x1480  }
0x36f: {  	[tilespmem:s22], [sflag:$0x1] =	stream.indirect_vreg.gather [hbm4b:s4+s2], $0x80, v3, vm1, $0xb8;
	[tilespmem:$0xC080] =	vst v63  }
0x370: {  	v3 =	vld [tilespmem:$0x10];
	_ =	sdelay $0x4  }
0x371: {  	v49 =	vshrl.u32 v3, $0x3  }
0x372: {  	v4 =	vmul.u32 $0x18, v49  }
0x373: {  	v3 =	vand.u32 $0x7, v3  }
0x374: {  	v3 =	vor.u32 v3, v4  }
0x375: {  	v4 =	vperm.xlane v3, v0;
	_ =	sdelay $0x1  }
0x376: {  	v4 =	vadd.s32 v1, v4;
	_ =	sdelay $0x1  }
0x377: {  	v3 =	vperm.xlane v3, v2;
	_ =	sdelay $0x1  }
0x378: {  	s22 =	simm.s32 $0x1880;
	v3 =	vadd.s32 v1, v3  }
0x379: {  	[tilespmem:s22], [sflag:$0x1] =	stream.indirect_vreg.gather [hbm4b:s3+s2], $0x80, v4, vm0, $0xb8;
	[tilespmem:$0xC080] =	vst v63  }
0x37a: {  	s20 =	simm.s32 $0x2080  }
0x37b: {  	[tilespmem:s20], [sflag:$0x1] =	stream.indirect_vreg.gather [hbm4b:s4+s2], $0x80, v4, vm1, $0xb8;
	[tilespmem:$0xC080] =	vst v63  }
0x37c: {  	s21 =	simm.s32 $0x2480  }
0x37d: {  	[tilespmem:s21], [sflag:$0x1] =	stream.indirect_vreg.gather [hbm4b:s3+s2], $0x80, v3, vm0, $0xb8;
	[tilespmem:$0xC080] =	vst v63  }
0x37e: {  	s22 =	simm.s32 $0x2C80  }
0x37f: {  	[tilespmem:s22], [sflag:$0x1] =	stream.indirect_vreg.gather [hbm4b:s4+s2], $0x80, v3, vm1, $0xb8;
	[tilespmem:$0xC080] =	vst v63  }
0x380: {  	v3 =	vld [tilespmem:$0x20];
	_ =	sdelay $0x4  }
0x381: {  	v50 =	vshrl.u32 v3, $0x3  }
0x382: {  	v4 =	vmul.u32 $0x18, v50  }
0x383: {  	v3 =	vand.u32 $0x7, v3  }
0x384: {  	v3 =	vor.u32 v3, v4  }
0x385: {  	v4 =	vperm.xlane v3, v0;
	_ =	sdelay $0x1  }
0x386: {  	v4 =	vadd.s32 v1, v4;
	_ =	sdelay $0x1  }
0x387: {  	v3 =	vperm.xlane v3, v2;
	_ =	sdelay $0x1  }
0x388: {  	s23 =	simm.s32 $0x3080;
	v3 =	vadd.s32 v1, v3  }
0x389: {  	[tilespmem:s23], [sflag:$0x1] =	stream.indirect_vreg.gather [hbm4b:s3+s2], $0x80, v4, vm0, $0xb8;
	[tilespmem:$0xC080] =	vst v63  }
0x38a: {  	s24 =	simm.s32 $0x3880  }
0x38b: {  	[tilespmem:s24], [sflag:$0x1] =	stream.indirect_vreg.gather [hbm4b:s4+s2], $0x80, v4, vm1, $0xb8;
	[tilespmem:$0xC080] =	vst v63  }
0x38c: {  	s25 =	simm.s32 $0x3C80  }
0x38d: {  	[tilespmem:s25], [sflag:$0x1] =	stream.indirect_vreg.gather [hbm4b:s3+s2], $0x80, v3, vm0, $0xb8;
	[tilespmem:$0xC080] =	vst v63  }
0x38e: {  	s26 =	simm.s32 $0x4480  }
0x38f: {  	[tilespmem:s26], [sflag:$0x1] =	stream.indirect_vreg.gather [hbm4b:s4+s2], $0x80, v3, vm1, $0xb8;
	[tilespmem:$0xC080] =	vst v63  }
0x390: {  	v3 =	vld [tilespmem:$0x30];
	_ =	sdelay $0x4  }
0x391: {  	v51 =	vshrl.u32 v3, $0x3  }
0x392: {  	v4 =	vmul.u32 $0x18, v51  }
0x393: {  	v3 =	vand.u32 $0x7, v3  }
0x394: {  	v3 =	vor.u32 v3, v4  }
0x395: {  	v4 =	vperm.xlane v3, v0;
	_ =	sdelay $0x1  }
0x396: {  	v4 =	vadd.s32 v1, v4;
	_ =	sdelay $0x1  }
0x397: {  	v3 =	vperm.xlane v3, v2;
	_ =	sdelay $0x1  }
0x398: {  	s28 =	simm.s32 $0x4880;
	v3 =	vadd.s32 v1, v3  }
0x399: {  	[tilespmem:s28], [sflag:$0x1] =	stream.indirect_vreg.gather [hbm4b:s3+s2], $0x80, v4, vm0, $0xb8;
	[tilespmem:$0xC080] =	vst v63  }
0x39a: {  	s29 =	simm.s32 $0x5080  }
0x39b: {  	[tilespmem:s29], [sflag:$0x1] =	stream.indirect_vreg.gather [hbm4b:s4+s2], $0x80, v4, vm1, $0xb8;
	[tilespmem:$0xC080] =	vst v63  }
0x39c: {  	s30 =	simm.s32 $0x5480  }
0x39d: {  	[tilespmem:s30], [sflag:$0x1] =	stream.indirect_vreg.gather [hbm4b:s3+s2], $0x80, v3, vm0, $0xb8;
	[tilespmem:$0xC080] =	vst v63  }
0x39e: {  	s31 =	simm.s32 $0x5C80  }
0x39f: {  	[tilespmem:s31], [sflag:$0x1] =	stream.indirect_vreg.gather [hbm4b:s4+s2], $0x80, v3, vm1, $0xb8;
	[tilespmem:$0xC080] =	vst v63  }
0x3a0: {  	v3 =	vld [tilespmem:$0x40];
	_ =	sdelay $0x4  }
0x3a1: {  	v52 =	vshrl.u32 v3, $0x3  }
0x3a2: {  	v4 =	vmul.u32 $0x18, v52  }
0x3a3: {  	v3 =	vand.u32 $0x7, v3  }
0x3a4: {  	v3 =	vor.u32 v3, v4  }
0x3a5: {  	v4 =	vperm.xlane v3, v0;
	_ =	sdelay $0x1  }
0x3a6: {  	v4 =	vadd.s32 v1, v4;
	_ =	sdelay $0x1  }
0x3a7: {  	v3 =	vperm.xlane v3, v2;
	_ =	sdelay $0x1  }
0x3a8: {  	s11 =	simm.s32 $0x6080;
	v3 =	vadd.s32 v1, v3  }
0x3a9: {  	[tilespmem:s11], [sflag:$0x1] =	stream.indirect_vreg.gather [hbm4b:s3+s2], $0x80, v4, vm0, $0xb8;
	[tilespmem:$0xC080] =	vst v63  }
0x3aa: {  	s12 =	simm.s32 $0x6880  }
0x3ab: {  	[tilespmem:s12], [sflag:$0x1] =	stream.indirect_vreg.gather [hbm4b:s4+s2], $0x80, v4, vm1, $0xb8;
	[tilespmem:$0xC080] =	vst v63  }
0x3ac: {  	s13 =	simm.s32 $0x6C80  }
0x3ad: {  	[tilespmem:s13], [sflag:$0x1] =	stream.indirect_vreg.gather [hbm4b:s3+s2], $0x80, v3, vm0, $0xb8;
	[tilespmem:$0xC080] =	vst v63  }
0x3ae: {  	s15 =	simm.s32 $0x7480  }
0x3af: {  	[tilespmem:s15], [sflag:$0x1] =	stream.indirect_vreg.gather [hbm4b:s4+s2], $0x80, v3, vm1, $0xb8;
	[tilespmem:$0xC080] =	vst v63  }
0x3b0: {  	v3 =	vld [tilespmem:$0x50];
	_ =	sdelay $0x4  }
0x3b1: {  	v53 =	vshrl.u32 v3, $0x3  }
0x3b2: {  	v4 =	vmul.u32 $0x18, v53  }
0x3b3: {  	v3 =	vand.u32 $0x7, v3  }
0x3b4: {  	v3 =	vor.u32 v3, v4  }
0x3b5: {  	v4 =	vperm.xlane v3, v0;
	_ =	sdelay $0x1  }
0x3b6: {  	v4 =	vadd.s32 v1, v4;
	_ =	sdelay $0x1  }
0x3b7: {  	v3 =	vperm.xlane v3, v2;
	_ =	sdelay $0x1  }
0x3b8: {  	s16 =	simm.s32 $0x7880;
	v3 =	vadd.s32 v1, v3  }
0x3b9: {  	[tilespmem:s16], [sflag:$0x1] =	stream.indirect_vreg.gather [hbm4b:s3+s2], $0x80, v4, vm0, $0xb8;
	[tilespmem:$0xC080] =	vst v63  }
0x3ba: {  	s17 =	simm.s32 $0x8080  }
0x3bb: {  	[tilespmem:s17], [sflag:$0x1] =	stream.indirect_vreg.gather [hbm4b:s4+s2], $0x80, v4, vm1, $0xb8;
	[tilespmem:$0xC080] =	vst v63  }
0x3bc: {  	s18 =	simm.s32 $0x8480  }
0x3bd: {  	[tilespmem:s18], [sflag:$0x1] =	stream.indirect_vreg.gather [hbm4b:s3+s2], $0x80, v3, vm0, $0xb8;
	[tilespmem:$0xC080] =	vst v63  }
0x3be: {  	s18 =	simm.s32 $0x8C80  }
0x3bf: {  	[tilespmem:s18], [sflag:$0x1] =	stream.indirect_vreg.gather [hbm4b:s4+s2], $0x80, v3, vm1, $0xb8;
	[tilespmem:$0xC080] =	vst v63  }
0x3c0: {  	v3 =	vld [tilespmem:$0x60];
	_ =	sdelay $0x4  }
0x3c1: {  	v54 =	vshrl.u32 v3, $0x3  }
0x3c2: {  	v4 =	vmul.u32 $0x18, v54  }
0x3c3: {  	v3 =	vand.u32 $0x7, v3  }
0x3c4: {  	v3 =	vor.u32 v3, v4  }
0x3c5: {  	v4 =	vperm.xlane v3, v0;
	_ =	sdelay $0x1  }
0x3c6: {  	v4 =	vadd.s32 v1, v4;
	_ =	sdelay $0x1  }
0x3c7: {  	v3 =	vperm.xlane v3, v2;
	_ =	sdelay $0x1  }
0x3c8: {  	s0 =	simm.s32 $0x9080;
	v3 =	vadd.s32 v1, v3  }
0x3c9: {  	[tilespmem:s0], [sflag:$0x1] =	stream.indirect_vreg.gather [hbm4b:s3+s2], $0x80, v4, vm0, $0xb8;
	[tilespmem:$0xC080] =	vst v63  }
0x3ca: {  	s1 =	simm.s32 $0x9880  }
0x3cb: {  	[tilespmem:s1], [sflag:$0x1] =	stream.indirect_vreg.gather [hbm4b:s4+s2], $0x80, v4, vm1, $0xb8;
	[tilespmem:$0xC080] =	vst v63  }
0x3cc: {  	s5 =	simm.s32 $0x9C80  }
0x3cd: {  	[tilespmem:s5], [sflag:$0x1] =	stream.indirect_vreg.gather [hbm4b:s3+s2], $0x80, v3, vm0, $0xb8;
	[tilespmem:$0xC080] =	vst v63  }
0x3ce: {  	s30 =	simm.s32 $0xA480  }
0x3cf: {  	[tilespmem:s30], [sflag:$0x1] =	stream.indirect_vreg.gather [hbm4b:s4+s2], $0x80, v3, vm1, $0xb8;
	[tilespmem:$0xC080] =	vst v63  }
0x3d0: {  	v3 =	vld [tilespmem:$0x70];
	_ =	sdelay $0x4  }
0x3d1: {  	v55 =	vshrl.u32 v3, $0x3  }
0x3d2: {  	v4 =	vmul.u32 $0x18, v55  }
0x3d3: {  	v3 =	vand.u32 $0x7, v3  }
0x3d4: {  	v3 =	vor.u32 v3, v4  }
0x3d5: {  	v4 =	vperm.xlane v3, v0;
	_ =	sdelay $0x1  }
0x3d6: {  	v4 =	vadd.s32 v1, v4;
	_ =	sdelay $0x1  }
0x3d7: {  	v3 =	vperm.xlane v3, v2;
	_ =	sdelay $0x1  }
0x3d8: {  	s8 =	simm.s32 $0xA880;
	v3 =	vadd.s32 v1, v3  }
0x3d9: {  	[tilespmem:s8], [sflag:$0x1] =	stream.indirect_vreg.gather [hbm4b:s3+s2], $0x80, v4, vm0, $0xb8;
	[tilespmem:$0xC080] =	vst v63  }
0x3da: {  	s9 =	simm.s32 $0xB080  }
0x3db: {  	[tilespmem:s9], [sflag:$0x1] =	stream.indirect_vreg.gather [hbm4b:s4+s2], $0x80, v4, vm1, $0xb8;
	[tilespmem:$0xC080] =	vst v63  }
0x3dc: {  	s10 =	simm.s32 $0xB480  }
0x3dd: {  	[tilespmem:s10], [sflag:$0x1] =	stream.indirect_vreg.gather [hbm4b:s3+s2], $0x80, v3, vm0, $0xb8;
	[tilespmem:$0xC080] =	vst v63  }
0x3de: {  	s15 =	simm.s32 $0xBC80  }
0x3df: {  	[tilespmem:s15], [sflag:$0x1] =	stream.indirect_vreg.gather [hbm4b:s4+s2], $0x80, v3, vm1, $0xb8;
	[tilespmem:$0xC080] =	vst v63  }
0x3e0: {  	_ =	swait.ge [sflag:s14], $0xC000  }
0x3e1: {  	[sflag:s14] =	ssyncset.done $0x0  }
0x3e2: {  	s15 =	rddreg [dreg:$0xf];
	[sflag:s14] =	ssyncadd.s32 $0xFFFF4000  }
0x3e3: {  	[hbm4b:s15+s2] =	stream.linear.scatter [tilespmem:s7], [sflag:$0x2], $0xC000, $0x38;
	[tilespmem:$0xC080] =	vst v63  }
0x3e4: {  	_ =	swait.ge [sflag:s6], $0xC000  }
0x3e5: {  	[sflag:s6] =	ssyncset.done $0x0  }
0x3e6: {  	s15 =	rddreg [dreg:$0x10];
	[sflag:s6] =	ssyncadd.s32 $0xFFFF4000  }
0x3e7: {  	[tilespmem:s2], [sflag:$0x2] =	stream.linear.gather [hbm4b:s15+s2], $0x80, $0x38;
	[tilespmem:$0xC080] =	vst v63  }
0x3e8: {  	_ =	swait.ge [sflag:s6], $0x80  }
0x3e9: {  	[sflag:s6] =	ssyncset.done $0x0  }
0x3ea: {  	[sflag:s6] =	ssyncadd.s32 $0xFFFFFF80  }
0x3eb: {  	v3 =	vld [tilespmem:$0x0];
	_ =	sdelay $0x4  }
0x3ec: {  	v56 =	vshrl.u32 v3, $0x3  }
0x3ed: {  	v4 =	vmul.u32 $0x18, v56  }
0x3ee: {  	v3 =	vand.u32 $0x7, v3  }
0x3ef: {  	v3 =	vor.u32 v3, v4  }
0x3f0: {  	v4 =	vperm.xlane v3, v0;
	_ =	sdelay $0x1  }
0x3f1: {  	v4 =	vadd.s32 v1, v4;
	_ =	sdelay $0x1  }
0x3f2: {  	v3 =	vperm.xlane v3, v2;
	_ =	sdelay $0x1  }
0x3f3: {  	v3 =	vadd.s32 v1, v3  }
0x3f4: {  	[tilespmem:s7], [sflag:$0x1] =	stream.indirect_vreg.gather [hbm4b:s3+s2], $0x80, v4, vm0, $0xb8;
	[tilespmem:$0xC080] =	vst v63  }
0x3f5: {  	s15 =	simm.s32 $0x880  }
0x3f6: {  	[tilespmem:s15], [sflag:$0x1] =	stream.indirect_vreg.gather [hbm4b:s4+s2], $0x80, v4, vm1, $0xb8;
	[tilespmem:$0xC080] =	vst v63  }
0x3f7: {  	s15 =	simm.s32 $0xC80  }
0x3f8: {  	[tilespmem:s15], [sflag:$0x1] =	stream.indirect_vreg.gather [hbm4b:s3+s2], $0x80, v3, vm0, $0xb8;
	[tilespmem:$0xC080] =	vst v63  }
0x3f9: {  	s19 =	simm.s32 $0x1480  }
0x3fa: {  	[tilespmem:s19], [sflag:$0x1] =	stream.indirect_vreg.gather [hbm4b:s4+s2], $0x80, v3, vm1, $0xb8;
	[tilespmem:$0xC080] =	vst v63  }
0x3fb: {  	v3 =	vld [tilespmem:$0x10];
	_ =	sdelay $0x4  }
0x3fc: {  	v57 =	vshrl.u32 v3, $0x3  }
0x3fd: {  	v4 =	vmul.u32 $0x18, v57  }
0x3fe: {  	v3 =	vand.u32 $0x7, v3  }
0x3ff: {  	v3 =	vor.u32 v3, v4  }
0x400: {  	v4 =	vperm.xlane v3, v0;
	_ =	sdelay $0x1  }
0x401: {  	v4 =	vadd.s32 v1, v4;
	_ =	sdelay $0x1  }
0x402: {  	v3 =	vperm.xlane v3, v2;
	_ =	sdelay $0x1  }
0x403: {  	s19 =	simm.s32 $0x1880;
	v3 =	vadd.s32 v1, v3  }
0x404: {  	[tilespmem:s19], [sflag:$0x1] =	stream.indirect_vreg.gather [hbm4b:s3+s2], $0x80, v4, vm0, $0xb8;
	[tilespmem:$0xC080] =	vst v63  }
0x405: {  	s19 =	simm.s32 $0x2080  }
0x406: {  	[tilespmem:s19], [sflag:$0x1] =	stream.indirect_vreg.gather [hbm4b:s4+s2], $0x80, v4, vm1, $0xb8;
	[tilespmem:$0xC080] =	vst v63  }
0x407: {  	s19 =	simm.s32 $0x2480  }
0x408: {  	[tilespmem:s19], [sflag:$0x1] =	stream.indirect_vreg.gather [hbm4b:s3+s2], $0x80, v3, vm0, $0xb8;
	[tilespmem:$0xC080] =	vst v63  }
0x409: {  	s19 =	simm.s32 $0x2C80  }
0x40a: {  	[tilespmem:s19], [sflag:$0x1] =	stream.indirect_vreg.gather [hbm4b:s4+s2], $0x80, v3, vm1, $0xb8;
	[tilespmem:$0xC080] =	vst v63  }
0x40b: {  	v3 =	vld [tilespmem:$0x20];
	_ =	sdelay $0x4  }
0x40c: {  	v58 =	vshrl.u32 v3, $0x3  }
0x40d: {  	v4 =	vmul.u32 $0x18, v58  }
0x40e: {  	v3 =	vand.u32 $0x7, v3  }
0x40f: {  	v3 =	vor.u32 v3, v4  }
0x410: {  	v4 =	vperm.xlane v3, v0;
	_ =	sdelay $0x1  }
0x411: {  	v4 =	vadd.s32 v1, v4;
	_ =	sdelay $0x1  }
0x412: {  	v3 =	vperm.xlane v3, v2;
	_ =	sdelay $0x1  }
0x413: {  	s20 =	simm.s32 $0x3080;
	v3 =	vadd.s32 v1, v3  }
0x414: {  	[tilespmem:s20], [sflag:$0x1] =	stream.indirect_vreg.gather [hbm4b:s3+s2], $0x80, v4, vm0, $0xb8;
	[tilespmem:$0xC080] =	vst v63  }
0x415: {  	s21 =	simm.s32 $0x3880  }
0x416: {  	[tilespmem:s21], [sflag:$0x1] =	stream.indirect_vreg.gather [hbm4b:s4+s2], $0x80, v4, vm1, $0xb8;
	[tilespmem:$0xC080] =	vst v63  }
0x417: {  	s22 =	simm.s32 $0x3C80  }
0x418: {  	[tilespmem:s22], [sflag:$0x1] =	stream.indirect_vreg.gather [hbm4b:s3+s2], $0x80, v3, vm0, $0xb8;
	[tilespmem:$0xC080] =	vst v63  }
0x419: {  	s23 =	simm.s32 $0x4480  }
0x41a: {  	[tilespmem:s23], [sflag:$0x1] =	stream.indirect_vreg.gather [hbm4b:s4+s2], $0x80, v3, vm1, $0xb8;
	[tilespmem:$0xC080] =	vst v63  }
0x41b: {  	v3 =	vld [tilespmem:$0x30];
	_ =	sdelay $0x4  }
0x41c: {  	v59 =	vshrl.u32 v3, $0x3  }
0x41d: {  	v4 =	vmul.u32 $0x18, v59  }
0x41e: {  	v3 =	vand.u32 $0x7, v3  }
0x41f: {  	v3 =	vor.u32 v3, v4  }
0x420: {  	v4 =	vperm.xlane v3, v0;
	_ =	sdelay $0x1  }
0x421: {  	v4 =	vadd.s32 v1, v4;
	_ =	sdelay $0x1  }
0x422: {  	v3 =	vperm.xlane v3, v2;
	_ =	sdelay $0x1  }
0x423: {  	s24 =	simm.s32 $0x4880;
	v3 =	vadd.s32 v1, v3  }
0x424: {  	[tilespmem:s24], [sflag:$0x1] =	stream.indirect_vreg.gather [hbm4b:s3+s2], $0x80, v4, vm0, $0xb8;
	[tilespmem:$0xC080] =	vst v63  }
0x425: {  	s25 =	simm.s32 $0x5080  }
0x426: {  	[tilespmem:s25], [sflag:$0x1] =	stream.indirect_vreg.gather [hbm4b:s4+s2], $0x80, v4, vm1, $0xb8;
	[tilespmem:$0xC080] =	vst v63  }
0x427: {  	s26 =	simm.s32 $0x5480  }
0x428: {  	[tilespmem:s26], [sflag:$0x1] =	stream.indirect_vreg.gather [hbm4b:s3+s2], $0x80, v3, vm0, $0xb8;
	[tilespmem:$0xC080] =	vst v63  }
0x429: {  	s29 =	simm.s32 $0x5C80  }
0x42a: {  	[tilespmem:s29], [sflag:$0x1] =	stream.indirect_vreg.gather [hbm4b:s4+s2], $0x80, v3, vm1, $0xb8;
	[tilespmem:$0xC080] =	vst v63  }
0x42b: {  	v3 =	vld [tilespmem:$0x40];
	_ =	sdelay $0x4  }
0x42c: {  	v60 =	vshrl.u32 v3, $0x3  }
0x42d: {  	v4 =	vmul.u32 $0x18, v60  }
0x42e: {  	v3 =	vand.u32 $0x7, v3  }
0x42f: {  	v3 =	vor.u32 v3, v4  }
0x430: {  	v4 =	vperm.xlane v3, v0;
	_ =	sdelay $0x1  }
0x431: {  	v4 =	vadd.s32 v1, v4;
	_ =	sdelay $0x1  }
0x432: {  	v3 =	vperm.xlane v3, v2;
	_ =	sdelay $0x1  }
0x433: {  	s28 =	simm.s32 $0x6080;
	v3 =	vadd.s32 v1, v3  }
0x434: {  	[tilespmem:s28], [sflag:$0x1] =	stream.indirect_vreg.gather [hbm4b:s3+s2], $0x80, v4, vm0, $0xb8;
	[tilespmem:$0xC080] =	vst v63  }
0x435: {  	s11 =	simm.s32 $0x6880  }
0x436: {  	[tilespmem:s11], [sflag:$0x1] =	stream.indirect_vreg.gather [hbm4b:s4+s2], $0x80, v4, vm1, $0xb8;
	[tilespmem:$0xC080] =	vst v63  }
0x437: {  	s12 =	simm.s32 $0x6C80  }
0x438: {  	[tilespmem:s12], [sflag:$0x1] =	stream.indirect_vreg.gather [hbm4b:s3+s2], $0x80, v3, vm0, $0xb8;
	[tilespmem:$0xC080] =	vst v63  }
0x439: {  	s31 =	simm.s32 $0x7480  }
0x43a: {  	[tilespmem:s31], [sflag:$0x1] =	stream.indirect_vreg.gather [hbm4b:s4+s2], $0x80, v3, vm1, $0xb8;
	[tilespmem:$0xC080] =	vst v63  }
0x43b: {  	v3 =	vld [tilespmem:$0x50];
	_ =	sdelay $0x4  }
0x43c: {  	v61 =	vshrl.u32 v3, $0x3  }
0x43d: {  	v4 =	vmul.u32 $0x18, v61  }
0x43e: {  	v3 =	vand.u32 $0x7, v3  }
0x43f: {  	v3 =	vor.u32 v3, v4  }
0x440: {  	v4 =	vperm.xlane v3, v0;
	_ =	sdelay $0x1  }
0x441: {  	v4 =	vadd.s32 v1, v4;
	_ =	sdelay $0x1  }
0x442: {  	v3 =	vperm.xlane v3, v2;
	_ =	sdelay $0x1  }
0x443: {  	s13 =	simm.s32 $0x7880;
	v3 =	vadd.s32 v1, v3  }
0x444: {  	[tilespmem:s13], [sflag:$0x1] =	stream.indirect_vreg.gather [hbm4b:s3+s2], $0x80, v4, vm0, $0xb8;
	[tilespmem:$0xC080] =	vst v63  }
0x445: {  	s16 =	simm.s32 $0x8080  }
0x446: {  	[tilespmem:s16], [sflag:$0x1] =	stream.indirect_vreg.gather [hbm4b:s4+s2], $0x80, v4, vm1, $0xb8;
	[tilespmem:$0xC080] =	vst v63  }
0x447: {  	s17 =	simm.s32 $0x8480  }
0x448: {  	[tilespmem:s17], [sflag:$0x1] =	stream.indirect_vreg.gather [hbm4b:s3+s2], $0x80, v3, vm0, $0xb8;
	[tilespmem:$0xC080] =	vst v63  }
0x449: {  	s28 =	simm.s32 $0x8C80  }
0x44a: {  	[tilespmem:s28], [sflag:$0x1] =	stream.indirect_vreg.gather [hbm4b:s4+s2], $0x80, v3, vm1, $0xb8;
	[tilespmem:$0xC080] =	vst v63  }
0x44b: {  	v3 =	vld [tilespmem:$0x60];
	_ =	sdelay $0x4  }
0x44c: {  	v62 =	vshrl.u32 v3, $0x3  }
0x44d: {  	v4 =	vmul.u32 $0x18, v62  }
0x44e: {  	v3 =	vand.u32 $0x7, v3  }
0x44f: {  	v3 =	vor.u32 v3, v4  }
0x450: {  	v4 =	vperm.xlane v3, v0;
	_ =	sdelay $0x1  }
0x451: {  	v4 =	vadd.s32 v1, v4;
	_ =	sdelay $0x1  }
0x452: {  	v3 =	vperm.xlane v3, v2;
	_ =	sdelay $0x1  }
0x453: {  	s18 =	simm.s32 $0x9080;
	v3 =	vadd.s32 v1, v3  }
0x454: {  	[tilespmem:s18], [sflag:$0x1] =	stream.indirect_vreg.gather [hbm4b:s3+s2], $0x80, v4, vm0, $0xb8;
	[tilespmem:$0xC080] =	vst v63  }
0x455: {  	s0 =	simm.s32 $0x9880  }
0x456: {  	[tilespmem:s0], [sflag:$0x1] =	stream.indirect_vreg.gather [hbm4b:s4+s2], $0x80, v4, vm1, $0xb8;
	[tilespmem:$0xC080] =	vst v63  }
0x457: {  	s1 =	simm.s32 $0x9C80  }
0x458: {  	[tilespmem:s1], [sflag:$0x1] =	stream.indirect_vreg.gather [hbm4b:s3+s2], $0x80, v3, vm0, $0xb8;
	[tilespmem:$0xC080] =	vst v63  }
0x459: {  	s30 =	simm.s32 $0xA480  }
0x45a: {  	[tilespmem:s30], [sflag:$0x1] =	stream.indirect_vreg.gather [hbm4b:s4+s2], $0x80, v3, vm1, $0xb8;
	[tilespmem:$0xC080] =	vst v63  }
0x45b: {  	v3 =	vld [tilespmem:$0x70];
	_ =	sdelay $0x4  }
0x45c: {  	v63 =	vshrl.u32 v3, $0x3  }
0x45d: {  	v4 =	vmul.u32 $0x18, v63  }
0x45e: {  	v3 =	vand.u32 $0x7, v3  }
0x45f: {  	v3 =	vor.u32 v3, v4  }
0x460: {  	v4 =	vperm.xlane v3, v0;
	_ =	sdelay $0x1  }
0x461: {  	v4 =	vadd.s32 v1, v4;
	_ =	sdelay $0x1  }
0x462: {  	v3 =	vperm.xlane v3, v2;
	_ =	sdelay $0x1  }
0x463: {  	s5 =	simm.s32 $0xA880;
	v3 =	vadd.s32 v1, v3  }
0x464: {  	[tilespmem:s5], [sflag:$0x1] =	stream.indirect_vreg.gather [hbm4b:s3+s2], $0x80, v4, vm0, $0xb8;
	[tilespmem:$0xC080] =	vst v63  }
0x465: {  	s8 =	simm.s32 $0xB080  }
0x466: {  	[tilespmem:s8], [sflag:$0x1] =	stream.indirect_vreg.gather [hbm4b:s4+s2], $0x80, v4, vm1, $0xb8;
	[tilespmem:$0xC080] =	vst v63  }
0x467: {  	s9 =	simm.s32 $0xB480  }
0x468: {  	[tilespmem:s9], [sflag:$0x1] =	stream.indirect_vreg.gather [hbm4b:s3+s2], $0x80, v3, vm0, $0xb8;
	[tilespmem:$0xC080] =	vst v63  }
0x469: {  	s10 =	simm.s32 $0xBC80  }
0x46a: {  	[tilespmem:s10], [sflag:$0x1] =	stream.indirect_vreg.gather [hbm4b:s4+s2], $0x80, v3, vm1, $0xb8;
	[tilespmem:$0xC080] =	vst v63  }
0x46b: {  	s29 =	rddreg [dreg:$0x12];
	_ =	swait.ge [sflag:s14], $0xC000  }
0x46c: {  	p0 =	sne.s32 s29, $0x1;
	[sflag:s14] =	ssyncset.done $0x0  }
.Ltmp0:
0x46d: {  	s31 =	rddreg [dreg:$0x11];
	[sflag:s14] =	ssyncadd.s32 $0xFFFF4000;
	(pc) =	sbr.rel @p0 .LBB2_1-.Ltmp0, $4  }
0x46e: {  	[hbm4b:s31+s2] =	stream.linear.scatter [tilespmem:s7], [sflag:$0x2], $0xC000, $0x38;
	[tilespmem:$0xC080] =	vst v63  }
0x46f: {  	_ =	swait.ge [sflag:s6], $0xC000  }
0x470: {  	[sflag:s6] =	ssyncset.done $0x0  }
0x471: {  	s0 =	sadd.s32 $0xFFFFFFFF, s29;
	[sflag:s6] =	ssyncadd.s32 $0xFFFF4000  }
0x472: {  	_ =	sfence.sel $0x180000  }
0x473: {  	[bflag:$0x0] =	sbarrier.arrive $0xFFFF  }
0x474: {  	_ =	strace $0x90000047  }
0x475: {  	s0 =	stileid.u32;
	[bflag:$0x2] =	sbarrier.arrive $0xFFFF  }
0x476: {  	p0 =	sne.s32 s0, $0x0;
	s0 =	rddreg [dreg:$0x1]  }
0x477: {  	s0 =	sadd.s32 @!p0 $0x100000, s0  }
0x478: {  	[sflag:s0] =	ssyncadd.tile.s32 @!p0 $0x1;
	_ =	shalt  }
.Lfunc_end2:
_tile_overlayer_lowered:
.L_overlay_start_2:
0x479: {  	(tag) =	ssettag $0x2  }
0x47a: {  	s0 =	rddreg [dreg:$0x0];
	s2 =	stileid.u32  }
0x47b: {  	s1 =	rddreg [dreg:$0x1];
	p0 =	sne.s32 s2, $0x0  }
0x47c: {  	s3 =	rddreg [dreg:$0x2];
	[bflag:$0x3] =	sbarrier.arrive $0xFFFF;
	s2 =	simm.s32 @!p0 $0x1C02  }
0x47d: {  	[timem:s3], [sflag:s2] =	dma.local @!p0 [hbm:s0], s1  }
0x47e: {  	s0 =	simm.s32 @!p0 $0x2  }
0x47f: {  	_ =	swait.ge @!p0 [sflag:s0], s1  }
0x480: {  	s1 =	ssub.s32 @!p0 $0x0, s1;
	[sflag:s0] =	ssyncset.done @!p0 $0x0  }
0x481: {  	[sflag:s0] =	ssyncadd.s32 @!p0 s1  }
0x482: {  	[bflag:$0x3] =	sbarrier.arrive $0xFFFF  }
0x483: {  	_ =	shalt  }

</sc_bundles>
